<compile_context>
chip_gen: v7x
topology: tpu7x:2x2x1
jax: 0.10.2.dev20260603
libtpu: 0.0.44.dev20260713+nightly
codegen_flags: <defaults>
</compile_context>

<pallas_src>
import jax
import jax.numpy as jnp
from jax import lax
from jax.experimental import pallas as pl
from jax.experimental.pallas import tpu as pltpu
from jax.experimental.pallas import tpu_sc as plsc

_FIELD0 = 1000000
_EMBED = 32
_BATCH = 16384
_NC = 2
_NS = 16
_NW = _NC * _NS
_BPW = _BATCH // _NW
_CHUNK = 256
_NCH = _BPW // _CHUNK


def _gmf_body(x_hbm, table_hbm, wb_hbm, out_hbm,
              xv, urows_v, itrows_v, out_v, wb_v, sem):
    wid = lax.axis_index("s") * _NC + lax.axis_index("c")
    base = wid * _BPW

    pltpu.sync_copy(x_hbm.at[pl.ds(2 * base, 2 * _BPW)], xv)
    pltpu.sync_copy(wb_hbm, wb_v)

    lanes = lax.iota(jnp.int32, 16)
    w0 = wb_v[pl.ds(0, 16)]
    w1 = wb_v[pl.ds(16, 16)]
    bvec = jnp.full((16,), wb_v[pl.ds(24, 16)][8], jnp.float32)

    for ch in range(_NCH):
        def enq(g, _):
            r0 = ch * _CHUNK + g * 16
            uvals = plsc.load_gather(xv, [(r0 + lanes) * 2])
            itvals = plsc.load_gather(xv, [(r0 + lanes) * 2 + 1]) + _FIELD0
            for k in range(16):
                dst = urows_v.at[pl.ds(g * 16 + k, 1)]
                pltpu.async_copy(table_hbm.at[pl.ds(uvals[k], 1)], dst, sem)
                dst = itrows_v.at[pl.ds(g * 16 + k, 1)]
                pltpu.async_copy(table_hbm.at[pl.ds(itvals[k], 1)], dst, sem)
            return 0

        lax.fori_loop(0, _CHUNK // 16, enq, 0)
        pltpu.make_async_copy(table_hbm.at[pl.ds(0, _CHUNK)], urows_v, sem).wait()
        pltpu.make_async_copy(table_hbm.at[pl.ds(0, _CHUNK)], itrows_v, sem).wait()

        def comp(blk, _):
            i0 = blk * 16
            res = jnp.zeros((16,), jnp.float32)
            for r in range(16):
                i = i0 + r
                u0 = urows_v[i, pl.ds(0, 16)]
                u1 = urows_v[i, pl.ds(16, 16)]
                t0 = itrows_v[i, pl.ds(0, 16)]
                t1 = itrows_v[i, pl.ds(16, 16)]
                s = u0 * t0 * w0 + u1 * t1 * w1
                res = jnp.where(lanes == r, jnp.sum(s), res)
            out_v[pl.ds(ch * _CHUNK + i0, 16)] = jnp.maximum(res + bvec, 0.0)
            return 0

        lax.fori_loop(0, _CHUNK // 16, comp, 0)

    pltpu.sync_copy(out_v, out_hbm.at[pl.ds(base, _BPW)])


@jax.jit
def kernel(x, table, W, b):
    x1 = x.reshape(-1)
    wb = jnp.concatenate([W.reshape(-1), b, jnp.zeros((7,), jnp.float32)])

    mesh = plsc.VectorSubcoreMesh(core_axis_name="c", subcore_axis_name="s")
    run = pl.kernel(
        _gmf_body,
        mesh=mesh,
        compiler_params=pltpu.CompilerParams(
            needs_layout_passes=False, use_tc_tiling_on_sc=True),
        out_type=jax.ShapeDtypeStruct((_BATCH,), jnp.float32),
        scratch_types=[
            pltpu.VMEM((2 * _BPW,), jnp.int32),
            pltpu.VMEM((_CHUNK, _EMBED), jnp.float32),
            pltpu.VMEM((_CHUNK, _EMBED), jnp.float32),
            pltpu.VMEM((_BPW,), jnp.float32),
            pltpu.VMEM((40,), jnp.float32),
            pltpu.SemaphoreType.DMA,
        ],
    )
    y = run(x1, table, wb)
    return y.reshape(_BATCH, 1)

# --- scband reference (transcript-rebuilt; emitter-appended) ---
"""Pipeline reference for scband-gmfmodel-43636867727470 (READ-ONLY COPY).

The authoritative reference and input builder live on the scoring server;
editing this copy changes nothing except your own understanding.
"""

import jax, jax.numpy as jnp
import numpy as np

FIELD_DIMS = [1000000, 1000000]
EMBED_DIM = 32
BATCH = 16384


def setup_inputs(seed: int = 0) -> dict:
    key = jax.random.key(seed)
    k1, k2, k3, k4 = jax.random.split(key, 4)
    # forward input: one index per field, each in [0, field_dim)
    x = jax.random.randint(k1, (BATCH, 2), 0, FIELD_DIMS[0], dtype=jnp.int32)
    # learned params: shared embedding table over summed field dims (pytorch-fm style)
    table = (jax.random.normal(k2, (sum(FIELD_DIMS), EMBED_DIM), dtype=jnp.float32) * 0.01)
    # MultilayerPerceptrons(input_dim=embed_dim, output_layer='relu') -> Linear(embed_dim, 1) + ReLU
    W = jax.random.normal(k3, (EMBED_DIM, 1), dtype=jnp.float32) * (1.0 / np.sqrt(EMBED_DIM))
    b = jax.random.normal(k4, (1,), dtype=jnp.float32) * 0.01
    return {"x": x, "table": table, "W": W, "b": b}


def reference(x, table, W, b):
    # FeaturesEmbedding: add per-field offsets into the shared table, then gather
    offsets = jnp.array([0, FIELD_DIMS[0]], dtype=x.dtype)
    idx = x + offsets[None, :]                      # [B, 2]
    x_embed = jnp.take(table, idx, axis=0)          # [B, 2, D] (SparseCore gather)
    user_embed = x_embed[:, 0]                      # [B, D]
    item_embed = x_embed[:, 1]                      # [B, D]
    product = user_embed * item_embed               # element-wise product (GMF)
    y = jax.nn.relu(product @ W + b)                # output layer with relu
    return y

if __name__ == "__main__":
    import jax
    _d = setup_inputs()
    print(jax.jit(kernel)(*tuple(_d.values())))

</pallas_src>

<mosaic_0001>
#map = affine_map<(d0, d1) -> (0)>
#map1 = affine_map<(d0, d1) -> (0, 0)>
module attributes {stable_mosaic.version = 14 : i64} {
  func.func @_gmf_body(%arg0: i32, %arg1: i32, %arg2: memref<32768xi32, #tpu.memory_space<hbm>>, %arg3: memref<2000000x32xf32, #tpu.memory_space<hbm>>, %arg4: memref<40xf32, #tpu.memory_space<hbm>>, %arg5: memref<16384xf32, #tpu.memory_space<hbm>>, %arg6: memref<1024xi32, #tpu.memory_space<vmem>>, %arg7: memref<256x32xf32, #tpu.memory_space<vmem>>, %arg8: memref<256x32xf32, #tpu.memory_space<vmem>>, %arg9: memref<512xf32, #tpu.memory_space<vmem>>, %arg10: memref<40xf32, #tpu.memory_space<vmem>>, %arg11: memref<!tpu.dma_semaphore, #tpu.memory_space<semaphore_mem>>) attributes {dimension_semantics = [#tpu.dimension_semantics<core_parallel>, #tpu.dimension_semantics<subcore_parallel>], iteration_bounds = array<i64: 2, 16>, scalar_prefetch = 0 : i64, scratch_operands = 6 : i64, tpu.core_type = #tpu.core_type<sc_vector_subcore>, window_params = [{transform_indices = #map}, {transform_indices = #map1}, {transform_indices = #map}, {transform_indices = #map}]} {
    %mul3A = arith.constant 2 : i32
    %mul3A_0 = arith.muli %arg1, %mul3A : i32
    %add3A = arith.addi %mul3A_0, %arg0 : i32
    %mul3A_1 = arith.constant 512 : i32
    %mul3A_2 = arith.muli %add3A, %mul3A_1 : i32
    %mul3A_3 = arith.constant 2 : i32
    %mul3A_4 = arith.muli %mul3A_3, %mul3A_2 : i32
    "tpu.region"() ({
      %run_scoped3A = tpu.sem_alloc : memref<!tpu.dma_semaphore, #tpu.memory_space<semaphore_mem>>
      %dma_start3A = tpu.memref_slice %arg2[%mul3A_4] : memref<32768xi32, #tpu.memory_space<hbm>> -> memref<1024xi32, #tpu.memory_space<hbm>>
      %dma_start3A_60 = tpu.memref_slice %arg2[%mul3A_4] : memref<32768xi32, #tpu.memory_space<hbm>> -> memref<1024xi32, #tpu.memory_space<hbm>>
      tpu.enqueue_dma source(%dma_start3A_60 : memref<1024xi32, #tpu.memory_space<hbm>>) target(%arg6 : memref<1024xi32, #tpu.memory_space<vmem>>) target_semaphore(%run_scoped3A : memref<!tpu.dma_semaphore, #tpu.memory_space<semaphore_mem>>)
      %dma_wait3A_61 = tpu.memref_slice %arg2[%mul3A_4] : memref<32768xi32, #tpu.memory_space<hbm>> -> memref<1024xi32, #tpu.memory_space<hbm>>
      %dma_wait3A_62 = tpu.memref_slice %arg2[%mul3A_4] : memref<32768xi32, #tpu.memory_space<hbm>> -> memref<1024xi32, #tpu.memory_space<hbm>>
      tpu.wait_dma2 semaphore(%run_scoped3A : memref<!tpu.dma_semaphore, #tpu.memory_space<semaphore_mem>>) src(%dma_wait3A_62 : memref<1024xi32, #tpu.memory_space<hbm>>) dst(%arg6 : memref<1024xi32, #tpu.memory_space<vmem>>)
      tpu.yield
    }) : () -> ()
    "tpu.region"() ({
      %run_scoped3A = tpu.sem_alloc : memref<!tpu.dma_semaphore, #tpu.memory_space<semaphore_mem>>
      tpu.enqueue_dma source(%arg4 : memref<40xf32, #tpu.memory_space<hbm>>) target(%arg10 : memref<40xf32, #tpu.memory_space<vmem>>) target_semaphore(%run_scoped3A : memref<!tpu.dma_semaphore, #tpu.memory_space<semaphore_mem>>)
      tpu.wait_dma2 semaphore(%run_scoped3A : memref<!tpu.dma_semaphore, #tpu.memory_space<semaphore_mem>>) src(%arg4 : memref<40xf32, #tpu.memory_space<hbm>>) dst(%arg10 : memref<40xf32, #tpu.memory_space<vmem>>)
      tpu.yield
    }) : () -> ()
    %iota3A = tpu.iota {dimensions = array<i32: 0>} : vector<16xi32>
    %get3A = arith.constant 0 : index
    %get3A_5 = tpu.vector_load %arg10[%get3A] {strides = array<i32>} : memref<40xf32, #tpu.memory_space<vmem>>, vector<16xf32>,
    %get3A_6 = arith.constant 16 : index
    %get3A_7 = tpu.vector_load %arg10[%get3A_6] {strides = array<i32>} : memref<40xf32, #tpu.memory_space<vmem>>, vector<16xf32>,
    %get3A_8 = arith.constant 24 : index
    %get3A_9 = tpu.vector_load %arg10[%get3A_8] {strides = array<i32>} : memref<40xf32, #tpu.memory_space<vmem>>, vector<16xf32>,
    %slice3A = vector.extract_strided_slice %get3A_9 {offsets = [8], sizes = [1], strides = [1]} : vector<16xf32> to vector<1xf32>
    %squeeze3A = vector.extract %slice3A[0] : f32 from vector<1xf32>
    %broadcast_in_dim3A = vector.broadcast %squeeze3A : f32 to vector<16xf32>
    %scan3A = arith.constant 0 : i32
    %scan3A_10 = arith.constant 0 : i32
    %scan3A_11 = arith.constant 16 : i32
    %scan3A_12 = arith.addi %scan3A_10, %scan3A_11 : i32
    %scan3A_13 = arith.constant 1 : i32
    %scan3A_14 = scf.for %scan3A_60 = %scan3A_10 to %scan3A_12 step %scan3A_13 iter_args(%scan3A_61 = %scan3A) -> (i32)  : i32 {
      %mul3A_62 = arith.constant 16 : i32
      %mul3A_63 = arith.muli %scan3A_60, %mul3A_62 : i32
      %add3A_64 = arith.constant 0 : i32
      %add3A_65 = arith.addi %add3A_64, %mul3A_63 : i32
      %add3A_66 = vector.broadcast %add3A_65 : i32 to vector<16xi32>
      %add3A_67 = arith.addi %add3A_66, %iota3A : vector<16xi32>
      %mul3A_68 = arith.constant 2 : i32
      %mul3A_69 = vector.broadcast %mul3A_68 : i32 to vector<16xi32>
      %mul3A_70 = arith.muli %add3A_67, %mul3A_69 : vector<16xi32>
      %gather3A = tpu.vector_load_idx %arg6[%mul3A_70] : memref<1024xi32, #tpu.memory_space<vmem>>[vector<16xi32>], vector<16xi32>,
      %add3A_71 = vector.broadcast %add3A_65 : i32 to vector<16xi32>
      %add3A_72 = arith.addi %add3A_71, %iota3A : vector<16xi32>
      %mul3A_73 = arith.constant 2 : i32
      %mul3A_74 = vector.broadcast %mul3A_73 : i32 to vector<16xi32>
      %mul3A_75 = arith.muli %add3A_72, %mul3A_74 : vector<16xi32>
      %add3A_76 = arith.constant 1 : i32
      %add3A_77 = vector.broadcast %add3A_76 : i32 to vector<16xi32>
      %add3A_78 = arith.addi %mul3A_75, %add3A_77 : vector<16xi32>
      %gather3A_79 = tpu.vector_load_idx %arg6[%add3A_78] : memref<1024xi32, #tpu.memory_space<vmem>>[vector<16xi32>], vector<16xi32>,
      %add3A_80 = arith.constant 1000000 : i32
      %add3A_81 = vector.broadcast %add3A_80 : i32 to vector<16xi32>
      %add3A_82 = arith.addi %gather3A_79, %add3A_81 : vector<16xi32>
      %mul3A_83 = arith.constant 16 : i32
      %mul3A_84 = arith.muli %scan3A_60, %mul3A_83 : i32
      %add3A_85 = arith.constant 0 : i32
      %add3A_86 = arith.addi %mul3A_84, %add3A_85 : i32
      %slice3A_87 = vector.extract_strided_slice %gather3A {offsets = [0], sizes = [1], strides = [1]} : vector<16xi32> to vector<1xi32>
      %squeeze3A_88 = vector.extract %slice3A_87[0] : i32 from vector<1xi32>
      %dma_start3A = arith.constant 0 : i32
      %dma_start3A_89 = tpu.memref_slice %arg7[%add3A_86, %dma_start3A] : memref<256x32xf32, #tpu.memory_space<vmem>> -> memref<1x32xf32, #tpu.memory_space<vmem>>
      %dma_start3A_90 = arith.constant 0 : i32
      %dma_start3A_91 = tpu.memref_slice %arg3[%squeeze3A_88, %dma_start3A_90] : memref<2000000x32xf32, #tpu.memory_space<hbm>> -> memref<1x32xf32, #tpu.memory_space<hbm>>
      %dma_start3A_92 = arith.constant 0 : i32
      %dma_start3A_93 = tpu.memref_slice %arg7[%add3A_86, %dma_start3A_92] : memref<256x32xf32, #tpu.memory_space<vmem>> -> memref<1x32xf32, #tpu.memory_space<vmem>>
      %dma_start3A_94 = arith.constant 0 : i32
      %dma_start3A_95 = tpu.memref_slice %arg3[%squeeze3A_88, %dma_start3A_94] : memref<2000000x32xf32, #tpu.memory_space<hbm>> -> memref<1x32xf32, #tpu.memory_space<hbm>>
      tpu.enqueue_dma source(%dma_start3A_95 : memref<1x32xf32, #tpu.memory_space<hbm>>) target(%dma_start3A_93 : memref<1x32xf32, #tpu.memory_space<vmem>>) target_semaphore(%arg11 : memref<!tpu.dma_semaphore, #tpu.memory_space<semaphore_mem>>)
      %mul3A_96 = arith.constant 16 : i32
      %mul3A_97 = arith.muli %scan3A_60, %mul3A_96 : i32
      %add3A_98 = arith.constant 0 : i32
      %add3A_99 = arith.addi %mul3A_97, %add3A_98 : i32
      %slice3A_100 = vector.extract_strided_slice %add3A_82 {offsets = [0], sizes = [1], strides = [1]} : vector<16xi32> to vector<1xi32>
      %squeeze3A_101 = vector.extract %slice3A_100[0] : i32 from vector<1xi32>
      %dma_start3A_102 = arith.constant 0 : i32
      %dma_start3A_103 = tpu.memref_slice %arg8[%add3A_99, %dma_start3A_102] : memref<256x32xf32, #tpu.memory_space<vmem>> -> memref<1x32xf32, #tpu.memory_space<vmem>>
      %dma_start3A_104 = arith.constant 0 : i32
      %dma_start3A_105 = tpu.memref_slice %arg3[%squeeze3A_101, %dma_start3A_104] : memref<2000000x32xf32, #tpu.memory_space<hbm>> -> memref<1x32xf32, #tpu.memory_space<hbm>>
      %dma_start3A_106 = arith.constant 0 : i32
      %dma_start3A_107 = tpu.memref_slice %arg8[%add3A_99, %dma_start3A_106] : memref<256x32xf32, #tpu.memory_space<vmem>> -> memref<1x32xf32, #tpu.memory_space<vmem>>
      %dma_start3A_108 = arith.constant 0 : i32
      %dma_start3A_109 = tpu.memref_slice %arg3[%squeeze3A_101, %dma_start3A_108] : memref<2000000x32xf32, #tpu.memory_space<hbm>> -> memref<1x32xf32, #tpu.memory_space<hbm>>
      tpu.enqueue_dma source(%dma_start3A_109 : memref<1x32xf32, #tpu.memory_space<hbm>>) target(%dma_start3A_107 : memref<1x32xf32, #tpu.memory_space<vmem>>) target_semaphore(%arg11 : memref<!tpu.dma_semaphore, #tpu.memory_space<semaphore_mem>>)
      %mul3A_110 = arith.constant 16 : i32
      %mul3A_111 = arith.muli %scan3A_60, %mul3A_110 : i32
      %add3A_112 = arith.constant 1 : i32
      %add3A_113 = arith.addi %mul3A_111, %add3A_112 : i32
      %slice3A_114 = vector.extract_strided_slice %gather3A {offsets = [1], sizes = [1], strides = [1]} : vector<16xi32> to vector<1xi32>
      %squeeze3A_115 = vector.extract %slice3A_114[0] : i32 from vector<1xi32>
      %dma_start3A_116 = arith.constant 0 : i32
      %dma_start3A_117 = tpu.memref_slice %arg7[%add3A_113, %dma_start3A_116] : memref<256x32xf32, #tpu.memory_space<vmem>> -> memref<1x32xf32, #tpu.memory_space<vmem>>
      %dma_start3A_118 = arith.constant 0 : i32
      %dma_start3A_119 = tpu.memref_slice %arg3[%squeeze3A_115, %dma_start3A_118] : memref<2000000x32xf32, #tpu.memory_space<hbm>> -> memref<1x32xf32, #tpu.memory_space<hbm>>
      %dma_start3A_120 = arith.constant 0 : i32
      %dma_start3A_121 = tpu.memref_slice %arg7[%add3A_113, %dma_start3A_120] : memref<256x32xf32, #tpu.memory_space<vmem>> -> memref<1x32xf32, #tpu.memory_space<vmem>>
      %dma_start3A_122 = arith.constant 0 : i32
      %dma_start3A_123 = tpu.memref_slice %arg3[%squeeze3A_115, %dma_start3A_122] : memref<2000000x32xf32, #tpu.memory_space<hbm>> -> memref<1x32xf32, #tpu.memory_space<hbm>>
      tpu.enqueue_dma source(%dma_start3A_123 : memref<1x32xf32, #tpu.memory_space<hbm>>) target(%dma_start3A_121 : memref<1x32xf32, #tpu.memory_space<vmem>>) target_semaphore(%arg11 : memref<!tpu.dma_semaphore, #tpu.memory_space<semaphore_mem>>)
      %mul3A_124 = arith.constant 16 : i32
      %mul3A_125 = arith.muli %scan3A_60, %mul3A_124 : i32
      %add3A_126 = arith.constant 1 : i32
      %add3A_127 = arith.addi %mul3A_125, %add3A_126 : i32
      %slice3A_128 = vector.extract_strided_slice %add3A_82 {offsets = [1], sizes = [1], strides = [1]} : vector<16xi32> to vector<1xi32>
      %squeeze3A_129 = vector.extract %slice3A_128[0] : i32 from vector<1xi32>
      %dma_start3A_130 = arith.constant 0 : i32
      %dma_start3A_131 = tpu.memref_slice %arg8[%add3A_127, %dma_start3A_130] : memref<256x32xf32, #tpu.memory_space<vmem>> -> memref<1x32xf32, #tpu.memory_space<vmem>>
      %dma_start3A_132 = arith.constant 0 : i32
      %dma_start3A_133 = tpu.memref_slice %arg3[%squeeze3A_129, %dma_start3A_132] : memref<2000000x32xf32, #tpu.memory_space<hbm>> -> memref<1x32xf32, #tpu.memory_space<hbm>>
      %dma_start3A_134 = arith.constant 0 : i32
      %dma_start3A_135 = tpu.memref_slice %arg8[%add3A_127, %dma_start3A_134] : memref<256x32xf32, #tpu.memory_space<vmem>> -> memref<1x32xf32, #tpu.memory_space<vmem>>
      %dma_start3A_136 = arith.constant 0 : i32
      %dma_start3A_137 = tpu.memref_slice %arg3[%squeeze3A_129, %dma_start3A_136] : memref<2000000x32xf32, #tpu.memory_space<hbm>> -> memref<1x32xf32, #tpu.memory_space<hbm>>
      tpu.enqueue_dma source(%dma_start3A_137 : memref<1x32xf32, #tpu.memory_space<hbm>>) target(%dma_start3A_135 : memref<1x32xf32, #tpu.memory_space<vmem>>) target_semaphore(%arg11 : memref<!tpu.dma_semaphore, #tpu.memory_space<semaphore_mem>>)
      %mul3A_138 = arith.constant 16 : i32
      %mul3A_139 = arith.muli %scan3A_60, %mul3A_138 : i32
      %add3A_140 = arith.constant 2 : i32
      %add3A_141 = arith.addi %mul3A_139, %add3A_140 : i32
      %slice3A_142 = vector.extract_strided_slice %gather3A {offsets = [2], sizes = [1], strides = [1]} : vector<16xi32> to vector<1xi32>
      %squeeze3A_143 = vector.extract %slice3A_142[0] : i32 from vector<1xi32>
      %dma_start3A_144 = arith.constant 0 : i32
      %dma_start3A_145 = tpu.memref_slice %arg7[%add3A_141, %dma_start3A_144] : memref<256x32xf32, #tpu.memory_space<vmem>> -> memref<1x32xf32, #tpu.memory_space<vmem>>
      %dma_start3A_146 = arith.constant 0 : i32
      %dma_start3A_147 = tpu.memref_slice %arg3[%squeeze3A_143, %dma_start3A_146] : memref<2000000x32xf32, #tpu.memory_space<hbm>> -> memref<1x32xf32, #tpu.memory_space<hbm>>
      %dma_start3A_148 = arith.constant 0 : i32
      %dma_start3A_149 = tpu.memref_slice %arg7[%add3A_141, %dma_start3A_148] : memref<256x32xf32, #tpu.memory_space<vmem>> -> memref<1x32xf32, #tpu.memory_space<vmem>>
      %dma_start3A_150 = arith.constant 0 : i32
      %dma_start3A_151 = tpu.memref_slice %arg3[%squeeze3A_143, %dma_start3A_150] : memref<2000000x32xf32, #tpu.memory_space<hbm>> -> memref<1x32xf32, #tpu.memory_space<hbm>>
      tpu.enqueue_dma source(%dma_start3A_151 : memref<1x32xf32, #tpu.memory_space<hbm>>) target(%dma_start3A_149 : memref<1x32xf32, #tpu.memory_space<vmem>>) target_semaphore(%arg11 : memref<!tpu.dma_semaphore, #tpu.memory_space<semaphore_mem>>)
      %mul3A_152 = arith.constant 16 : i32
      %mul3A_153 = arith.muli %scan3A_60, %mul3A_152 : i32
      %add3A_154 = arith.constant 2 : i32
      %add3A_155 = arith.addi %mul3A_153, %add3A_154 : i32
      %slice3A_156 = vector.extract_strided_slice %add3A_82 {offsets = [2], sizes = [1], strides = [1]} : vector<16xi32> to vector<1xi32>
      %squeeze3A_157 = vector.extract %slice3A_156[0] : i32 from vector<1xi32>
      %dma_start3A_158 = arith.constant 0 : i32
      %dma_start3A_159 = tpu.memref_slice %arg8[%add3A_155, %dma_start3A_158] : memref<256x32xf32, #tpu.memory_space<vmem>> -> memref<1x32xf32, #tpu.memory_space<vmem>>
      %dma_start3A_160 = arith.constant 0 : i32
      %dma_start3A_161 = tpu.memref_slice %arg3[%squeeze3A_157, %dma_start3A_160] : memref<2000000x32xf32, #tpu.memory_space<hbm>> -> memref<1x32xf32, #tpu.memory_space<hbm>>
      %dma_start3A_162 = arith.constant 0 : i32
      %dma_start3A_163 = tpu.memref_slice %arg8[%add3A_155, %dma_start3A_162] : memref<256x32xf32, #tpu.memory_space<vmem>> -> memref<1x32xf32, #tpu.memory_space<vmem>>
      %dma_start3A_164 = arith.constant 0 : i32
      %dma_start3A_165 = tpu.memref_slice %arg3[%squeeze3A_157, %dma_start3A_164] : memref<2000000x32xf32, #tpu.memory_space<hbm>> -> memref<1x32xf32, #tpu.memory_space<hbm>>
      tpu.enqueue_dma source(%dma_start3A_165 : memref<1x32xf32, #tpu.memory_space<hbm>>) target(%dma_start3A_163 : memref<1x32xf32, #tpu.memory_space<vmem>>) target_semaphore(%arg11 : memref<!tpu.dma_semaphore, #tpu.memory_space<semaphore_mem>>)
      %mul3A_166 = arith.constant 16 : i32
      %mul3A_167 = arith.muli %scan3A_60, %mul3A_166 : i32
      %add3A_168 = arith.constant 3 : i32
      %add3A_169 = arith.addi %mul3A_167, %add3A_168 : i32
      %slice3A_170 = vector.extract_strided_slice %gather3A {offsets = [3], sizes = [1], strides = [1]} : vector<16xi32> to vector<1xi32>
      %squeeze3A_171 = vector.extract %slice3A_170[0] : i32 from vector<1xi32>
      %dma_start3A_172 = arith.constant 0 : i32
      %dma_start3A_173 = tpu.memref_slice %arg7[%add3A_169, %dma_start3A_172] : memref<256x32xf32, #tpu.memory_space<vmem>> -> memref<1x32xf32, #tpu.memory_space<vmem>>
      %dma_start3A_174 = arith.constant 0 : i32
      %dma_start3A_175 = tpu.memref_slice %arg3[%squeeze3A_171, %dma_start3A_174] : memref<2000000x32xf32, #tpu.memory_space<hbm>> -> memref<1x32xf32, #tpu.memory_space<hbm>>
      %dma_start3A_176 = arith.constant 0 : i32
      %dma_start3A_177 = tpu.memref_slice %arg7[%add3A_169, %dma_start3A_176] : memref<256x32xf32, #tpu.memory_space<vmem>> -> memref<1x32xf32, #tpu.memory_space<vmem>>
      %dma_start3A_178 = arith.constant 0 : i32
      %dma_start3A_179 = tpu.memref_slice %arg3[%squeeze3A_171, %dma_start3A_178] : memref<2000000x32xf32, #tpu.memory_space<hbm>> -> memref<1x32xf32, #tpu.memory_space<hbm>>
      tpu.enqueue_dma source(%dma_start3A_179 : memref<1x32xf32, #tpu.memory_space<hbm>>) target(%dma_start3A_177 : memref<1x32xf32, #tpu.memory_space<vmem>>) target_semaphore(%arg11 : memref<!tpu.dma_semaphore, #tpu.memory_space<semaphore_mem>>)
      %mul3A_180 = arith.constant 16 : i32
      %mul3A_181 = arith.muli %scan3A_60, %mul3A_180 : i32
      %add3A_182 = arith.constant 3 : i32
      %add3A_183 = arith.addi %mul3A_181, %add3A_182 : i32
      %slice3A_184 = vector.extract_strided_slice %add3A_82 {offsets = [3], sizes = [1], strides = [1]} : vector<16xi32> to vector<1xi32>
      %squeeze3A_185 = vector.extract %slice3A_184[0] : i32 from vector<1xi32>
      %dma_start3A_186 = arith.constant 0 : i32
      %dma_start3A_187 = tpu.memref_slice %arg8[%add3A_183, %dma_start3A_186] : memref<256x32xf32, #tpu.memory_space<vmem>> -> memref<1x32xf32, #tpu.memory_space<vmem>>
      %dma_start3A_188 = arith.constant 0 : i32
      %dma_start3A_189 = tpu.memref_slice %arg3[%squeeze3A_185, %dma_start3A_188] : memref<2000000x32xf32, #tpu.memory_space<hbm>> -> memref<1x32xf32, #tpu.memory_space<hbm>>
      %dma_start3A_190 = arith.constant 0 : i32
      %dma_start3A_191 = tpu.memref_slice %arg8[%add3A_183, %dma_start3A_190] : memref<256x32xf32, #tpu.memory_space<vmem>> -> memref<1x32xf32, #tpu.memory_space<vmem>>
      %dma_start3A_192 = arith.constant 0 : i32
      %dma_start3A_193 = tpu.memref_slice %arg3[%squeeze3A_185, %dma_start3A_192] : memref<2000000x32xf32, #tpu.memory_space<hbm>> -> memref<1x32xf32, #tpu.memory_space<hbm>>
      tpu.enqueue_dma source(%dma_start3A_193 : memref<1x32xf32, #tpu.memory_space<hbm>>) target(%dma_start3A_191 : memref<1x32xf32, #tpu.memory_space<vmem>>) target_semaphore(%arg11 : memref<!tpu.dma_semaphore, #tpu.memory_space<semaphore_mem>>)
      %mul3A_194 = arith.constant 16 : i32
      %mul3A_195 = arith.muli %scan3A_60, %mul3A_194 : i32
      %add3A_196 = arith.constant 4 : i32
      %add3A_197 = arith.addi %mul3A_195, %add3A_196 : i32
      %slice3A_198 = vector.extract_strided_slice %gather3A {offsets = [4], sizes = [1], strides = [1]} : vector<16xi32> to vector<1xi32>
      %squeeze3A_199 = vector.extract %slice3A_198[0] : i32 from vector<1xi32>
      %dma_start3A_200 = arith.constant 0 : i32
      %dma_start3A_201 = tpu.memref_slice %arg7[%add3A_197, %dma_start3A_200] : memref<256x32xf32, #tpu.memory_space<vmem>> -> memref<1x32xf32, #tpu.memory_space<vmem>>
      %dma_start3A_202 = arith.constant 0 : i32
      %dma_start3A_203 = tpu.memref_slice %arg3[%squeeze3A_199, %dma_start3A_202] : memref<2000000x32xf32, #tpu.memory_space<hbm>> -> memref<1x32xf32, #tpu.memory_space<hbm>>
      %dma_start3A_204 = arith.constant 0 : i32
      %dma_start3A_205 = tpu.memref_slice %arg7[%add3A_197, %dma_start3A_204] : memref<256x32xf32, #tpu.memory_space<vmem>> -> memref<1x32xf32, #tpu.memory_space<vmem>>
      %dma_start3A_206 = arith.constant 0 : i32
      %dma_start3A_207 = tpu.memref_slice %arg3[%squeeze3A_199, %dma_start3A_206] : memref<2000000x32xf32, #tpu.memory_space<hbm>> -> memref<1x32xf32, #tpu.memory_space<hbm>>
      tpu.enqueue_dma source(%dma_start3A_207 : memref<1x32xf32, #tpu.memory_space<hbm>>) target(%dma_start3A_205 : memref<1x32xf32, #tpu.memory_space<vmem>>) target_semaphore(%arg11 : memref<!tpu.dma_semaphore, #tpu.memory_space<semaphore_mem>>)
      %mul3A_208 = arith.constant 16 : i32
      %mul3A_209 = arith.muli %scan3A_60, %mul3A_208 : i32
      %add3A_210 = arith.constant 4 : i32
      %add3A_211 = arith.addi %mul3A_209, %add3A_210 : i32
      %slice3A_212 = vector.extract_strided_slice %add3A_82 {offsets = [4], sizes = [1], strides = [1]} : vector<16xi32> to vector<1xi32>
      %squeeze3A_213 = vector.extract %slice3A_212[0] : i32 from vector<1xi32>
      %dma_start3A_214 = arith.constant 0 : i32
      %dma_start3A_215 = tpu.memref_slice %arg8[%add3A_211, %dma_start3A_214] : memref<256x32xf32, #tpu.memory_space<vmem>> -> memref<1x32xf32, #tpu.memory_space<vmem>>
      %dma_start3A_216 = arith.constant 0 : i32
      %dma_start3A_217 = tpu.memref_slice %arg3[%squeeze3A_213, %dma_start3A_216] : memref<2000000x32xf32, #tpu.memory_space<hbm>> -> memref<1x32xf32, #tpu.memory_space<hbm>>
      %dma_start3A_218 = arith.constant 0 : i32
      %dma_start3A_219 = tpu.memref_slice %arg8[%add3A_211, %dma_start3A_218] : memref<256x32xf32, #tpu.memory_space<vmem>> -> memref<1x32xf32, #tpu.memory_space<vmem>>
      %dma_start3A_220 = arith.constant 0 : i32
      %dma_start3A_221 = tpu.memref_slice %arg3[%squeeze3A_213, %dma_start3A_220] : memref<2000000x32xf32, #tpu.memory_space<hbm>> -> memref<1x32xf32, #tpu.memory_space<hbm>>
      tpu.enqueue_dma source(%dma_start3A_221 : memref<1x32xf32, #tpu.memory_space<hbm>>) target(%dma_start3A_219 : memref<1x32xf32, #tpu.memory_space<vmem>>) target_semaphore(%arg11 : memref<!tpu.dma_semaphore, #tpu.memory_space<semaphore_mem>>)
      %mul3A_222 = arith.constant 16 : i32
      %mul3A_223 = arith.muli %scan3A_60, %mul3A_222 : i32
      %add3A_224 = arith.constant 5 : i32
      %add3A_225 = arith.addi %mul3A_223, %add3A_224 : i32
      %slice3A_226 = vector.extract_strided_slice %gather3A {offsets = [5], sizes = [1], strides = [1]} : vector<16xi32> to vector<1xi32>
      %squeeze3A_227 = vector.extract %slice3A_226[0] : i32 from vector<1xi32>
      %dma_start3A_228 = arith.constant 0 : i32
      %dma_start3A_229 = tpu.memref_slice %arg7[%add3A_225, %dma_start3A_228] : memref<256x32xf32, #tpu.memory_space<vmem>> -> memref<1x32xf32, #tpu.memory_space<vmem>>
      %dma_start3A_230 = arith.constant 0 : i32
      %dma_start3A_231 = tpu.memref_slice %arg3[%squeeze3A_227, %dma_start3A_230] : memref<2000000x32xf32, #tpu.memory_space<hbm>> -> memref<1x32xf32, #tpu.memory_space<hbm>>
      %dma_start3A_232 = arith.constant 0 : i32
      %dma_start3A_233 = tpu.memref_slice %arg7[%add3A_225, %dma_start3A_232] : memref<256x32xf32, #tpu.memory_space<vmem>> -> memref<1x32xf32, #tpu.memory_space<vmem>>
      %dma_start3A_234 = arith.constant 0 : i32
      %dma_start3A_235 = tpu.memref_slice %arg3[%squeeze3A_227, %dma_start3A_234] : memref<2000000x32xf32, #tpu.memory_space<hbm>> -> memref<1x32xf32, #tpu.memory_space<hbm>>
      tpu.enqueue_dma source(%dma_start3A_235 : memref<1x32xf32, #tpu.memory_space<hbm>>) target(%dma_start3A_233 : memref<1x32xf32, #tpu.memory_space<vmem>>) target_semaphore(%arg11 : memref<!tpu.dma_semaphore, #tpu.memory_space<semaphore_mem>>)
      %mul3A_236 = arith.constant 16 : i32
      %mul3A_237 = arith.muli %scan3A_60, %mul3A_236 : i32
      %add3A_238 = arith.constant 5 : i32
      %add3A_239 = arith.addi %mul3A_237, %add3A_238 : i32
      %slice3A_240 = vector.extract_strided_slice %add3A_82 {offsets = [5], sizes = [1], strides = [1]} : vector<16xi32> to vector<1xi32>
      %squeeze3A_241 = vector.extract %slice3A_240[0] : i32 from vector<1xi32>
      %dma_start3A_242 = arith.constant 0 : i32
      %dma_start3A_243 = tpu.memref_slice %arg8[%add3A_239, %dma_start3A_242] : memref<256x32xf32, #tpu.memory_space<vmem>> -> memref<1x32xf32, #tpu.memory_space<vmem>>
      %dma_start3A_244 = arith.constant 0 : i32
      %dma_start3A_245 = tpu.memref_slice %arg3[%squeeze3A_241, %dma_start3A_244] : memref<2000000x32xf32, #tpu.memory_space<hbm>> -> memref<1x32xf32, #tpu.memory_space<hbm>>
      %dma_start3A_246 = arith.constant 0 : i32
      %dma_start3A_247 = tpu.memref_slice %arg8[%add3A_239, %dma_start3A_246] : memref<256x32xf32, #tpu.memory_space<vmem>> -> memref<1x32xf32, #tpu.memory_space<vmem>>
      %dma_start3A_248 = arith.constant 0 : i32
      %dma_start3A_249 = tpu.memref_slice %arg3[%squeeze3A_241, %dma_start3A_248] : memref<2000000x32xf32, #tpu.memory_space<hbm>> -> memref<1x32xf32, #tpu.memory_space<hbm>>
      tpu.enqueue_dma source(%dma_start3A_249 : memref<1x32xf32, #tpu.memory_space<hbm>>) target(%dma_start3A_247 : memref<1x32xf32, #tpu.memory_space<vmem>>) target_semaphore(%arg11 : memref<!tpu.dma_semaphore, #tpu.memory_space<semaphore_mem>>)
      %mul3A_250 = arith.constant 16 : i32
      %mul3A_251 = arith.muli %scan3A_60, %mul3A_250 : i32
      %add3A_252 = arith.constant 6 : i32
      %add3A_253 = arith.addi %mul3A_251, %add3A_252 : i32
      %slice3A_254 = vector.extract_strided_slice %gather3A {offsets = [6], sizes = [1], strides = [1]} : vector<16xi32> to vector<1xi32>
      %squeeze3A_255 = vector.extract %slice3A_254[0] : i32 from vector<1xi32>
      %dma_start3A_256 = arith.constant 0 : i32
      %dma_start3A_257 = tpu.memref_slice %arg7[%add3A_253, %dma_start3A_256] : memref<256x32xf32, #tpu.memory_space<vmem>> -> memref<1x32xf32, #tpu.memory_space<vmem>>
      %dma_start3A_258 = arith.constant 0 : i32
      %dma_start3A_259 = tpu.memref_slice %arg3[%squeeze3A_255, %dma_start3A_258] : memref<2000000x32xf32, #tpu.memory_space<hbm>> -> memref<1x32xf32, #tpu.memory_space<hbm>>
      %dma_start3A_260 = arith.constant 0 : i32
      %dma_start3A_261 = tpu.memref_slice %arg7[%add3A_253, %dma_start3A_260] : memref<256x32xf32, #tpu.memory_space<vmem>> -> memref<1x32xf32, #tpu.memory_space<vmem>>
      %dma_start3A_262 = arith.constant 0 : i32
      %dma_start3A_263 = tpu.memref_slice %arg3[%squeeze3A_255, %dma_start3A_262] : memref<2000000x32xf32, #tpu.memory_space<hbm>> -> memref<1x32xf32, #tpu.memory_space<hbm>>
      tpu.enqueue_dma source(%dma_start3A_263 : memref<1x32xf32, #tpu.memory_space<hbm>>) target(%dma_start3A_261 : memref<1x32xf32, #tpu.memory_space<vmem>>) target_semaphore(%arg11 : memref<!tpu.dma_semaphore, #tpu.memory_space<semaphore_mem>>)
      %mul3A_264 = arith.constant 16 : i32
      %mul3A_265 = arith.muli %scan3A_60, %mul3A_264 : i32
      %add3A_266 = arith.constant 6 : i32
      %add3A_267 = arith.addi %mul3A_265, %add3A_266 : i32
      %slice3A_268 = vector.extract_strided_slice %add3A_82 {offsets = [6], sizes = [1], strides = [1]} : vector<16xi32> to vector<1xi32>
      %squeeze3A_269 = vector.extract %slice3A_268[0] : i32 from vector<1xi32>
      %dma_start3A_270 = arith.constant 0 : i32
      %dma_start3A_271 = tpu.memref_slice %arg8[%add3A_267, %dma_start3A_270] : memref<256x32xf32, #tpu.memory_space<vmem>> -> memref<1x32xf32, #tpu.memory_space<vmem>>
      %dma_start3A_272 = arith.constant 0 : i32
      %dma_start3A_273 = tpu.memref_slice %arg3[%squeeze3A_269, %dma_start3A_272] : memref<2000000x32xf32, #tpu.memory_space<hbm>> -> memref<1x32xf32, #tpu.memory_space<hbm>>
      %dma_start3A_274 = arith.constant 0 : i32
      %dma_start3A_275 = tpu.memref_slice %arg8[%add3A_267, %dma_start3A_274] : memref<256x32xf32, #tpu.memory_space<vmem>> -> memref<1x32xf32, #tpu.memory_space<vmem>>
      %dma_start3A_276 = arith.constant 0 : i32
      %dma_start3A_277 = tpu.memref_slice %arg3[%squeeze3A_269, %dma_start3A_276] : memref<2000000x32xf32, #tpu.memory_space<hbm>> -> memref<1x32xf32, #tpu.memory_space<hbm>>
      tpu.enqueue_dma source(%dma_start3A_277 : memref<1x32xf32, #tpu.memory_space<hbm>>) target(%dma_start3A_275 : memref<1x32xf32, #tpu.memory_space<vmem>>) target_semaphore(%arg11 : memref<!tpu.dma_semaphore, #tpu.memory_space<semaphore_mem>>)
      %mul3A_278 = arith.constant 16 : i32
      %mul3A_279 = arith.muli %scan3A_60, %mul3A_278 : i32
      %add3A_280 = arith.constant 7 : i32
      %add3A_281 = arith.addi %mul3A_279, %add3A_280 : i32
      %slice3A_282 = vector.extract_strided_slice %gather3A {offsets = [7], sizes = [1], strides = [1]} : vector<16xi32> to vector<1xi32>
      %squeeze3A_283 = vector.extract %slice3A_282[0] : i32 from vector<1xi32>
      %dma_start3A_284 = arith.constant 0 : i32
      %dma_start3A_285 = tpu.memref_slice %arg7[%add3A_281, %dma_start3A_284] : memref<256x32xf32, #tpu.memory_space<vmem>> -> memref<1x32xf32, #tpu.memory_space<vmem>>
      %dma_start3A_286 = arith.constant 0 : i32
      %dma_start3A_287 = tpu.memref_slice %arg3[%squeeze3A_283, %dma_start3A_286] : memref<2000000x32xf32, #tpu.memory_space<hbm>> -> memref<1x32xf32, #tpu.memory_space<hbm>>
      %dma_start3A_288 = arith.constant 0 : i32
      %dma_start3A_289 = tpu.memref_slice %arg7[%add3A_281, %dma_start3A_288] : memref<256x32xf32, #tpu.memory_space<vmem>> -> memref<1x32xf32, #tpu.memory_space<vmem>>
      %dma_start3A_290 = arith.constant 0 : i32
      %dma_start3A_291 = tpu.memref_slice %arg3[%squeeze3A_283, %dma_start3A_290] : memref<2000000x32xf32, #tpu.memory_space<hbm>> -> memref<1x32xf32, #tpu.memory_space<hbm>>
      tpu.enqueue_dma source(%dma_start3A_291 : memref<1x32xf32, #tpu.memory_space<hbm>>) target(%dma_start3A_289 : memref<1x32xf32, #tpu.memory_space<vmem>>) target_semaphore(%arg11 : memref<!tpu.dma_semaphore, #tpu.memory_space<semaphore_mem>>)
      %mul3A_292 = arith.constant 16 : i32
      %mul3A_293 = arith.muli %scan3A_60, %mul3A_292 : i32
      %add3A_294 = arith.constant 7 : i32
      %add3A_295 = arith.addi %mul3A_293, %add3A_294 : i32
      %slice3A_296 = vector.extract_strided_slice %add3A_82 {offsets = [7], sizes = [1], strides = [1]} : vector<16xi32> to vector<1xi32>
      %squeeze3A_297 = vector.extract %slice3A_296[0] : i32 from vector<1xi32>
      %dma_start3A_298 = arith.constant 0 : i32
      %dma_start3A_299 = tpu.memref_slice %arg8[%add3A_295, %dma_start3A_298] : memref<256x32xf32, #tpu.memory_space<vmem>> -> memref<1x32xf32, #tpu.memory_space<vmem>>
      %dma_start3A_300 = arith.constant 0 : i32
      %dma_start3A_301 = tpu.memref_slice %arg3[%squeeze3A_297, %dma_start3A_300] : memref<2000000x32xf32, #tpu.memory_space<hbm>> -> memref<1x32xf32, #tpu.memory_space<hbm>>
      %dma_start3A_302 = arith.constant 0 : i32
      %dma_start3A_303 = tpu.memref_slice %arg8[%add3A_295, %dma_start3A_302] : memref<256x32xf32, #tpu.memory_space<vmem>> -> memref<1x32xf32, #tpu.memory_space<vmem>>
      %dma_start3A_304 = arith.constant 0 : i32
      %dma_start3A_305 = tpu.memref_slice %arg3[%squeeze3A_297, %dma_start3A_304] : memref<2000000x32xf32, #tpu.memory_space<hbm>> -> memref<1x32xf32, #tpu.memory_space<hbm>>
      tpu.enqueue_dma source(%dma_start3A_305 : memref<1x32xf32, #tpu.memory_space<hbm>>) target(%dma_start3A_303 : memref<1x32xf32, #tpu.memory_space<vmem>>) target_semaphore(%arg11 : memref<!tpu.dma_semaphore, #tpu.memory_space<semaphore_mem>>)
      %mul3A_306 = arith.constant 16 : i32
      %mul3A_307 = arith.muli %scan3A_60, %mul3A_306 : i32
      %add3A_308 = arith.constant 8 : i32
      %add3A_309 = arith.addi %mul3A_307, %add3A_308 : i32
      %slice3A_310 = vector.extract_strided_slice %gather3A {offsets = [8], sizes = [1], strides = [1]} : vector<16xi32> to vector<1xi32>
      %squeeze3A_311 = vector.extract %slice3A_310[0] : i32 from vector<1xi32>
      %dma_start3A_312 = arith.constant 0 : i32
      %dma_start3A_313 = tpu.memref_slice %arg7[%add3A_309, %dma_start3A_312] : memref<256x32xf32, #tpu.memory_space<vmem>> -> memref<1x32xf32, #tpu.memory_space<vmem>>
      %dma_start3A_314 = arith.constant 0 : i32
      %dma_start3A_315 = tpu.memref_slice %arg3[%squeeze3A_311, %dma_start3A_314] : memref<2000000x32xf32, #tpu.memory_space<hbm>> -> memref<1x32xf32, #tpu.memory_space<hbm>>
      %dma_start3A_316 = arith.constant 0 : i32
      %dma_start3A_317 = tpu.memref_slice %arg7[%add3A_309, %dma_start3A_316] : memref<256x32xf32, #tpu.memory_space<vmem>> -> memref<1x32xf32, #tpu.memory_space<vmem>>
      %dma_start3A_318 = arith.constant 0 : i32
      %dma_start3A_319 = tpu.memref_slice %arg3[%squeeze3A_311, %dma_start3A_318] : memref<2000000x32xf32, #tpu.memory_space<hbm>> -> memref<1x32xf32, #tpu.memory_space<hbm>>
      tpu.enqueue_dma source(%dma_start3A_319 : memref<1x32xf32, #tpu.memory_space<hbm>>) target(%dma_start3A_317 : memref<1x32xf32, #tpu.memory_space<vmem>>) target_semaphore(%arg11 : memref<!tpu.dma_semaphore, #tpu.memory_space<semaphore_mem>>)
      %mul3A_320 = arith.constant 16 : i32
      %mul3A_321 = arith.muli %scan3A_60, %mul3A_320 : i32
      %add3A_322 = arith.constant 8 : i32
      %add3A_323 = arith.addi %mul3A_321, %add3A_322 : i32
      %slice3A_324 = vector.extract_strided_slice %add3A_82 {offsets = [8], sizes = [1], strides = [1]} : vector<16xi32> to vector<1xi32>
      %squeeze3A_325 = vector.extract %slice3A_324[0] : i32 from vector<1xi32>
      %dma_start3A_326 = arith.constant 0 : i32
      %dma_start3A_327 = tpu.memref_slice %arg8[%add3A_323, %dma_start3A_326] : memref<256x32xf32, #tpu.memory_space<vmem>> -> memref<1x32xf32, #tpu.memory_space<vmem>>
      %dma_start3A_328 = arith.constant 0 : i32
      %dma_start3A_329 = tpu.memref_slice %arg3[%squeeze3A_325, %dma_start3A_328] : memref<2000000x32xf32, #tpu.memory_space<hbm>> -> memref<1x32xf32, #tpu.memory_space<hbm>>
      %dma_start3A_330 = arith.constant 0 : i32
      %dma_start3A_331 = tpu.memref_slice %arg8[%add3A_323, %dma_start3A_330] : memref<256x32xf32, #tpu.memory_space<vmem>> -> memref<1x32xf32, #tpu.memory_space<vmem>>
      %dma_start3A_332 = arith.constant 0 : i32
      %dma_start3A_333 = tpu.memref_slice %arg3[%squeeze3A_325, %dma_start3A_332] : memref<2000000x32xf32, #tpu.memory_space<hbm>> -> memref<1x32xf32, #tpu.memory_space<hbm>>
      tpu.enqueue_dma source(%dma_start3A_333 : memref<1x32xf32, #tpu.memory_space<hbm>>) target(%dma_start3A_331 : memref<1x32xf32, #tpu.memory_space<vmem>>) target_semaphore(%arg11 : memref<!tpu.dma_semaphore, #tpu.memory_space<semaphore_mem>>)
      %mul3A_334 = arith.constant 16 : i32
      %mul3A_335 = arith.muli %scan3A_60, %mul3A_334 : i32
      %add3A_336 = arith.constant 9 : i32
      %add3A_337 = arith.addi %mul3A_335, %add3A_336 : i32
      %slice3A_338 = vector.extract_strided_slice %gather3A {offsets = [9], sizes = [1], strides = [1]} : vector<16xi32> to vector<1xi32>
      %squeeze3A_339 = vector.extract %slice3A_338[0] : i32 from vector<1xi32>
      %dma_start3A_340 = arith.constant 0 : i32
      %dma_start3A_341 = tpu.memref_slice %arg7[%add3A_337, %dma_start3A_340] : memref<256x32xf32, #tpu.memory_space<vmem>> -> memref<1x32xf32, #tpu.memory_space<vmem>>
      %dma_start3A_342 = arith.constant 0 : i32
      %dma_start3A_343 = tpu.memref_slice %arg3[%squeeze3A_339, %dma_start3A_342] : memref<2000000x32xf32, #tpu.memory_space<hbm>> -> memref<1x32xf32, #tpu.memory_space<hbm>>
      %dma_start3A_344 = arith.constant 0 : i32
      %dma_start3A_345 = tpu.memref_slice %arg7[%add3A_337, %dma_start3A_344] : memref<256x32xf32, #tpu.memory_space<vmem>> -> memref<1x32xf32, #tpu.memory_space<vmem>>
      %dma_start3A_346 = arith.constant 0 : i32
      %dma_start3A_347 = tpu.memref_slice %arg3[%squeeze3A_339, %dma_start3A_346] : memref<2000000x32xf32, #tpu.memory_space<hbm>> -> memref<1x32xf32, #tpu.memory_space<hbm>>
      tpu.enqueue_dma source(%dma_start3A_347 : memref<1x32xf32, #tpu.memory_space<hbm>>) target(%dma_start3A_345 : memref<1x32xf32, #tpu.memory_space<vmem>>) target_semaphore(%arg11 : memref<!tpu.dma_semaphore, #tpu.memory_space<semaphore_mem>>)
      %mul3A_348 = arith.constant 16 : i32
      %mul3A_349 = arith.muli %scan3A_60, %mul3A_348 : i32
      %add3A_350 = arith.constant 9 : i32
      %add3A_351 = arith.addi %mul3A_349, %add3A_350 : i32
      %slice3A_352 = vector.extract_strided_slice %add3A_82 {offsets = [9], sizes = [1], strides = [1]} : vector<16xi32> to vector<1xi32>
      %squeeze3A_353 = vector.extract %slice3A_352[0] : i32 from vector<1xi32>
      %dma_start3A_354 = arith.constant 0 : i32
      %dma_start3A_355 = tpu.memref_slice %arg8[%add3A_351, %dma_start3A_354] : memref<256x32xf32, #tpu.memory_space<vmem>> -> memref<1x32xf32, #tpu.memory_space<vmem>>
      %dma_start3A_356 = arith.constant 0 : i32
      %dma_start3A_357 = tpu.memref_slice %arg3[%squeeze3A_353, %dma_start3A_356] : memref<2000000x32xf32, #tpu.memory_space<hbm>> -> memref<1x32xf32, #tpu.memory_space<hbm>>
      %dma_start3A_358 = arith.constant 0 : i32
      %dma_start3A_359 = tpu.memref_slice %arg8[%add3A_351, %dma_start3A_358] : memref<256x32xf32, #tpu.memory_space<vmem>> -> memref<1x32xf32, #tpu.memory_space<vmem>>
      %dma_start3A_360 = arith.constant 0 : i32
      %dma_start3A_361 = tpu.memref_slice %arg3[%squeeze3A_353, %dma_start3A_360] : memref<2000000x32xf32, #tpu.memory_space<hbm>> -> memref<1x32xf32, #tpu.memory_space<hbm>>
      tpu.enqueue_dma source(%dma_start3A_361 : memref<1x32xf32, #tpu.memory_space<hbm>>) target(%dma_start3A_359 : memref<1x32xf32, #tpu.memory_space<vmem>>) target_semaphore(%arg11 : memref<!tpu.dma_semaphore, #tpu.memory_space<semaphore_mem>>)
      %mul3A_362 = arith.constant 16 : i32
      %mul3A_363 = arith.muli %scan3A_60, %mul3A_362 : i32
      %add3A_364 = arith.constant 10 : i32
      %add3A_365 = arith.addi %mul3A_363, %add3A_364 : i32
      %slice3A_366 = vector.extract_strided_slice %gather3A {offsets = [10], sizes = [1], strides = [1]} : vector<16xi32> to vector<1xi32>
      %squeeze3A_367 = vector.extract %slice3A_366[0] : i32 from vector<1xi32>
      %dma_start3A_368 = arith.constant 0 : i32
      %dma_start3A_369 = tpu.memref_slice %arg7[%add3A_365, %dma_start3A_368] : memref<256x32xf32, #tpu.memory_space<vmem>> -> memref<1x32xf32, #tpu.memory_space<vmem>>
      %dma_start3A_370 = arith.constant 0 : i32
      %dma_start3A_371 = tpu.memref_slice %arg3[%squeeze3A_367, %dma_start3A_370] : memref<2000000x32xf32, #tpu.memory_space<hbm>> -> memref<1x32xf32, #tpu.memory_space<hbm>>
      %dma_start3A_372 = arith.constant 0 : i32
      %dma_start3A_373 = tpu.memref_slice %arg7[%add3A_365, %dma_start3A_372] : memref<256x32xf32, #tpu.memory_space<vmem>> -> memref<1x32xf32, #tpu.memory_space<vmem>>
      %dma_start3A_374 = arith.constant 0 : i32
      %dma_start3A_375 = tpu.memref_slice %arg3[%squeeze3A_367, %dma_start3A_374] : memref<2000000x32xf32, #tpu.memory_space<hbm>> -> memref<1x32xf32, #tpu.memory_space<hbm>>
      tpu.enqueue_dma source(%dma_start3A_375 : memref<1x32xf32, #tpu.memory_space<hbm>>) target(%dma_start3A_373 : memref<1x32xf32, #tpu.memory_space<vmem>>) target_semaphore(%arg11 : memref<!tpu.dma_semaphore, #tpu.memory_space<semaphore_mem>>)
      %mul3A_376 = arith.constant 16 : i32
      %mul3A_377 = arith.muli %scan3A_60, %mul3A_376 : i32
      %add3A_378 = arith.constant 10 : i32
      %add3A_379 = arith.addi %mul3A_377, %add3A_378 : i32
      %slice3A_380 = vector.extract_strided_slice %add3A_82 {offsets = [10], sizes = [1], strides = [1]} : vector<16xi32> to vector<1xi32>
      %squeeze3A_381 = vector.extract %slice3A_380[0] : i32 from vector<1xi32>
      %dma_start3A_382 = arith.constant 0 : i32
      %dma_start3A_383 = tpu.memref_slice %arg8[%add3A_379, %dma_start3A_382] : memref<256x32xf32, #tpu.memory_space<vmem>> -> memref<1x32xf32, #tpu.memory_space<vmem>>
      %dma_start3A_384 = arith.constant 0 : i32
      %dma_start3A_385 = tpu.memref_slice %arg3[%squeeze3A_381, %dma_start3A_384] : memref<2000000x32xf32, #tpu.memory_space<hbm>> -> memref<1x32xf32, #tpu.memory_space<hbm>>
      %dma_start3A_386 = arith.constant 0 : i32
      %dma_start3A_387 = tpu.memref_slice %arg8[%add3A_379, %dma_start3A_386] : memref<256x32xf32, #tpu.memory_space<vmem>> -> memref<1x32xf32, #tpu.memory_space<vmem>>
      %dma_start3A_388 = arith.constant 0 : i32
      %dma_start3A_389 = tpu.memref_slice %arg3[%squeeze3A_381, %dma_start3A_388] : memref<2000000x32xf32, #tpu.memory_space<hbm>> -> memref<1x32xf32, #tpu.memory_space<hbm>>
      tpu.enqueue_dma source(%dma_start3A_389 : memref<1x32xf32, #tpu.memory_space<hbm>>) target(%dma_start3A_387 : memref<1x32xf32, #tpu.memory_space<vmem>>) target_semaphore(%arg11 : memref<!tpu.dma_semaphore, #tpu.memory_space<semaphore_mem>>)
      %mul3A_390 = arith.constant 16 : i32
      %mul3A_391 = arith.muli %scan3A_60, %mul3A_390 : i32
      %add3A_392 = arith.constant 11 : i32
      %add3A_393 = arith.addi %mul3A_391, %add3A_392 : i32
      %slice3A_394 = vector.extract_strided_slice %gather3A {offsets = [11], sizes = [1], strides = [1]} : vector<16xi32> to vector<1xi32>
      %squeeze3A_395 = vector.extract %slice3A_394[0] : i32 from vector<1xi32>
      %dma_start3A_396 = arith.constant 0 : i32
      %dma_start3A_397 = tpu.memref_slice %arg7[%add3A_393, %dma_start3A_396] : memref<256x32xf32, #tpu.memory_space<vmem>> -> memref<1x32xf32, #tpu.memory_space<vmem>>
      %dma_start3A_398 = arith.constant 0 : i32
      %dma_start3A_399 = tpu.memref_slice %arg3[%squeeze3A_395, %dma_start3A_398] : memref<2000000x32xf32, #tpu.memory_space<hbm>> -> memref<1x32xf32, #tpu.memory_space<hbm>>
      %dma_start3A_400 = arith.constant 0 : i32
      %dma_start3A_401 = tpu.memref_slice %arg7[%add3A_393, %dma_start3A_400] : memref<256x32xf32, #tpu.memory_space<vmem>> -> memref<1x32xf32, #tpu.memory_space<vmem>>
      %dma_start3A_402 = arith.constant 0 : i32
      %dma_start3A_403 = tpu.memref_slice %arg3[%squeeze3A_395, %dma_start3A_402] : memref<2000000x32xf32, #tpu.memory_space<hbm>> -> memref<1x32xf32, #tpu.memory_space<hbm>>
      tpu.enqueue_dma source(%dma_start3A_403 : memref<1x32xf32, #tpu.memory_space<hbm>>) target(%dma_start3A_401 : memref<1x32xf32, #tpu.memory_space<vmem>>) target_semaphore(%arg11 : memref<!tpu.dma_semaphore, #tpu.memory_space<semaphore_mem>>)
      %mul3A_404 = arith.constant 16 : i32
      %mul3A_405 = arith.muli %scan3A_60, %mul3A_404 : i32
      %add3A_406 = arith.constant 11 : i32
      %add3A_407 = arith.addi %mul3A_405, %add3A_406 : i32
      %slice3A_408 = vector.extract_strided_slice %add3A_82 {offsets = [11], sizes = [1], strides = [1]} : vector<16xi32> to vector<1xi32>
      %squeeze3A_409 = vector.extract %slice3A_408[0] : i32 from vector<1xi32>
      %dma_start3A_410 = arith.constant 0 : i32
      %dma_start3A_411 = tpu.memref_slice %arg8[%add3A_407, %dma_start3A_410] : memref<256x32xf32, #tpu.memory_space<vmem>> -> memref<1x32xf32, #tpu.memory_space<vmem>>
      %dma_start3A_412 = arith.constant 0 : i32
      %dma_start3A_413 = tpu.memref_slice %arg3[%squeeze3A_409, %dma_start3A_412] : memref<2000000x32xf32, #tpu.memory_space<hbm>> -> memref<1x32xf32, #tpu.memory_space<hbm>>
      %dma_start3A_414 = arith.constant 0 : i32
      %dma_start3A_415 = tpu.memref_slice %arg8[%add3A_407, %dma_start3A_414] : memref<256x32xf32, #tpu.memory_space<vmem>> -> memref<1x32xf32, #tpu.memory_space<vmem>>
      %dma_start3A_416 = arith.constant 0 : i32
      %dma_start3A_417 = tpu.memref_slice %arg3[%squeeze3A_409, %dma_start3A_416] : memref<2000000x32xf32, #tpu.memory_space<hbm>> -> memref<1x32xf32, #tpu.memory_space<hbm>>
      tpu.enqueue_dma source(%dma_start3A_417 : memref<1x32xf32, #tpu.memory_space<hbm>>) target(%dma_start3A_415 : memref<1x32xf32, #tpu.memory_space<vmem>>) target_semaphore(%arg11 : memref<!tpu.dma_semaphore, #tpu.memory_space<semaphore_mem>>)
      %mul3A_418 = arith.constant 16 : i32
      %mul3A_419 = arith.muli %scan3A_60, %mul3A_418 : i32
      %add3A_420 = arith.constant 12 : i32
      %add3A_421 = arith.addi %mul3A_419, %add3A_420 : i32
      %slice3A_422 = vector.extract_strided_slice %gather3A {offsets = [12], sizes = [1], strides = [1]} : vector<16xi32> to vector<1xi32>
      %squeeze3A_423 = vector.extract %slice3A_422[0] : i32 from vector<1xi32>
      %dma_start3A_424 = arith.constant 0 : i32
      %dma_start3A_425 = tpu.memref_slice %arg7[%add3A_421, %dma_start3A_424] : memref<256x32xf32, #tpu.memory_space<vmem>> -> memref<1x32xf32, #tpu.memory_space<vmem>>
      %dma_start3A_426 = arith.constant 0 : i32
      %dma_start3A_427 = tpu.memref_slice %arg3[%squeeze3A_423, %dma_start3A_426] : memref<2000000x32xf32, #tpu.memory_space<hbm>> -> memref<1x32xf32, #tpu.memory_space<hbm>>
      %dma_start3A_428 = arith.constant 0 : i32
      %dma_start3A_429 = tpu.memref_slice %arg7[%add3A_421, %dma_start3A_428] : memref<256x32xf32, #tpu.memory_space<vmem>> -> memref<1x32xf32, #tpu.memory_space<vmem>>
      %dma_start3A_430 = arith.constant 0 : i32
      %dma_start3A_431 = tpu.memref_slice %arg3[%squeeze3A_423, %dma_start3A_430] : memref<2000000x32xf32, #tpu.memory_space<hbm>> -> memref<1x32xf32, #tpu.memory_space<hbm>>
      tpu.enqueue_dma source(%dma_start3A_431 : memref<1x32xf32, #tpu.memory_space<hbm>>) target(%dma_start3A_429 : memref<1x32xf32, #tpu.memory_space<vmem>>) target_semaphore(%arg11 : memref<!tpu.dma_semaphore, #tpu.memory_space<semaphore_mem>>)
      %mul3A_432 = arith.constant 16 : i32
      %mul3A_433 = arith.muli %scan3A_60, %mul3A_432 : i32
      %add3A_434 = arith.constant 12 : i32
      %add3A_435 = arith.addi %mul3A_433, %add3A_434 : i32
      %slice3A_436 = vector.extract_strided_slice %add3A_82 {offsets = [12], sizes = [1], strides = [1]} : vector<16xi32> to vector<1xi32>
      %squeeze3A_437 = vector.extract %slice3A_436[0] : i32 from vector<1xi32>
      %dma_start3A_438 = arith.constant 0 : i32
      %dma_start3A_439 = tpu.memref_slice %arg8[%add3A_435, %dma_start3A_438] : memref<256x32xf32, #tpu.memory_space<vmem>> -> memref<1x32xf32, #tpu.memory_space<vmem>>
      %dma_start3A_440 = arith.constant 0 : i32
      %dma_start3A_441 = tpu.memref_slice %arg3[%squeeze3A_437, %dma_start3A_440] : memref<2000000x32xf32, #tpu.memory_space<hbm>> -> memref<1x32xf32, #tpu.memory_space<hbm>>
      %dma_start3A_442 = arith.constant 0 : i32
      %dma_start3A_443 = tpu.memref_slice %arg8[%add3A_435, %dma_start3A_442] : memref<256x32xf32, #tpu.memory_space<vmem>> -> memref<1x32xf32, #tpu.memory_space<vmem>>
      %dma_start3A_444 = arith.constant 0 : i32
      %dma_start3A_445 = tpu.memref_slice %arg3[%squeeze3A_437, %dma_start3A_444] : memref<2000000x32xf32, #tpu.memory_space<hbm>> -> memref<1x32xf32, #tpu.memory_space<hbm>>
      tpu.enqueue_dma source(%dma_start3A_445 : memref<1x32xf32, #tpu.memory_space<hbm>>) target(%dma_start3A_443 : memref<1x32xf32, #tpu.memory_space<vmem>>) target_semaphore(%arg11 : memref<!tpu.dma_semaphore, #tpu.memory_space<semaphore_mem>>)
      %mul3A_446 = arith.constant 16 : i32
      %mul3A_447 = arith.muli %scan3A_60, %mul3A_446 : i32
      %add3A_448 = arith.constant 13 : i32
      %add3A_449 = arith.addi %mul3A_447, %add3A_448 : i32
      %slice3A_450 = vector.extract_strided_slice %gather3A {offsets = [13], sizes = [1], strides = [1]} : vector<16xi32> to vector<1xi32>
      %squeeze3A_451 = vector.extract %slice3A_450[0] : i32 from vector<1xi32>
      %dma_start3A_452 = arith.constant 0 : i32
      %dma_start3A_453 = tpu.memref_slice %arg7[%add3A_449, %dma_start3A_452] : memref<256x32xf32, #tpu.memory_space<vmem>> -> memref<1x32xf32, #tpu.memory_space<vmem>>
      %dma_start3A_454 = arith.constant 0 : i32
      %dma_start3A_455 = tpu.memref_slice %arg3[%squeeze3A_451, %dma_start3A_454] : memref<2000000x32xf32, #tpu.memory_space<hbm>> -> memref<1x32xf32, #tpu.memory_space<hbm>>
      %dma_start3A_456 = arith.constant 0 : i32
      %dma_start3A_457 = tpu.memref_slice %arg7[%add3A_449, %dma_start3A_456] : memref<256x32xf32, #tpu.memory_space<vmem>> -> memref<1x32xf32, #tpu.memory_space<vmem>>
      %dma_start3A_458 = arith.constant 0 : i32
      %dma_start3A_459 = tpu.memref_slice %arg3[%squeeze3A_451, %dma_start3A_458] : memref<2000000x32xf32, #tpu.memory_space<hbm>> -> memref<1x32xf32, #tpu.memory_space<hbm>>
      tpu.enqueue_dma source(%dma_start3A_459 : memref<1x32xf32, #tpu.memory_space<hbm>>) target(%dma_start3A_457 : memref<1x32xf32, #tpu.memory_space<vmem>>) target_semaphore(%arg11 : memref<!tpu.dma_semaphore, #tpu.memory_space<semaphore_mem>>)
      %mul3A_460 = arith.constant 16 : i32
      %mul3A_461 = arith.muli %scan3A_60, %mul3A_460 : i32
      %add3A_462 = arith.constant 13 : i32
      %add3A_463 = arith.addi %mul3A_461, %add3A_462 : i32
      %slice3A_464 = vector.extract_strided_slice %add3A_82 {offsets = [13], sizes = [1], strides = [1]} : vector<16xi32> to vector<1xi32>
      %squeeze3A_465 = vector.extract %slice3A_464[0] : i32 from vector<1xi32>
      %dma_start3A_466 = arith.constant 0 : i32
      %dma_start3A_467 = tpu.memref_slice %arg8[%add3A_463, %dma_start3A_466] : memref<256x32xf32, #tpu.memory_space<vmem>> -> memref<1x32xf32, #tpu.memory_space<vmem>>
      %dma_start3A_468 = arith.constant 0 : i32
      %dma_start3A_469 = tpu.memref_slice %arg3[%squeeze3A_465, %dma_start3A_468] : memref<2000000x32xf32, #tpu.memory_space<hbm>> -> memref<1x32xf32, #tpu.memory_space<hbm>>
      %dma_start3A_470 = arith.constant 0 : i32
      %dma_start3A_471 = tpu.memref_slice %arg8[%add3A_463, %dma_start3A_470] : memref<256x32xf32, #tpu.memory_space<vmem>> -> memref<1x32xf32, #tpu.memory_space<vmem>>
      %dma_start3A_472 = arith.constant 0 : i32
      %dma_start3A_473 = tpu.memref_slice %arg3[%squeeze3A_465, %dma_start3A_472] : memref<2000000x32xf32, #tpu.memory_space<hbm>> -> memref<1x32xf32, #tpu.memory_space<hbm>>
      tpu.enqueue_dma source(%dma_start3A_473 : memref<1x32xf32, #tpu.memory_space<hbm>>) target(%dma_start3A_471 : memref<1x32xf32, #tpu.memory_space<vmem>>) target_semaphore(%arg11 : memref<!tpu.dma_semaphore, #tpu.memory_space<semaphore_mem>>)
      %mul3A_474 = arith.constant 16 : i32
      %mul3A_475 = arith.muli %scan3A_60, %mul3A_474 : i32
      %add3A_476 = arith.constant 14 : i32
      %add3A_477 = arith.addi %mul3A_475, %add3A_476 : i32
      %slice3A_478 = vector.extract_strided_slice %gather3A {offsets = [14], sizes = [1], strides = [1]} : vector<16xi32> to vector<1xi32>
      %squeeze3A_479 = vector.extract %slice3A_478[0] : i32 from vector<1xi32>
      %dma_start3A_480 = arith.constant 0 : i32
      %dma_start3A_481 = tpu.memref_slice %arg7[%add3A_477, %dma_start3A_480] : memref<256x32xf32, #tpu.memory_space<vmem>> -> memref<1x32xf32, #tpu.memory_space<vmem>>
      %dma_start3A_482 = arith.constant 0 : i32
      %dma_start3A_483 = tpu.memref_slice %arg3[%squeeze3A_479, %dma_start3A_482] : memref<2000000x32xf32, #tpu.memory_space<hbm>> -> memref<1x32xf32, #tpu.memory_space<hbm>>
      %dma_start3A_484 = arith.constant 0 : i32
      %dma_start3A_485 = tpu.memref_slice %arg7[%add3A_477, %dma_start3A_484] : memref<256x32xf32, #tpu.memory_space<vmem>> -> memref<1x32xf32, #tpu.memory_space<vmem>>
      %dma_start3A_486 = arith.constant 0 : i32
      %dma_start3A_487 = tpu.memref_slice %arg3[%squeeze3A_479, %dma_start3A_486] : memref<2000000x32xf32, #tpu.memory_space<hbm>> -> memref<1x32xf32, #tpu.memory_space<hbm>>
      tpu.enqueue_dma source(%dma_start3A_487 : memref<1x32xf32, #tpu.memory_space<hbm>>) target(%dma_start3A_485 : memref<1x32xf32, #tpu.memory_space<vmem>>) target_semaphore(%arg11 : memref<!tpu.dma_semaphore, #tpu.memory_space<semaphore_mem>>)
      %mul3A_488 = arith.constant 16 : i32
      %mul3A_489 = arith.muli %scan3A_60, %mul3A_488 : i32
      %add3A_490 = arith.constant 14 : i32
      %add3A_491 = arith.addi %mul3A_489, %add3A_490 : i32
      %slice3A_492 = vector.extract_strided_slice %add3A_82 {offsets = [14], sizes = [1], strides = [1]} : vector<16xi32> to vector<1xi32>
      %squeeze3A_493 = vector.extract %slice3A_492[0] : i32 from vector<1xi32>
      %dma_start3A_494 = arith.constant 0 : i32
      %dma_start3A_495 = tpu.memref_slice %arg8[%add3A_491, %dma_start3A_494] : memref<256x32xf32, #tpu.memory_space<vmem>> -> memref<1x32xf32, #tpu.memory_space<vmem>>
      %dma_start3A_496 = arith.constant 0 : i32
      %dma_start3A_497 = tpu.memref_slice %arg3[%squeeze3A_493, %dma_start3A_496] : memref<2000000x32xf32, #tpu.memory_space<hbm>> -> memref<1x32xf32, #tpu.memory_space<hbm>>
      %dma_start3A_498 = arith.constant 0 : i32
      %dma_start3A_499 = tpu.memref_slice %arg8[%add3A_491, %dma_start3A_498] : memref<256x32xf32, #tpu.memory_space<vmem>> -> memref<1x32xf32, #tpu.memory_space<vmem>>
      %dma_start3A_500 = arith.constant 0 : i32
      %dma_start3A_501 = tpu.memref_slice %arg3[%squeeze3A_493, %dma_start3A_500] : memref<2000000x32xf32, #tpu.memory_space<hbm>> -> memref<1x32xf32, #tpu.memory_space<hbm>>
      tpu.enqueue_dma source(%dma_start3A_501 : memref<1x32xf32, #tpu.memory_space<hbm>>) target(%dma_start3A_499 : memref<1x32xf32, #tpu.memory_space<vmem>>) target_semaphore(%arg11 : memref<!tpu.dma_semaphore, #tpu.memory_space<semaphore_mem>>)
      %mul3A_502 = arith.constant 16 : i32
      %mul3A_503 = arith.muli %scan3A_60, %mul3A_502 : i32
      %add3A_504 = arith.constant 15 : i32
      %add3A_505 = arith.addi %mul3A_503, %add3A_504 : i32
      %slice3A_506 = vector.extract_strided_slice %gather3A {offsets = [15], sizes = [1], strides = [1]} : vector<16xi32> to vector<1xi32>
      %squeeze3A_507 = vector.extract %slice3A_506[0] : i32 from vector<1xi32>
      %dma_start3A_508 = arith.constant 0 : i32
      %dma_start3A_509 = tpu.memref_slice %arg7[%add3A_505, %dma_start3A_508] : memref<256x32xf32, #tpu.memory_space<vmem>> -> memref<1x32xf32, #tpu.memory_space<vmem>>
      %dma_start3A_510 = arith.constant 0 : i32
      %dma_start3A_511 = tpu.memref_slice %arg3[%squeeze3A_507, %dma_start3A_510] : memref<2000000x32xf32, #tpu.memory_space<hbm>> -> memref<1x32xf32, #tpu.memory_space<hbm>>
      %dma_start3A_512 = arith.constant 0 : i32
      %dma_start3A_513 = tpu.memref_slice %arg7[%add3A_505, %dma_start3A_512] : memref<256x32xf32, #tpu.memory_space<vmem>> -> memref<1x32xf32, #tpu.memory_space<vmem>>
      %dma_start3A_514 = arith.constant 0 : i32
      %dma_start3A_515 = tpu.memref_slice %arg3[%squeeze3A_507, %dma_start3A_514] : memref<2000000x32xf32, #tpu.memory_space<hbm>> -> memref<1x32xf32, #tpu.memory_space<hbm>>
      tpu.enqueue_dma source(%dma_start3A_515 : memref<1x32xf32, #tpu.memory_space<hbm>>) target(%dma_start3A_513 : memref<1x32xf32, #tpu.memory_space<vmem>>) target_semaphore(%arg11 : memref<!tpu.dma_semaphore, #tpu.memory_space<semaphore_mem>>)
      %mul3A_516 = arith.constant 16 : i32
      %mul3A_517 = arith.muli %scan3A_60, %mul3A_516 : i32
      %add3A_518 = arith.constant 15 : i32
      %add3A_519 = arith.addi %mul3A_517, %add3A_518 : i32
      %slice3A_520 = vector.extract_strided_slice %add3A_82 {offsets = [15], sizes = [1], strides = [1]} : vector<16xi32> to vector<1xi32>
      %squeeze3A_521 = vector.extract %slice3A_520[0] : i32 from vector<1xi32>
      %dma_start3A_522 = arith.constant 0 : i32
      %dma_start3A_523 = tpu.memref_slice %arg8[%add3A_519, %dma_start3A_522] : memref<256x32xf32, #tpu.memory_space<vmem>> -> memref<1x32xf32, #tpu.memory_space<vmem>>
      %dma_start3A_524 = arith.constant 0 : i32
      %dma_start3A_525 = tpu.memref_slice %arg3[%squeeze3A_521, %dma_start3A_524] : memref<2000000x32xf32, #tpu.memory_space<hbm>> -> memref<1x32xf32, #tpu.memory_space<hbm>>
      %dma_start3A_526 = arith.constant 0 : i32
      %dma_start3A_527 = tpu.memref_slice %arg8[%add3A_519, %dma_start3A_526] : memref<256x32xf32, #tpu.memory_space<vmem>> -> memref<1x32xf32, #tpu.memory_space<vmem>>
      %dma_start3A_528 = arith.constant 0 : i32
      %dma_start3A_529 = tpu.memref_slice %arg3[%squeeze3A_521, %dma_start3A_528] : memref<2000000x32xf32, #tpu.memory_space<hbm>> -> memref<1x32xf32, #tpu.memory_space<hbm>>
      tpu.enqueue_dma source(%dma_start3A_529 : memref<1x32xf32, #tpu.memory_space<hbm>>) target(%dma_start3A_527 : memref<1x32xf32, #tpu.memory_space<vmem>>) target_semaphore(%arg11 : memref<!tpu.dma_semaphore, #tpu.memory_space<semaphore_mem>>)
      %scan3A_530 = arith.constant 0 : i32
      scf.yield %scan3A_530 : i32
    }
    %scan3A_15 = arith.constant 16 : i32
    %dma_wait3A = arith.constant 0 : i32
    %dma_wait3A_16 = arith.constant 0 : i32
    %dma_wait3A_17 = tpu.memref_slice %arg3[%dma_wait3A, %dma_wait3A_16] : memref<2000000x32xf32, #tpu.memory_space<hbm>> -> memref<256x32xf32, #tpu.memory_space<hbm>>
    %dma_wait3A_18 = arith.constant 0 : i32
    %dma_wait3A_19 = arith.constant 0 : i32
    %dma_wait3A_20 = tpu.memref_slice %arg3[%dma_wait3A_18, %dma_wait3A_19] : memref<2000000x32xf32, #tpu.memory_space<hbm>> -> memref<256x32xf32, #tpu.memory_space<hbm>>
    tpu.wait_dma2 semaphore(%arg11 : memref<!tpu.dma_semaphore, #tpu.memory_space<semaphore_mem>>) src(%dma_wait3A_20 : memref<256x32xf32, #tpu.memory_space<hbm>>) dst(%arg7 : memref<256x32xf32, #tpu.memory_space<vmem>>)
    %dma_wait3A_21 = arith.constant 0 : i32
    %dma_wait3A_22 = arith.constant 0 : i32
    %dma_wait3A_23 = tpu.memref_slice %arg3[%dma_wait3A_21, %dma_wait3A_22] : memref<2000000x32xf32, #tpu.memory_space<hbm>> -> memref<256x32xf32, #tpu.memory_space<hbm>>
    %dma_wait3A_24 = arith.constant 0 : i32
    %dma_wait3A_25 = arith.constant 0 : i32
    %dma_wait3A_26 = tpu.memref_slice %arg3[%dma_wait3A_24, %dma_wait3A_25] : memref<2000000x32xf32, #tpu.memory_space<hbm>> -> memref<256x32xf32, #tpu.memory_space<hbm>>
    tpu.wait_dma2 semaphore(%arg11 : memref<!tpu.dma_semaphore, #tpu.memory_space<semaphore_mem>>) src(%dma_wait3A_26 : memref<256x32xf32, #tpu.memory_space<hbm>>) dst(%arg8 : memref<256x32xf32, #tpu.memory_space<vmem>>)
    %scan3A_27 = arith.constant 0 : i32
    %scan3A_28 = arith.constant 0 : i32
    %scan3A_29 = arith.constant 16 : i32
    %scan3A_30 = arith.addi %scan3A_28, %scan3A_29 : i32
    %scan3A_31 = arith.constant 1 : i32
    %scan3A_32 = scf.for %scan3A_60 = %scan3A_28 to %scan3A_30 step %scan3A_31 iter_args(%scan3A_61 = %scan3A_27) -> (i32)  : i32 {
      %mul3A_62 = arith.constant 16 : i32
      %mul3A_63 = arith.muli %scan3A_60, %mul3A_62 : i32
      %broadcast_in_dim3A_64 = arith.constant 0.000000e+00 : f32
      %broadcast_in_dim3A_65 = vector.broadcast %broadcast_in_dim3A_64 : f32 to vector<16xf32>
      %add3A_66 = arith.constant 0 : i32
      %add3A_67 = arith.addi %mul3A_63, %add3A_66 : i32
      %get3A_68 = arith.index_cast %add3A_67 : i32 to index
      %get3A_69 = arith.constant 0 : index
      %get3A_70 = tpu.vector_load %arg7[%get3A_68, %get3A_69] {strides = array<i32>} : memref<256x32xf32, #tpu.memory_space<vmem>>, vector<16xf32>,
      %get3A_71 = arith.index_cast %add3A_67 : i32 to index
      %get3A_72 = arith.constant 16 : index
      %get3A_73 = tpu.vector_load %arg7[%get3A_71, %get3A_72] {strides = array<i32>} : memref<256x32xf32, #tpu.memory_space<vmem>>, vector<16xf32>,
      %get3A_74 = arith.index_cast %add3A_67 : i32 to index
      %get3A_75 = arith.constant 0 : index
      %get3A_76 = tpu.vector_load %arg8[%get3A_74, %get3A_75] {strides = array<i32>} : memref<256x32xf32, #tpu.memory_space<vmem>>, vector<16xf32>,
      %get3A_77 = arith.index_cast %add3A_67 : i32 to index
      %get3A_78 = arith.constant 16 : index
      %get3A_79 = tpu.vector_load %arg8[%get3A_77, %get3A_78] {strides = array<i32>} : memref<256x32xf32, #tpu.memory_space<vmem>>, vector<16xf32>,
      %mul3A_80 = arith.mulf %get3A_70, %get3A_76 : vector<16xf32>
      %mul3A_81 = arith.mulf %mul3A_80, %get3A_5 : vector<16xf32>
      %mul3A_82 = arith.mulf %get3A_73, %get3A_79 : vector<16xf32>
      %mul3A_83 = arith.mulf %mul3A_82, %get3A_7 : vector<16xf32>
      %add3A_84 = arith.addf %mul3A_81, %mul3A_83 : vector<16xf32>
      %eq3A = arith.constant 0 : i32
      %eq3A_85 = vector.broadcast %eq3A : i32 to vector<16xi32>
      %eq3A_86 = arith.cmpi eq, %iota3A, %eq3A_85 : vector<16xi32>
      %reduce_sum3A = arith.constant true
      %reduce_sum3A_87 = vector.broadcast %reduce_sum3A : i1 to vector<16xi1>
      %reduce_sum3A_88 = tpu.scan <sum>, %add3A_84 masked %reduce_sum3A_87 : vector<16xf32>, vector<16xi1> -> vector<16xf32>
      %reduce_sum3A_89 = vector.extract %reduce_sum3A_88[15] : f32 from vector<16xf32>
      %broadcast_in_dim3A_90 = vector.broadcast %reduce_sum3A_89 : f32 to vector<16xf32>
      %select_n3A = arith.select %eq3A_86, %broadcast_in_dim3A_90, %broadcast_in_dim3A_65 : vector<16xi1>, vector<16xf32>
      %add3A_91 = arith.constant 1 : i32
      %add3A_92 = arith.addi %mul3A_63, %add3A_91 : i32
      %get3A_93 = arith.index_cast %add3A_92 : i32 to index
      %get3A_94 = arith.constant 0 : index
      %get3A_95 = tpu.vector_load %arg7[%get3A_93, %get3A_94] {strides = array<i32>} : memref<256x32xf32, #tpu.memory_space<vmem>>, vector<16xf32>,
      %get3A_96 = arith.index_cast %add3A_92 : i32 to index
      %get3A_97 = arith.constant 16 : index
      %get3A_98 = tpu.vector_load %arg7[%get3A_96, %get3A_97] {strides = array<i32>} : memref<256x32xf32, #tpu.memory_space<vmem>>, vector<16xf32>,
      %get3A_99 = arith.index_cast %add3A_92 : i32 to index
      %get3A_100 = arith.constant 0 : index
      %get3A_101 = tpu.vector_load %arg8[%get3A_99, %get3A_100] {strides = array<i32>} : memref<256x32xf32, #tpu.memory_space<vmem>>, vector<16xf32>,
      %get3A_102 = arith.index_cast %add3A_92 : i32 to index
      %get3A_103 = arith.constant 16 : index
      %get3A_104 = tpu.vector_load %arg8[%get3A_102, %get3A_103] {strides = array<i32>} : memref<256x32xf32, #tpu.memory_space<vmem>>, vector<16xf32>,
      %mul3A_105 = arith.mulf %get3A_95, %get3A_101 : vector<16xf32>
      %mul3A_106 = arith.mulf %mul3A_105, %get3A_5 : vector<16xf32>
      %mul3A_107 = arith.mulf %get3A_98, %get3A_104 : vector<16xf32>
      %mul3A_108 = arith.mulf %mul3A_107, %get3A_7 : vector<16xf32>
      %add3A_109 = arith.addf %mul3A_106, %mul3A_108 : vector<16xf32>
      %eq3A_110 = arith.constant 1 : i32
      %eq3A_111 = vector.broadcast %eq3A_110 : i32 to vector<16xi32>
      %eq3A_112 = arith.cmpi eq, %iota3A, %eq3A_111 : vector<16xi32>
      %reduce_sum3A_113 = arith.constant true
      %reduce_sum3A_114 = vector.broadcast %reduce_sum3A_113 : i1 to vector<16xi1>
      %reduce_sum3A_115 = tpu.scan <sum>, %add3A_109 masked %reduce_sum3A_114 : vector<16xf32>, vector<16xi1> -> vector<16xf32>
      %reduce_sum3A_116 = vector.extract %reduce_sum3A_115[15] : f32 from vector<16xf32>
      %broadcast_in_dim3A_117 = vector.broadcast %reduce_sum3A_116 : f32 to vector<16xf32>
      %select_n3A_118 = arith.select %eq3A_112, %broadcast_in_dim3A_117, %select_n3A : vector<16xi1>, vector<16xf32>
      %add3A_119 = arith.constant 2 : i32
      %add3A_120 = arith.addi %mul3A_63, %add3A_119 : i32
      %get3A_121 = arith.index_cast %add3A_120 : i32 to index
      %get3A_122 = arith.constant 0 : index
      %get3A_123 = tpu.vector_load %arg7[%get3A_121, %get3A_122] {strides = array<i32>} : memref<256x32xf32, #tpu.memory_space<vmem>>, vector<16xf32>,
      %get3A_124 = arith.index_cast %add3A_120 : i32 to index
      %get3A_125 = arith.constant 16 : index
      %get3A_126 = tpu.vector_load %arg7[%get3A_124, %get3A_125] {strides = array<i32>} : memref<256x32xf32, #tpu.memory_space<vmem>>, vector<16xf32>,
      %get3A_127 = arith.index_cast %add3A_120 : i32 to index
      %get3A_128 = arith.constant 0 : index
      %get3A_129 = tpu.vector_load %arg8[%get3A_127, %get3A_128] {strides = array<i32>} : memref<256x32xf32, #tpu.memory_space<vmem>>, vector<16xf32>,
      %get3A_130 = arith.index_cast %add3A_120 : i32 to index
      %get3A_131 = arith.constant 16 : index
      %get3A_132 = tpu.vector_load %arg8[%get3A_130, %get3A_131] {strides = array<i32>} : memref<256x32xf32, #tpu.memory_space<vmem>>, vector<16xf32>,
      %mul3A_133 = arith.mulf %get3A_123, %get3A_129 : vector<16xf32>
      %mul3A_134 = arith.mulf %mul3A_133, %get3A_5 : vector<16xf32>
      %mul3A_135 = arith.mulf %get3A_126, %get3A_132 : vector<16xf32>
      %mul3A_136 = arith.mulf %mul3A_135, %get3A_7 : vector<16xf32>
      %add3A_137 = arith.addf %mul3A_134, %mul3A_136 : vector<16xf32>
      %eq3A_138 = arith.constant 2 : i32
      %eq3A_139 = vector.broadcast %eq3A_138 : i32 to vector<16xi32>
      %eq3A_140 = arith.cmpi eq, %iota3A, %eq3A_139 : vector<16xi32>
      %reduce_sum3A_141 = arith.constant true
      %reduce_sum3A_142 = vector.broadcast %reduce_sum3A_141 : i1 to vector<16xi1>
      %reduce_sum3A_143 = tpu.scan <sum>, %add3A_137 masked %reduce_sum3A_142 : vector<16xf32>, vector<16xi1> -> vector<16xf32>
      %reduce_sum3A_144 = vector.extract %reduce_sum3A_143[15] : f32 from vector<16xf32>
      %broadcast_in_dim3A_145 = vector.broadcast %reduce_sum3A_144 : f32 to vector<16xf32>
      %select_n3A_146 = arith.select %eq3A_140, %broadcast_in_dim3A_145, %select_n3A_118 : vector<16xi1>, vector<16xf32>
      %add3A_147 = arith.constant 3 : i32
      %add3A_148 = arith.addi %mul3A_63, %add3A_147 : i32
      %get3A_149 = arith.index_cast %add3A_148 : i32 to index
      %get3A_150 = arith.constant 0 : index
      %get3A_151 = tpu.vector_load %arg7[%get3A_149, %get3A_150] {strides = array<i32>} : memref<256x32xf32, #tpu.memory_space<vmem>>, vector<16xf32>,
      %get3A_152 = arith.index_cast %add3A_148 : i32 to index
      %get3A_153 = arith.constant 16 : index
      %get3A_154 = tpu.vector_load %arg7[%get3A_152, %get3A_153] {strides = array<i32>} : memref<256x32xf32, #tpu.memory_space<vmem>>, vector<16xf32>,
      %get3A_155 = arith.index_cast %add3A_148 : i32 to index
      %get3A_156 = arith.constant 0 : index
      %get3A_157 = tpu.vector_load %arg8[%get3A_155, %get3A_156] {strides = array<i32>} : memref<256x32xf32, #tpu.memory_space<vmem>>, vector<16xf32>,
      %get3A_158 = arith.index_cast %add3A_148 : i32 to index
      %get3A_159 = arith.constant 16 : index
      %get3A_160 = tpu.vector_load %arg8[%get3A_158, %get3A_159] {strides = array<i32>} : memref<256x32xf32, #tpu.memory_space<vmem>>, vector<16xf32>,
      %mul3A_161 = arith.mulf %get3A_151, %get3A_157 : vector<16xf32>
      %mul3A_162 = arith.mulf %mul3A_161, %get3A_5 : vector<16xf32>
      %mul3A_163 = arith.mulf %get3A_154, %get3A_160 : vector<16xf32>
      %mul3A_164 = arith.mulf %mul3A_163, %get3A_7 : vector<16xf32>
      %add3A_165 = arith.addf %mul3A_162, %mul3A_164 : vector<16xf32>
      %eq3A_166 = arith.constant 3 : i32
      %eq3A_167 = vector.broadcast %eq3A_166 : i32 to vector<16xi32>
      %eq3A_168 = arith.cmpi eq, %iota3A, %eq3A_167 : vector<16xi32>
      %reduce_sum3A_169 = arith.constant true
      %reduce_sum3A_170 = vector.broadcast %reduce_sum3A_169 : i1 to vector<16xi1>
      %reduce_sum3A_171 = tpu.scan <sum>, %add3A_165 masked %reduce_sum3A_170 : vector<16xf32>, vector<16xi1> -> vector<16xf32>
      %reduce_sum3A_172 = vector.extract %reduce_sum3A_171[15] : f32 from vector<16xf32>
      %broadcast_in_dim3A_173 = vector.broadcast %reduce_sum3A_172 : f32 to vector<16xf32>
      %select_n3A_174 = arith.select %eq3A_168, %broadcast_in_dim3A_173, %select_n3A_146 : vector<16xi1>, vector<16xf32>
      %add3A_175 = arith.constant 4 : i32
      %add3A_176 = arith.addi %mul3A_63, %add3A_175 : i32
      %get3A_177 = arith.index_cast %add3A_176 : i32 to index
      %get3A_178 = arith.constant 0 : index
      %get3A_179 = tpu.vector_load %arg7[%get3A_177, %get3A_178] {strides = array<i32>} : memref<256x32xf32, #tpu.memory_space<vmem>>, vector<16xf32>,
      %get3A_180 = arith.index_cast %add3A_176 : i32 to index
      %get3A_181 = arith.constant 16 : index
      %get3A_182 = tpu.vector_load %arg7[%get3A_180, %get3A_181] {strides = array<i32>} : memref<256x32xf32, #tpu.memory_space<vmem>>, vector<16xf32>,
      %get3A_183 = arith.index_cast %add3A_176 : i32 to index
      %get3A_184 = arith.constant 0 : index
      %get3A_185 = tpu.vector_load %arg8[%get3A_183, %get3A_184] {strides = array<i32>} : memref<256x32xf32, #tpu.memory_space<vmem>>, vector<16xf32>,
      %get3A_186 = arith.index_cast %add3A_176 : i32 to index
      %get3A_187 = arith.constant 16 : index
      %get3A_188 = tpu.vector_load %arg8[%get3A_186, %get3A_187] {strides = array<i32>} : memref<256x32xf32, #tpu.memory_space<vmem>>, vector<16xf32>,
      %mul3A_189 = arith.mulf %get3A_179, %get3A_185 : vector<16xf32>
      %mul3A_190 = arith.mulf %mul3A_189, %get3A_5 : vector<16xf32>
      %mul3A_191 = arith.mulf %get3A_182, %get3A_188 : vector<16xf32>
      %mul3A_192 = arith.mulf %mul3A_191, %get3A_7 : vector<16xf32>
      %add3A_193 = arith.addf %mul3A_190, %mul3A_192 : vector<16xf32>
      %eq3A_194 = arith.constant 4 : i32
      %eq3A_195 = vector.broadcast %eq3A_194 : i32 to vector<16xi32>
      %eq3A_196 = arith.cmpi eq, %iota3A, %eq3A_195 : vector<16xi32>
      %reduce_sum3A_197 = arith.constant true
      %reduce_sum3A_198 = vector.broadcast %reduce_sum3A_197 : i1 to vector<16xi1>
      %reduce_sum3A_199 = tpu.scan <sum>, %add3A_193 masked %reduce_sum3A_198 : vector<16xf32>, vector<16xi1> -> vector<16xf32>
      %reduce_sum3A_200 = vector.extract %reduce_sum3A_199[15] : f32 from vector<16xf32>
      %broadcast_in_dim3A_201 = vector.broadcast %reduce_sum3A_200 : f32 to vector<16xf32>
      %select_n3A_202 = arith.select %eq3A_196, %broadcast_in_dim3A_201, %select_n3A_174 : vector<16xi1>, vector<16xf32>
      %add3A_203 = arith.constant 5 : i32
      %add3A_204 = arith.addi %mul3A_63, %add3A_203 : i32
      %get3A_205 = arith.index_cast %add3A_204 : i32 to index
      %get3A_206 = arith.constant 0 : index
      %get3A_207 = tpu.vector_load %arg7[%get3A_205, %get3A_206] {strides = array<i32>} : memref<256x32xf32, #tpu.memory_space<vmem>>, vector<16xf32>,
      %get3A_208 = arith.index_cast %add3A_204 : i32 to index
      %get3A_209 = arith.constant 16 : index
      %get3A_210 = tpu.vector_load %arg7[%get3A_208, %get3A_209] {strides = array<i32>} : memref<256x32xf32, #tpu.memory_space<vmem>>, vector<16xf32>,
      %get3A_211 = arith.index_cast %add3A_204 : i32 to index
      %get3A_212 = arith.constant 0 : index
      %get3A_213 = tpu.vector_load %arg8[%get3A_211, %get3A_212] {strides = array<i32>} : memref<256x32xf32, #tpu.memory_space<vmem>>, vector<16xf32>,
      %get3A_214 = arith.index_cast %add3A_204 : i32 to index
      %get3A_215 = arith.constant 16 : index
      %get3A_216 = tpu.vector_load %arg8[%get3A_214, %get3A_215] {strides = array<i32>} : memref<256x32xf32, #tpu.memory_space<vmem>>, vector<16xf32>,
      %mul3A_217 = arith.mulf %get3A_207, %get3A_213 : vector<16xf32>
      %mul3A_218 = arith.mulf %mul3A_217, %get3A_5 : vector<16xf32>
      %mul3A_219 = arith.mulf %get3A_210, %get3A_216 : vector<16xf32>
      %mul3A_220 = arith.mulf %mul3A_219, %get3A_7 : vector<16xf32>
      %add3A_221 = arith.addf %mul3A_218, %mul3A_220 : vector<16xf32>
      %eq3A_222 = arith.constant 5 : i32
      %eq3A_223 = vector.broadcast %eq3A_222 : i32 to vector<16xi32>
      %eq3A_224 = arith.cmpi eq, %iota3A, %eq3A_223 : vector<16xi32>
      %reduce_sum3A_225 = arith.constant true
      %reduce_sum3A_226 = vector.broadcast %reduce_sum3A_225 : i1 to vector<16xi1>
      %reduce_sum3A_227 = tpu.scan <sum>, %add3A_221 masked %reduce_sum3A_226 : vector<16xf32>, vector<16xi1> -> vector<16xf32>
      %reduce_sum3A_228 = vector.extract %reduce_sum3A_227[15] : f32 from vector<16xf32>
      %broadcast_in_dim3A_229 = vector.broadcast %reduce_sum3A_228 : f32 to vector<16xf32>
      %select_n3A_230 = arith.select %eq3A_224, %broadcast_in_dim3A_229, %select_n3A_202 : vector<16xi1>, vector<16xf32>
      %add3A_231 = arith.constant 6 : i32
      %add3A_232 = arith.addi %mul3A_63, %add3A_231 : i32
      %get3A_233 = arith.index_cast %add3A_232 : i32 to index
      %get3A_234 = arith.constant 0 : index
      %get3A_235 = tpu.vector_load %arg7[%get3A_233, %get3A_234] {strides = array<i32>} : memref<256x32xf32, #tpu.memory_space<vmem>>, vector<16xf32>,
      %get3A_236 = arith.index_cast %add3A_232 : i32 to index
      %get3A_237 = arith.constant 16 : index
      %get3A_238 = tpu.vector_load %arg7[%get3A_236, %get3A_237] {strides = array<i32>} : memref<256x32xf32, #tpu.memory_space<vmem>>, vector<16xf32>,
      %get3A_239 = arith.index_cast %add3A_232 : i32 to index
      %get3A_240 = arith.constant 0 : index
      %get3A_241 = tpu.vector_load %arg8[%get3A_239, %get3A_240] {strides = array<i32>} : memref<256x32xf32, #tpu.memory_space<vmem>>, vector<16xf32>,
      %get3A_242 = arith.index_cast %add3A_232 : i32 to index
      %get3A_243 = arith.constant 16 : index
      %get3A_244 = tpu.vector_load %arg8[%get3A_242, %get3A_243] {strides = array<i32>} : memref<256x32xf32, #tpu.memory_space<vmem>>, vector<16xf32>,
      %mul3A_245 = arith.mulf %get3A_235, %get3A_241 : vector<16xf32>
      %mul3A_246 = arith.mulf %mul3A_245, %get3A_5 : vector<16xf32>
      %mul3A_247 = arith.mulf %get3A_238, %get3A_244 : vector<16xf32>
      %mul3A_248 = arith.mulf %mul3A_247, %get3A_7 : vector<16xf32>
      %add3A_249 = arith.addf %mul3A_246, %mul3A_248 : vector<16xf32>
      %eq3A_250 = arith.constant 6 : i32
      %eq3A_251 = vector.broadcast %eq3A_250 : i32 to vector<16xi32>
      %eq3A_252 = arith.cmpi eq, %iota3A, %eq3A_251 : vector<16xi32>
      %reduce_sum3A_253 = arith.constant true
      %reduce_sum3A_254 = vector.broadcast %reduce_sum3A_253 : i1 to vector<16xi1>
      %reduce_sum3A_255 = tpu.scan <sum>, %add3A_249 masked %reduce_sum3A_254 : vector<16xf32>, vector<16xi1> -> vector<16xf32>
      %reduce_sum3A_256 = vector.extract %reduce_sum3A_255[15] : f32 from vector<16xf32>
      %broadcast_in_dim3A_257 = vector.broadcast %reduce_sum3A_256 : f32 to vector<16xf32>
      %select_n3A_258 = arith.select %eq3A_252, %broadcast_in_dim3A_257, %select_n3A_230 : vector<16xi1>, vector<16xf32>
      %add3A_259 = arith.constant 7 : i32
      %add3A_260 = arith.addi %mul3A_63, %add3A_259 : i32
      %get3A_261 = arith.index_cast %add3A_260 : i32 to index
      %get3A_262 = arith.constant 0 : index
      %get3A_263 = tpu.vector_load %arg7[%get3A_261, %get3A_262] {strides = array<i32>} : memref<256x32xf32, #tpu.memory_space<vmem>>, vector<16xf32>,
      %get3A_264 = arith.index_cast %add3A_260 : i32 to index
      %get3A_265 = arith.constant 16 : index
      %get3A_266 = tpu.vector_load %arg7[%get3A_264, %get3A_265] {strides = array<i32>} : memref<256x32xf32, #tpu.memory_space<vmem>>, vector<16xf32>,
      %get3A_267 = arith.index_cast %add3A_260 : i32 to index
      %get3A_268 = arith.constant 0 : index
      %get3A_269 = tpu.vector_load %arg8[%get3A_267, %get3A_268] {strides = array<i32>} : memref<256x32xf32, #tpu.memory_space<vmem>>, vector<16xf32>,
      %get3A_270 = arith.index_cast %add3A_260 : i32 to index
      %get3A_271 = arith.constant 16 : index
      %get3A_272 = tpu.vector_load %arg8[%get3A_270, %get3A_271] {strides = array<i32>} : memref<256x32xf32, #tpu.memory_space<vmem>>, vector<16xf32>,
      %mul3A_273 = arith.mulf %get3A_263, %get3A_269 : vector<16xf32>
      %mul3A_274 = arith.mulf %mul3A_273, %get3A_5 : vector<16xf32>
      %mul3A_275 = arith.mulf %get3A_266, %get3A_272 : vector<16xf32>
      %mul3A_276 = arith.mulf %mul3A_275, %get3A_7 : vector<16xf32>
      %add3A_277 = arith.addf %mul3A_274, %mul3A_276 : vector<16xf32>
      %eq3A_278 = arith.constant 7 : i32
      %eq3A_279 = vector.broadcast %eq3A_278 : i32 to vector<16xi32>
      %eq3A_280 = arith.cmpi eq, %iota3A, %eq3A_279 : vector<16xi32>
      %reduce_sum3A_281 = arith.constant true
      %reduce_sum3A_282 = vector.broadcast %reduce_sum3A_281 : i1 to vector<16xi1>
      %reduce_sum3A_283 = tpu.scan <sum>, %add3A_277 masked %reduce_sum3A_282 : vector<16xf32>, vector<16xi1> -> vector<16xf32>
      %reduce_sum3A_284 = vector.extract %reduce_sum3A_283[15] : f32 from vector<16xf32>
      %broadcast_in_dim3A_285 = vector.broadcast %reduce_sum3A_284 : f32 to vector<16xf32>
      %select_n3A_286 = arith.select %eq3A_280, %broadcast_in_dim3A_285, %select_n3A_258 : vector<16xi1>, vector<16xf32>
      %add3A_287 = arith.constant 8 : i32
      %add3A_288 = arith.addi %mul3A_63, %add3A_287 : i32
      %get3A_289 = arith.index_cast %add3A_288 : i32 to index
      %get3A_290 = arith.constant 0 : index
      %get3A_291 = tpu.vector_load %arg7[%get3A_289, %get3A_290] {strides = array<i32>} : memref<256x32xf32, #tpu.memory_space<vmem>>, vector<16xf32>,
      %get3A_292 = arith.index_cast %add3A_288 : i32 to index
      %get3A_293 = arith.constant 16 : index
      %get3A_294 = tpu.vector_load %arg7[%get3A_292, %get3A_293] {strides = array<i32>} : memref<256x32xf32, #tpu.memory_space<vmem>>, vector<16xf32>,
      %get3A_295 = arith.index_cast %add3A_288 : i32 to index
      %get3A_296 = arith.constant 0 : index
      %get3A_297 = tpu.vector_load %arg8[%get3A_295, %get3A_296] {strides = array<i32>} : memref<256x32xf32, #tpu.memory_space<vmem>>, vector<16xf32>,
      %get3A_298 = arith.index_cast %add3A_288 : i32 to index
      %get3A_299 = arith.constant 16 : index
      %get3A_300 = tpu.vector_load %arg8[%get3A_298, %get3A_299] {strides = array<i32>} : memref<256x32xf32, #tpu.memory_space<vmem>>, vector<16xf32>,
      %mul3A_301 = arith.mulf %get3A_291, %get3A_297 : vector<16xf32>
      %mul3A_302 = arith.mulf %mul3A_301, %get3A_5 : vector<16xf32>
      %mul3A_303 = arith.mulf %get3A_294, %get3A_300 : vector<16xf32>
      %mul3A_304 = arith.mulf %mul3A_303, %get3A_7 : vector<16xf32>
      %add3A_305 = arith.addf %mul3A_302, %mul3A_304 : vector<16xf32>
      %eq3A_306 = arith.constant 8 : i32
      %eq3A_307 = vector.broadcast %eq3A_306 : i32 to vector<16xi32>
      %eq3A_308 = arith.cmpi eq, %iota3A, %eq3A_307 : vector<16xi32>
      %reduce_sum3A_309 = arith.constant true
      %reduce_sum3A_310 = vector.broadcast %reduce_sum3A_309 : i1 to vector<16xi1>
      %reduce_sum3A_311 = tpu.scan <sum>, %add3A_305 masked %reduce_sum3A_310 : vector<16xf32>, vector<16xi1> -> vector<16xf32>
      %reduce_sum3A_312 = vector.extract %reduce_sum3A_311[15] : f32 from vector<16xf32>
      %broadcast_in_dim3A_313 = vector.broadcast %reduce_sum3A_312 : f32 to vector<16xf32>
      %select_n3A_314 = arith.select %eq3A_308, %broadcast_in_dim3A_313, %select_n3A_286 : vector<16xi1>, vector<16xf32>
      %add3A_315 = arith.constant 9 : i32
      %add3A_316 = arith.addi %mul3A_63, %add3A_315 : i32
      %get3A_317 = arith.index_cast %add3A_316 : i32 to index
      %get3A_318 = arith.constant 0 : index
      %get3A_319 = tpu.vector_load %arg7[%get3A_317, %get3A_318] {strides = array<i32>} : memref<256x32xf32, #tpu.memory_space<vmem>>, vector<16xf32>,
      %get3A_320 = arith.index_cast %add3A_316 : i32 to index
      %get3A_321 = arith.constant 16 : index
      %get3A_322 = tpu.vector_load %arg7[%get3A_320, %get3A_321] {strides = array<i32>} : memref<256x32xf32, #tpu.memory_space<vmem>>, vector<16xf32>,
      %get3A_323 = arith.index_cast %add3A_316 : i32 to index
      %get3A_324 = arith.constant 0 : index
      %get3A_325 = tpu.vector_load %arg8[%get3A_323, %get3A_324] {strides = array<i32>} : memref<256x32xf32, #tpu.memory_space<vmem>>, vector<16xf32>,
      %get3A_326 = arith.index_cast %add3A_316 : i32 to index
      %get3A_327 = arith.constant 16 : index
      %get3A_328 = tpu.vector_load %arg8[%get3A_326, %get3A_327] {strides = array<i32>} : memref<256x32xf32, #tpu.memory_space<vmem>>, vector<16xf32>,
      %mul3A_329 = arith.mulf %get3A_319, %get3A_325 : vector<16xf32>
      %mul3A_330 = arith.mulf %mul3A_329, %get3A_5 : vector<16xf32>
      %mul3A_331 = arith.mulf %get3A_322, %get3A_328 : vector<16xf32>
      %mul3A_332 = arith.mulf %mul3A_331, %get3A_7 : vector<16xf32>
      %add3A_333 = arith.addf %mul3A_330, %mul3A_332 : vector<16xf32>
      %eq3A_334 = arith.constant 9 : i32
      %eq3A_335 = vector.broadcast %eq3A_334 : i32 to vector<16xi32>
      %eq3A_336 = arith.cmpi eq, %iota3A, %eq3A_335 : vector<16xi32>
      %reduce_sum3A_337 = arith.constant true
      %reduce_sum3A_338 = vector.broadcast %reduce_sum3A_337 : i1 to vector<16xi1>
      %reduce_sum3A_339 = tpu.scan <sum>, %add3A_333 masked %reduce_sum3A_338 : vector<16xf32>, vector<16xi1> -> vector<16xf32>
      %reduce_sum3A_340 = vector.extract %reduce_sum3A_339[15] : f32 from vector<16xf32>
      %broadcast_in_dim3A_341 = vector.broadcast %reduce_sum3A_340 : f32 to vector<16xf32>
      %select_n3A_342 = arith.select %eq3A_336, %broadcast_in_dim3A_341, %select_n3A_314 : vector<16xi1>, vector<16xf32>
      %add3A_343 = arith.constant 10 : i32
      %add3A_344 = arith.addi %mul3A_63, %add3A_343 : i32
      %get3A_345 = arith.index_cast %add3A_344 : i32 to index
      %get3A_346 = arith.constant 0 : index
      %get3A_347 = tpu.vector_load %arg7[%get3A_345, %get3A_346] {strides = array<i32>} : memref<256x32xf32, #tpu.memory_space<vmem>>, vector<16xf32>,
      %get3A_348 = arith.index_cast %add3A_344 : i32 to index
      %get3A_349 = arith.constant 16 : index
      %get3A_350 = tpu.vector_load %arg7[%get3A_348, %get3A_349] {strides = array<i32>} : memref<256x32xf32, #tpu.memory_space<vmem>>, vector<16xf32>,
      %get3A_351 = arith.index_cast %add3A_344 : i32 to index
      %get3A_352 = arith.constant 0 : index
      %get3A_353 = tpu.vector_load %arg8[%get3A_351, %get3A_352] {strides = array<i32>} : memref<256x32xf32, #tpu.memory_space<vmem>>, vector<16xf32>,
      %get3A_354 = arith.index_cast %add3A_344 : i32 to index
      %get3A_355 = arith.constant 16 : index
      %get3A_356 = tpu.vector_load %arg8[%get3A_354, %get3A_355] {strides = array<i32>} : memref<256x32xf32, #tpu.memory_space<vmem>>, vector<16xf32>,
      %mul3A_357 = arith.mulf %get3A_347, %get3A_353 : vector<16xf32>
      %mul3A_358 = arith.mulf %mul3A_357, %get3A_5 : vector<16xf32>
      %mul3A_359 = arith.mulf %get3A_350, %get3A_356 : vector<16xf32>
      %mul3A_360 = arith.mulf %mul3A_359, %get3A_7 : vector<16xf32>
      %add3A_361 = arith.addf %mul3A_358, %mul3A_360 : vector<16xf32>
      %eq3A_362 = arith.constant 10 : i32
      %eq3A_363 = vector.broadcast %eq3A_362 : i32 to vector<16xi32>
      %eq3A_364 = arith.cmpi eq, %iota3A, %eq3A_363 : vector<16xi32>
      %reduce_sum3A_365 = arith.constant true
      %reduce_sum3A_366 = vector.broadcast %reduce_sum3A_365 : i1 to vector<16xi1>
      %reduce_sum3A_367 = tpu.scan <sum>, %add3A_361 masked %reduce_sum3A_366 : vector<16xf32>, vector<16xi1> -> vector<16xf32>
      %reduce_sum3A_368 = vector.extract %reduce_sum3A_367[15] : f32 from vector<16xf32>
      %broadcast_in_dim3A_369 = vector.broadcast %reduce_sum3A_368 : f32 to vector<16xf32>
      %select_n3A_370 = arith.select %eq3A_364, %broadcast_in_dim3A_369, %select_n3A_342 : vector<16xi1>, vector<16xf32>
      %add3A_371 = arith.constant 11 : i32
      %add3A_372 = arith.addi %mul3A_63, %add3A_371 : i32
      %get3A_373 = arith.index_cast %add3A_372 : i32 to index
      %get3A_374 = arith.constant 0 : index
      %get3A_375 = tpu.vector_load %arg7[%get3A_373, %get3A_374] {strides = array<i32>} : memref<256x32xf32, #tpu.memory_space<vmem>>, vector<16xf32>,
      %get3A_376 = arith.index_cast %add3A_372 : i32 to index
      %get3A_377 = arith.constant 16 : index
      %get3A_378 = tpu.vector_load %arg7[%get3A_376, %get3A_377] {strides = array<i32>} : memref<256x32xf32, #tpu.memory_space<vmem>>, vector<16xf32>,
      %get3A_379 = arith.index_cast %add3A_372 : i32 to index
      %get3A_380 = arith.constant 0 : index
      %get3A_381 = tpu.vector_load %arg8[%get3A_379, %get3A_380] {strides = array<i32>} : memref<256x32xf32, #tpu.memory_space<vmem>>, vector<16xf32>,
      %get3A_382 = arith.index_cast %add3A_372 : i32 to index
      %get3A_383 = arith.constant 16 : index
      %get3A_384 = tpu.vector_load %arg8[%get3A_382, %get3A_383] {strides = array<i32>} : memref<256x32xf32, #tpu.memory_space<vmem>>, vector<16xf32>,
      %mul3A_385 = arith.mulf %get3A_375, %get3A_381 : vector<16xf32>
      %mul3A_386 = arith.mulf %mul3A_385, %get3A_5 : vector<16xf32>
      %mul3A_387 = arith.mulf %get3A_378, %get3A_384 : vector<16xf32>
      %mul3A_388 = arith.mulf %mul3A_387, %get3A_7 : vector<16xf32>
      %add3A_389 = arith.addf %mul3A_386, %mul3A_388 : vector<16xf32>
      %eq3A_390 = arith.constant 11 : i32
      %eq3A_391 = vector.broadcast %eq3A_390 : i32 to vector<16xi32>
      %eq3A_392 = arith.cmpi eq, %iota3A, %eq3A_391 : vector<16xi32>
      %reduce_sum3A_393 = arith.constant true
      %reduce_sum3A_394 = vector.broadcast %reduce_sum3A_393 : i1 to vector<16xi1>
      %reduce_sum3A_395 = tpu.scan <sum>, %add3A_389 masked %reduce_sum3A_394 : vector<16xf32>, vector<16xi1> -> vector<16xf32>
      %reduce_sum3A_396 = vector.extract %reduce_sum3A_395[15] : f32 from vector<16xf32>
      %broadcast_in_dim3A_397 = vector.broadcast %reduce_sum3A_396 : f32 to vector<16xf32>
      %select_n3A_398 = arith.select %eq3A_392, %broadcast_in_dim3A_397, %select_n3A_370 : vector<16xi1>, vector<16xf32>
      %add3A_399 = arith.constant 12 : i32
      %add3A_400 = arith.addi %mul3A_63, %add3A_399 : i32
      %get3A_401 = arith.index_cast %add3A_400 : i32 to index
      %get3A_402 = arith.constant 0 : index
      %get3A_403 = tpu.vector_load %arg7[%get3A_401, %get3A_402] {strides = array<i32>} : memref<256x32xf32, #tpu.memory_space<vmem>>, vector<16xf32>,
      %get3A_404 = arith.index_cast %add3A_400 : i32 to index
      %get3A_405 = arith.constant 16 : index
      %get3A_406 = tpu.vector_load %arg7[%get3A_404, %get3A_405] {strides = array<i32>} : memref<256x32xf32, #tpu.memory_space<vmem>>, vector<16xf32>,
      %get3A_407 = arith.index_cast %add3A_400 : i32 to index
      %get3A_408 = arith.constant 0 : index
      %get3A_409 = tpu.vector_load %arg8[%get3A_407, %get3A_408] {strides = array<i32>} : memref<256x32xf32, #tpu.memory_space<vmem>>, vector<16xf32>,
      %get3A_410 = arith.index_cast %add3A_400 : i32 to index
      %get3A_411 = arith.constant 16 : index
      %get3A_412 = tpu.vector_load %arg8[%get3A_410, %get3A_411] {strides = array<i32>} : memref<256x32xf32, #tpu.memory_space<vmem>>, vector<16xf32>,
      %mul3A_413 = arith.mulf %get3A_403, %get3A_409 : vector<16xf32>
      %mul3A_414 = arith.mulf %mul3A_413, %get3A_5 : vector<16xf32>
      %mul3A_415 = arith.mulf %get3A_406, %get3A_412 : vector<16xf32>
      %mul3A_416 = arith.mulf %mul3A_415, %get3A_7 : vector<16xf32>
      %add3A_417 = arith.addf %mul3A_414, %mul3A_416 : vector<16xf32>
      %eq3A_418 = arith.constant 12 : i32
      %eq3A_419 = vector.broadcast %eq3A_418 : i32 to vector<16xi32>
      %eq3A_420 = arith.cmpi eq, %iota3A, %eq3A_419 : vector<16xi32>
      %reduce_sum3A_421 = arith.constant true
      %reduce_sum3A_422 = vector.broadcast %reduce_sum3A_421 : i1 to vector<16xi1>
      %reduce_sum3A_423 = tpu.scan <sum>, %add3A_417 masked %reduce_sum3A_422 : vector<16xf32>, vector<16xi1> -> vector<16xf32>
      %reduce_sum3A_424 = vector.extract %reduce_sum3A_423[15] : f32 from vector<16xf32>
      %broadcast_in_dim3A_425 = vector.broadcast %reduce_sum3A_424 : f32 to vector<16xf32>
      %select_n3A_426 = arith.select %eq3A_420, %broadcast_in_dim3A_425, %select_n3A_398 : vector<16xi1>, vector<16xf32>
      %add3A_427 = arith.constant 13 : i32
      %add3A_428 = arith.addi %mul3A_63, %add3A_427 : i32
      %get3A_429 = arith.index_cast %add3A_428 : i32 to index
      %get3A_430 = arith.constant 0 : index
      %get3A_431 = tpu.vector_load %arg7[%get3A_429, %get3A_430] {strides = array<i32>} : memref<256x32xf32, #tpu.memory_space<vmem>>, vector<16xf32>,
      %get3A_432 = arith.index_cast %add3A_428 : i32 to index
      %get3A_433 = arith.constant 16 : index
      %get3A_434 = tpu.vector_load %arg7[%get3A_432, %get3A_433] {strides = array<i32>} : memref<256x32xf32, #tpu.memory_space<vmem>>, vector<16xf32>,
      %get3A_435 = arith.index_cast %add3A_428 : i32 to index
      %get3A_436 = arith.constant 0 : index
      %get3A_437 = tpu.vector_load %arg8[%get3A_435, %get3A_436] {strides = array<i32>} : memref<256x32xf32, #tpu.memory_space<vmem>>, vector<16xf32>,
      %get3A_438 = arith.index_cast %add3A_428 : i32 to index
      %get3A_439 = arith.constant 16 : index
      %get3A_440 = tpu.vector_load %arg8[%get3A_438, %get3A_439] {strides = array<i32>} : memref<256x32xf32, #tpu.memory_space<vmem>>, vector<16xf32>,
      %mul3A_441 = arith.mulf %get3A_431, %get3A_437 : vector<16xf32>
      %mul3A_442 = arith.mulf %mul3A_441, %get3A_5 : vector<16xf32>
      %mul3A_443 = arith.mulf %get3A_434, %get3A_440 : vector<16xf32>
      %mul3A_444 = arith.mulf %mul3A_443, %get3A_7 : vector<16xf32>
      %add3A_445 = arith.addf %mul3A_442, %mul3A_444 : vector<16xf32>
      %eq3A_446 = arith.constant 13 : i32
      %eq3A_447 = vector.broadcast %eq3A_446 : i32 to vector<16xi32>
      %eq3A_448 = arith.cmpi eq, %iota3A, %eq3A_447 : vector<16xi32>
      %reduce_sum3A_449 = arith.constant true
      %reduce_sum3A_450 = vector.broadcast %reduce_sum3A_449 : i1 to vector<16xi1>
      %reduce_sum3A_451 = tpu.scan <sum>, %add3A_445 masked %reduce_sum3A_450 : vector<16xf32>, vector<16xi1> -> vector<16xf32>
      %reduce_sum3A_452 = vector.extract %reduce_sum3A_451[15] : f32 from vector<16xf32>
      %broadcast_in_dim3A_453 = vector.broadcast %reduce_sum3A_452 : f32 to vector<16xf32>
      %select_n3A_454 = arith.select %eq3A_448, %broadcast_in_dim3A_453, %select_n3A_426 : vector<16xi1>, vector<16xf32>
      %add3A_455 = arith.constant 14 : i32
      %add3A_456 = arith.addi %mul3A_63, %add3A_455 : i32
      %get3A_457 = arith.index_cast %add3A_456 : i32 to index
      %get3A_458 = arith.constant 0 : index
      %get3A_459 = tpu.vector_load %arg7[%get3A_457, %get3A_458] {strides = array<i32>} : memref<256x32xf32, #tpu.memory_space<vmem>>, vector<16xf32>,
      %get3A_460 = arith.index_cast %add3A_456 : i32 to index
      %get3A_461 = arith.constant 16 : index
      %get3A_462 = tpu.vector_load %arg7[%get3A_460, %get3A_461] {strides = array<i32>} : memref<256x32xf32, #tpu.memory_space<vmem>>, vector<16xf32>,
      %get3A_463 = arith.index_cast %add3A_456 : i32 to index
      %get3A_464 = arith.constant 0 : index
      %get3A_465 = tpu.vector_load %arg8[%get3A_463, %get3A_464] {strides = array<i32>} : memref<256x32xf32, #tpu.memory_space<vmem>>, vector<16xf32>,
      %get3A_466 = arith.index_cast %add3A_456 : i32 to index
      %get3A_467 = arith.constant 16 : index
      %get3A_468 = tpu.vector_load %arg8[%get3A_466, %get3A_467] {strides = array<i32>} : memref<256x32xf32, #tpu.memory_space<vmem>>, vector<16xf32>,
      %mul3A_469 = arith.mulf %get3A_459, %get3A_465 : vector<16xf32>
      %mul3A_470 = arith.mulf %mul3A_469, %get3A_5 : vector<16xf32>
      %mul3A_471 = arith.mulf %get3A_462, %get3A_468 : vector<16xf32>
      %mul3A_472 = arith.mulf %mul3A_471, %get3A_7 : vector<16xf32>
      %add3A_473 = arith.addf %mul3A_470, %mul3A_472 : vector<16xf32>
      %eq3A_474 = arith.constant 14 : i32
      %eq3A_475 = vector.broadcast %eq3A_474 : i32 to vector<16xi32>
      %eq3A_476 = arith.cmpi eq, %iota3A, %eq3A_475 : vector<16xi32>
      %reduce_sum3A_477 = arith.constant true
      %reduce_sum3A_478 = vector.broadcast %reduce_sum3A_477 : i1 to vector<16xi1>
      %reduce_sum3A_479 = tpu.scan <sum>, %add3A_473 masked %reduce_sum3A_478 : vector<16xf32>, vector<16xi1> -> vector<16xf32>
      %reduce_sum3A_480 = vector.extract %reduce_sum3A_479[15] : f32 from vector<16xf32>
      %broadcast_in_dim3A_481 = vector.broadcast %reduce_sum3A_480 : f32 to vector<16xf32>
      %select_n3A_482 = arith.select %eq3A_476, %broadcast_in_dim3A_481, %select_n3A_454 : vector<16xi1>, vector<16xf32>
      %add3A_483 = arith.constant 15 : i32
      %add3A_484 = arith.addi %mul3A_63, %add3A_483 : i32
      %get3A_485 = arith.index_cast %add3A_484 : i32 to index
      %get3A_486 = arith.constant 0 : index
      %get3A_487 = tpu.vector_load %arg7[%get3A_485, %get3A_486] {strides = array<i32>} : memref<256x32xf32, #tpu.memory_space<vmem>>, vector<16xf32>,
      %get3A_488 = arith.index_cast %add3A_484 : i32 to index
      %get3A_489 = arith.constant 16 : index
      %get3A_490 = tpu.vector_load %arg7[%get3A_488, %get3A_489] {strides = array<i32>} : memref<256x32xf32, #tpu.memory_space<vmem>>, vector<16xf32>,
      %get3A_491 = arith.index_cast %add3A_484 : i32 to index
      %get3A_492 = arith.constant 0 : index
      %get3A_493 = tpu.vector_load %arg8[%get3A_491, %get3A_492] {strides = array<i32>} : memref<256x32xf32, #tpu.memory_space<vmem>>, vector<16xf32>,
      %get3A_494 = arith.index_cast %add3A_484 : i32 to index
      %get3A_495 = arith.constant 16 : index
      %get3A_496 = tpu.vector_load %arg8[%get3A_494, %get3A_495] {strides = array<i32>} : memref<256x32xf32, #tpu.memory_space<vmem>>, vector<16xf32>,
      %mul3A_497 = arith.mulf %get3A_487, %get3A_493 : vector<16xf32>
      %mul3A_498 = arith.mulf %mul3A_497, %get3A_5 : vector<16xf32>
      %mul3A_499 = arith.mulf %get3A_490, %get3A_496 : vector<16xf32>
      %mul3A_500 = arith.mulf %mul3A_499, %get3A_7 : vector<16xf32>
      %add3A_501 = arith.addf %mul3A_498, %mul3A_500 : vector<16xf32>
      %eq3A_502 = arith.constant 15 : i32
      %eq3A_503 = vector.broadcast %eq3A_502 : i32 to vector<16xi32>
      %eq3A_504 = arith.cmpi eq, %iota3A, %eq3A_503 : vector<16xi32>
      %reduce_sum3A_505 = arith.constant true
      %reduce_sum3A_506 = vector.broadcast %reduce_sum3A_505 : i1 to vector<16xi1>
      %reduce_sum3A_507 = tpu.scan <sum>, %add3A_501 masked %reduce_sum3A_506 : vector<16xf32>, vector<16xi1> -> vector<16xf32>
      %reduce_sum3A_508 = vector.extract %reduce_sum3A_507[15] : f32 from vector<16xf32>
      %broadcast_in_dim3A_509 = vector.broadcast %reduce_sum3A_508 : f32 to vector<16xf32>
      %select_n3A_510 = arith.select %eq3A_504, %broadcast_in_dim3A_509, %select_n3A_482 : vector<16xi1>, vector<16xf32>
      %add3A_511 = arith.addf %select_n3A_510, %broadcast_in_dim3A : vector<16xf32>
      %max3A = arith.constant 0.000000e+00 : f32
      %max3A_512 = vector.broadcast %max3A : f32 to vector<16xf32>
      %max3A_513 = arith.maximumf %add3A_511, %max3A_512 : vector<16xf32>
      %add3A_514 = arith.constant 0 : i32
      %add3A_515 = arith.addi %add3A_514, %mul3A_63 : i32
      %swap3A = arith.index_cast %add3A_515 : i32 to index
      %swap3A_516 = tpu.vector_load %arg9[%swap3A] {strides = array<i32>} : memref<512xf32, #tpu.memory_space<vmem>>, vector<16xf32>,
      tpu.vector_store %arg9[%swap3A], %max3A_513 {strides = array<i32>} : memref<512xf32, #tpu.memory_space<vmem>>, vector<16xf32>,
      %scan3A_517 = arith.constant 0 : i32
      scf.yield %scan3A_517 : i32
    }
    %scan3A_33 = arith.constant 16 : i32
    %scan3A_34 = arith.constant 0 : i32
    %scan3A_35 = arith.constant 0 : i32
    %scan3A_36 = arith.constant 16 : i32
    %scan3A_37 = arith.addi %scan3A_35, %scan3A_36 : i32
    %scan3A_38 = arith.constant 1 : i32
    %scan3A_39 = scf.for %scan3A_60 = %scan3A_35 to %scan3A_37 step %scan3A_38 iter_args(%scan3A_61 = %scan3A_34) -> (i32)  : i32 {
      %mul3A_62 = arith.constant 16 : i32
      %mul3A_63 = arith.muli %scan3A_60, %mul3A_62 : i32
      %add3A_64 = arith.constant 256 : i32
      %add3A_65 = arith.addi %add3A_64, %mul3A_63 : i32
      %add3A_66 = vector.broadcast %add3A_65 : i32 to vector<16xi32>
      %add3A_67 = arith.addi %add3A_66, %iota3A : vector<16xi32>
      %mul3A_68 = arith.constant 2 : i32
      %mul3A_69 = vector.broadcast %mul3A_68 : i32 to vector<16xi32>
      %mul3A_70 = arith.muli %add3A_67, %mul3A_69 : vector<16xi32>
      %gather3A = tpu.vector_load_idx %arg6[%mul3A_70] : memref<1024xi32, #tpu.memory_space<vmem>>[vector<16xi32>], vector<16xi32>,
      %add3A_71 = vector.broadcast %add3A_65 : i32 to vector<16xi32>
      %add3A_72 = arith.addi %add3A_71, %iota3A : vector<16xi32>
      %mul3A_73 = arith.constant 2 : i32
      %mul3A_74 = vector.broadcast %mul3A_73 : i32 to vector<16xi32>
      %mul3A_75 = arith.muli %add3A_72, %mul3A_74 : vector<16xi32>
      %add3A_76 = arith.constant 1 : i32
      %add3A_77 = vector.broadcast %add3A_76 : i32 to vector<16xi32>
      %add3A_78 = arith.addi %mul3A_75, %add3A_77 : vector<16xi32>
      %gather3A_79 = tpu.vector_load_idx %arg6[%add3A_78] : memref<1024xi32, #tpu.memory_space<vmem>>[vector<16xi32>], vector<16xi32>,
      %add3A_80 = arith.constant 1000000 : i32
      %add3A_81 = vector.broadcast %add3A_80 : i32 to vector<16xi32>
      %add3A_82 = arith.addi %gather3A_79, %add3A_81 : vector<16xi32>
      %mul3A_83 = arith.constant 16 : i32
      %mul3A_84 = arith.muli %scan3A_60, %mul3A_83 : i32
      %add3A_85 = arith.constant 0 : i32
      %add3A_86 = arith.addi %mul3A_84, %add3A_85 : i32
      %slice3A_87 = vector.extract_strided_slice %gather3A {offsets = [0], sizes = [1], strides = [1]} : vector<16xi32> to vector<1xi32>
      %squeeze3A_88 = vector.extract %slice3A_87[0] : i32 from vector<1xi32>
      %dma_start3A = arith.constant 0 : i32
      %dma_start3A_89 = tpu.memref_slice %arg7[%add3A_86, %dma_start3A] : memref<256x32xf32, #tpu.memory_space<vmem>> -> memref<1x32xf32, #tpu.memory_space<vmem>>
      %dma_start3A_90 = arith.constant 0 : i32
      %dma_start3A_91 = tpu.memref_slice %arg3[%squeeze3A_88, %dma_start3A_90] : memref<2000000x32xf32, #tpu.memory_space<hbm>> -> memref<1x32xf32, #tpu.memory_space<hbm>>
      %dma_start3A_92 = arith.constant 0 : i32
      %dma_start3A_93 = tpu.memref_slice %arg7[%add3A_86, %dma_start3A_92] : memref<256x32xf32, #tpu.memory_space<vmem>> -> memref<1x32xf32, #tpu.memory_space<vmem>>
      %dma_start3A_94 = arith.constant 0 : i32
      %dma_start3A_95 = tpu.memref_slice %arg3[%squeeze3A_88, %dma_start3A_94] : memref<2000000x32xf32, #tpu.memory_space<hbm>> -> memref<1x32xf32, #tpu.memory_space<hbm>>
      tpu.enqueue_dma source(%dma_start3A_95 : memref<1x32xf32, #tpu.memory_space<hbm>>) target(%dma_start3A_93 : memref<1x32xf32, #tpu.memory_space<vmem>>) target_semaphore(%arg11 : memref<!tpu.dma_semaphore, #tpu.memory_space<semaphore_mem>>)
      %mul3A_96 = arith.constant 16 : i32
      %mul3A_97 = arith.muli %scan3A_60, %mul3A_96 : i32
      %add3A_98 = arith.constant 0 : i32
      %add3A_99 = arith.addi %mul3A_97, %add3A_98 : i32
      %slice3A_100 = vector.extract_strided_slice %add3A_82 {offsets = [0], sizes = [1], strides = [1]} : vector<16xi32> to vector<1xi32>
      %squeeze3A_101 = vector.extract %slice3A_100[0] : i32 from vector<1xi32>
      %dma_start3A_102 = arith.constant 0 : i32
      %dma_start3A_103 = tpu.memref_slice %arg8[%add3A_99, %dma_start3A_102] : memref<256x32xf32, #tpu.memory_space<vmem>> -> memref<1x32xf32, #tpu.memory_space<vmem>>
      %dma_start3A_104 = arith.constant 0 : i32
      %dma_start3A_105 = tpu.memref_slice %arg3[%squeeze3A_101, %dma_start3A_104] : memref<2000000x32xf32, #tpu.memory_space<hbm>> -> memref<1x32xf32, #tpu.memory_space<hbm>>
      %dma_start3A_106 = arith.constant 0 : i32
      %dma_start3A_107 = tpu.memref_slice %arg8[%add3A_99, %dma_start3A_106] : memref<256x32xf32, #tpu.memory_space<vmem>> -> memref<1x32xf32, #tpu.memory_space<vmem>>
      %dma_start3A_108 = arith.constant 0 : i32
      %dma_start3A_109 = tpu.memref_slice %arg3[%squeeze3A_101, %dma_start3A_108] : memref<2000000x32xf32, #tpu.memory_space<hbm>> -> memref<1x32xf32, #tpu.memory_space<hbm>>
      tpu.enqueue_dma source(%dma_start3A_109 : memref<1x32xf32, #tpu.memory_space<hbm>>) target(%dma_start3A_107 : memref<1x32xf32, #tpu.memory_space<vmem>>) target_semaphore(%arg11 : memref<!tpu.dma_semaphore, #tpu.memory_space<semaphore_mem>>)
      %mul3A_110 = arith.constant 16 : i32
      %mul3A_111 = arith.muli %scan3A_60, %mul3A_110 : i32
      %add3A_112 = arith.constant 1 : i32
      %add3A_113 = arith.addi %mul3A_111, %add3A_112 : i32
      %slice3A_114 = vector.extract_strided_slice %gather3A {offsets = [1], sizes = [1], strides = [1]} : vector<16xi32> to vector<1xi32>
      %squeeze3A_115 = vector.extract %slice3A_114[0] : i32 from vector<1xi32>
      %dma_start3A_116 = arith.constant 0 : i32
      %dma_start3A_117 = tpu.memref_slice %arg7[%add3A_113, %dma_start3A_116] : memref<256x32xf32, #tpu.memory_space<vmem>> -> memref<1x32xf32, #tpu.memory_space<vmem>>
      %dma_start3A_118 = arith.constant 0 : i32
      %dma_start3A_119 = tpu.memref_slice %arg3[%squeeze3A_115, %dma_start3A_118] : memref<2000000x32xf32, #tpu.memory_space<hbm>> -> memref<1x32xf32, #tpu.memory_space<hbm>>
      %dma_start3A_120 = arith.constant 0 : i32
      %dma_start3A_121 = tpu.memref_slice %arg7[%add3A_113, %dma_start3A_120] : memref<256x32xf32, #tpu.memory_space<vmem>> -> memref<1x32xf32, #tpu.memory_space<vmem>>
      %dma_start3A_122 = arith.constant 0 : i32
      %dma_start3A_123 = tpu.memref_slice %arg3[%squeeze3A_115, %dma_start3A_122] : memref<2000000x32xf32, #tpu.memory_space<hbm>> -> memref<1x32xf32, #tpu.memory_space<hbm>>
      tpu.enqueue_dma source(%dma_start3A_123 : memref<1x32xf32, #tpu.memory_space<hbm>>) target(%dma_start3A_121 : memref<1x32xf32, #tpu.memory_space<vmem>>) target_semaphore(%arg11 : memref<!tpu.dma_semaphore, #tpu.memory_space<semaphore_mem>>)
      %mul3A_124 = arith.constant 16 : i32
      %mul3A_125 = arith.muli %scan3A_60, %mul3A_124 : i32
      %add3A_126 = arith.constant 1 : i32
      %add3A_127 = arith.addi %mul3A_125, %add3A_126 : i32
      %slice3A_128 = vector.extract_strided_slice %add3A_82 {offsets = [1], sizes = [1], strides = [1]} : vector<16xi32> to vector<1xi32>
      %squeeze3A_129 = vector.extract %slice3A_128[0] : i32 from vector<1xi32>
      %dma_start3A_130 = arith.constant 0 : i32
      %dma_start3A_131 = tpu.memref_slice %arg8[%add3A_127, %dma_start3A_130] : memref<256x32xf32, #tpu.memory_space<vmem>> -> memref<1x32xf32, #tpu.memory_space<vmem>>
      %dma_start3A_132 = arith.constant 0 : i32
      %dma_start3A_133 = tpu.memref_slice %arg3[%squeeze3A_129, %dma_start3A_132] : memref<2000000x32xf32, #tpu.memory_space<hbm>> -> memref<1x32xf32, #tpu.memory_space<hbm>>
      %dma_start3A_134 = arith.constant 0 : i32
      %dma_start3A_135 = tpu.memref_slice %arg8[%add3A_127, %dma_start3A_134] : memref<256x32xf32, #tpu.memory_space<vmem>> -> memref<1x32xf32, #tpu.memory_space<vmem>>
      %dma_start3A_136 = arith.constant 0 : i32
      %dma_start3A_137 = tpu.memref_slice %arg3[%squeeze3A_129, %dma_start3A_136] : memref<2000000x32xf32, #tpu.memory_space<hbm>> -> memref<1x32xf32, #tpu.memory_space<hbm>>
      tpu.enqueue_dma source(%dma_start3A_137 : memref<1x32xf32, #tpu.memory_space<hbm>>) target(%dma_start3A_135 : memref<1x32xf32, #tpu.memory_space<vmem>>) target_semaphore(%arg11 : memref<!tpu.dma_semaphore, #tpu.memory_space<semaphore_mem>>)
      %mul3A_138 = arith.constant 16 : i32
      %mul3A_139 = arith.muli %scan3A_60, %mul3A_138 : i32
      %add3A_140 = arith.constant 2 : i32
      %add3A_141 = arith.addi %mul3A_139, %add3A_140 : i32
      %slice3A_142 = vector.extract_strided_slice %gather3A {offsets = [2], sizes = [1], strides = [1]} : vector<16xi32> to vector<1xi32>
      %squeeze3A_143 = vector.extract %slice3A_142[0] : i32 from vector<1xi32>
      %dma_start3A_144 = arith.constant 0 : i32
      %dma_start3A_145 = tpu.memref_slice %arg7[%add3A_141, %dma_start3A_144] : memref<256x32xf32, #tpu.memory_space<vmem>> -> memref<1x32xf32, #tpu.memory_space<vmem>>
      %dma_start3A_146 = arith.constant 0 : i32
      %dma_start3A_147 = tpu.memref_slice %arg3[%squeeze3A_143, %dma_start3A_146] : memref<2000000x32xf32, #tpu.memory_space<hbm>> -> memref<1x32xf32, #tpu.memory_space<hbm>>
      %dma_start3A_148 = arith.constant 0 : i32
      %dma_start3A_149 = tpu.memref_slice %arg7[%add3A_141, %dma_start3A_148] : memref<256x32xf32, #tpu.memory_space<vmem>> -> memref<1x32xf32, #tpu.memory_space<vmem>>
      %dma_start3A_150 = arith.constant 0 : i32
      %dma_start3A_151 = tpu.memref_slice %arg3[%squeeze3A_143, %dma_start3A_150] : memref<2000000x32xf32, #tpu.memory_space<hbm>> -> memref<1x32xf32, #tpu.memory_space<hbm>>
      tpu.enqueue_dma source(%dma_start3A_151 : memref<1x32xf32, #tpu.memory_space<hbm>>) target(%dma_start3A_149 : memref<1x32xf32, #tpu.memory_space<vmem>>) target_semaphore(%arg11 : memref<!tpu.dma_semaphore, #tpu.memory_space<semaphore_mem>>)
      %mul3A_152 = arith.constant 16 : i32
      %mul3A_153 = arith.muli %scan3A_60, %mul3A_152 : i32
      %add3A_154 = arith.constant 2 : i32
      %add3A_155 = arith.addi %mul3A_153, %add3A_154 : i32
      %slice3A_156 = vector.extract_strided_slice %add3A_82 {offsets = [2], sizes = [1], strides = [1]} : vector<16xi32> to vector<1xi32>
      %squeeze3A_157 = vector.extract %slice3A_156[0] : i32 from vector<1xi32>
      %dma_start3A_158 = arith.constant 0 : i32
      %dma_start3A_159 = tpu.memref_slice %arg8[%add3A_155, %dma_start3A_158] : memref<256x32xf32, #tpu.memory_space<vmem>> -> memref<1x32xf32, #tpu.memory_space<vmem>>
      %dma_start3A_160 = arith.constant 0 : i32
      %dma_start3A_161 = tpu.memref_slice %arg3[%squeeze3A_157, %dma_start3A_160] : memref<2000000x32xf32, #tpu.memory_space<hbm>> -> memref<1x32xf32, #tpu.memory_space<hbm>>
      %dma_start3A_162 = arith.constant 0 : i32
      %dma_start3A_163 = tpu.memref_slice %arg8[%add3A_155, %dma_start3A_162] : memref<256x32xf32, #tpu.memory_space<vmem>> -> memref<1x32xf32, #tpu.memory_space<vmem>>
      %dma_start3A_164 = arith.constant 0 : i32
      %dma_start3A_165 = tpu.memref_slice %arg3[%squeeze3A_157, %dma_start3A_164] : memref<2000000x32xf32, #tpu.memory_space<hbm>> -> memref<1x32xf32, #tpu.memory_space<hbm>>
      tpu.enqueue_dma source(%dma_start3A_165 : memref<1x32xf32, #tpu.memory_space<hbm>>) target(%dma_start3A_163 : memref<1x32xf32, #tpu.memory_space<vmem>>) target_semaphore(%arg11 : memref<!tpu.dma_semaphore, #tpu.memory_space<semaphore_mem>>)
      %mul3A_166 = arith.constant 16 : i32
      %mul3A_167 = arith.muli %scan3A_60, %mul3A_166 : i32
      %add3A_168 = arith.constant 3 : i32
      %add3A_169 = arith.addi %mul3A_167, %add3A_168 : i32
      %slice3A_170 = vector.extract_strided_slice %gather3A {offsets = [3], sizes = [1], strides = [1]} : vector<16xi32> to vector<1xi32>
      %squeeze3A_171 = vector.extract %slice3A_170[0] : i32 from vector<1xi32>
      %dma_start3A_172 = arith.constant 0 : i32
      %dma_start3A_173 = tpu.memref_slice %arg7[%add3A_169, %dma_start3A_172] : memref<256x32xf32, #tpu.memory_space<vmem>> -> memref<1x32xf32, #tpu.memory_space<vmem>>
      %dma_start3A_174 = arith.constant 0 : i32
      %dma_start3A_175 = tpu.memref_slice %arg3[%squeeze3A_171, %dma_start3A_174] : memref<2000000x32xf32, #tpu.memory_space<hbm>> -> memref<1x32xf32, #tpu.memory_space<hbm>>
      %dma_start3A_176 = arith.constant 0 : i32
      %dma_start3A_177 = tpu.memref_slice %arg7[%add3A_169, %dma_start3A_176] : memref<256x32xf32, #tpu.memory_space<vmem>> -> memref<1x32xf32, #tpu.memory_space<vmem>>
      %dma_start3A_178 = arith.constant 0 : i32
      %dma_start3A_179 = tpu.memref_slice %arg3[%squeeze3A_171, %dma_start3A_178] : memref<2000000x32xf32, #tpu.memory_space<hbm>> -> memref<1x32xf32, #tpu.memory_space<hbm>>
      tpu.enqueue_dma source(%dma_start3A_179 : memref<1x32xf32, #tpu.memory_space<hbm>>) target(%dma_start3A_177 : memref<1x32xf32, #tpu.memory_space<vmem>>) target_semaphore(%arg11 : memref<!tpu.dma_semaphore, #tpu.memory_space<semaphore_mem>>)
      %mul3A_180 = arith.constant 16 : i32
      %mul3A_181 = arith.muli %scan3A_60, %mul3A_180 : i32
      %add3A_182 = arith.constant 3 : i32
      %add3A_183 = arith.addi %mul3A_181, %add3A_182 : i32
      %slice3A_184 = vector.extract_strided_slice %add3A_82 {offsets = [3], sizes = [1], strides = [1]} : vector<16xi32> to vector<1xi32>
      %squeeze3A_185 = vector.extract %slice3A_184[0] : i32 from vector<1xi32>
      %dma_start3A_186 = arith.constant 0 : i32
      %dma_start3A_187 = tpu.memref_slice %arg8[%add3A_183, %dma_start3A_186] : memref<256x32xf32, #tpu.memory_space<vmem>> -> memref<1x32xf32, #tpu.memory_space<vmem>>
      %dma_start3A_188 = arith.constant 0 : i32
      %dma_start3A_189 = tpu.memref_slice %arg3[%squeeze3A_185, %dma_start3A_188] : memref<2000000x32xf32, #tpu.memory_space<hbm>> -> memref<1x32xf32, #tpu.memory_space<hbm>>
      %dma_start3A_190 = arith.constant 0 : i32
      %dma_start3A_191 = tpu.memref_slice %arg8[%add3A_183, %dma_start3A_190] : memref<256x32xf32, #tpu.memory_space<vmem>> -> memref<1x32xf32, #tpu.memory_space<vmem>>
      %dma_start3A_192 = arith.constant 0 : i32
      %dma_start3A_193 = tpu.memref_slice %arg3[%squeeze3A_185, %dma_start3A_192] : memref<2000000x32xf32, #tpu.memory_space<hbm>> -> memref<1x32xf32, #tpu.memory_space<hbm>>
      tpu.enqueue_dma source(%dma_start3A_193 : memref<1x32xf32, #tpu.memory_space<hbm>>) target(%dma_start3A_191 : memref<1x32xf32, #tpu.memory_space<vmem>>) target_semaphore(%arg11 : memref<!tpu.dma_semaphore, #tpu.memory_space<semaphore_mem>>)
      %mul3A_194 = arith.constant 16 : i32
      %mul3A_195 = arith.muli %scan3A_60, %mul3A_194 : i32
      %add3A_196 = arith.constant 4 : i32
      %add3A_197 = arith.addi %mul3A_195, %add3A_196 : i32
      %slice3A_198 = vector.extract_strided_slice %gather3A {offsets = [4], sizes = [1], strides = [1]} : vector<16xi32> to vector<1xi32>
      %squeeze3A_199 = vector.extract %slice3A_198[0] : i32 from vector<1xi32>
      %dma_start3A_200 = arith.constant 0 : i32
      %dma_start3A_201 = tpu.memref_slice %arg7[%add3A_197, %dma_start3A_200] : memref<256x32xf32, #tpu.memory_space<vmem>> -> memref<1x32xf32, #tpu.memory_space<vmem>>
      %dma_start3A_202 = arith.constant 0 : i32
      %dma_start3A_203 = tpu.memref_slice %arg3[%squeeze3A_199, %dma_start3A_202] : memref<2000000x32xf32, #tpu.memory_space<hbm>> -> memref<1x32xf32, #tpu.memory_space<hbm>>
      %dma_start3A_204 = arith.constant 0 : i32
      %dma_start3A_205 = tpu.memref_slice %arg7[%add3A_197, %dma_start3A_204] : memref<256x32xf32, #tpu.memory_space<vmem>> -> memref<1x32xf32, #tpu.memory_space<vmem>>
      %dma_start3A_206 = arith.constant 0 : i32
      %dma_start3A_207 = tpu.memref_slice %arg3[%squeeze3A_199, %dma_start3A_206] : memref<2000000x32xf32, #tpu.memory_space<hbm>> -> memref<1x32xf32, #tpu.memory_space<hbm>>
      tpu.enqueue_dma source(%dma_start3A_207 : memref<1x32xf32, #tpu.memory_space<hbm>>) target(%dma_start3A_205 : memref<1x32xf32, #tpu.memory_space<vmem>>) target_semaphore(%arg11 : memref<!tpu.dma_semaphore, #tpu.memory_space<semaphore_mem>>)
      %mul3A_208 = arith.constant 16 : i32
      %mul3A_209 = arith.muli %scan3A_60, %mul3A_208 : i32
      %add3A_210 = arith.constant 4 : i32
      %add3A_211 = arith.addi %mul3A_209, %add3A_210 : i32
      %slice3A_212 = vector.extract_strided_slice %add3A_82 {offsets = [4], sizes = [1], strides = [1]} : vector<16xi32> to vector<1xi32>
      %squeeze3A_213 = vector.extract %slice3A_212[0] : i32 from vector<1xi32>
      %dma_start3A_214 = arith.constant 0 : i32
      %dma_start3A_215 = tpu.memref_slice %arg8[%add3A_211, %dma_start3A_214] : memref<256x32xf32, #tpu.memory_space<vmem>> -> memref<1x32xf32, #tpu.memory_space<vmem>>
      %dma_start3A_216 = arith.constant 0 : i32
      %dma_start3A_217 = tpu.memref_slice %arg3[%squeeze3A_213, %dma_start3A_216] : memref<2000000x32xf32, #tpu.memory_space<hbm>> -> memref<1x32xf32, #tpu.memory_space<hbm>>
      %dma_start3A_218 = arith.constant 0 : i32
      %dma_start3A_219 = tpu.memref_slice %arg8[%add3A_211, %dma_start3A_218] : memref<256x32xf32, #tpu.memory_space<vmem>> -> memref<1x32xf32, #tpu.memory_space<vmem>>
      %dma_start3A_220 = arith.constant 0 : i32
      %dma_start3A_221 = tpu.memref_slice %arg3[%squeeze3A_213, %dma_start3A_220] : memref<2000000x32xf32, #tpu.memory_space<hbm>> -> memref<1x32xf32, #tpu.memory_space<hbm>>
      tpu.enqueue_dma source(%dma_start3A_221 : memref<1x32xf32, #tpu.memory_space<hbm>>) target(%dma_start3A_219 : memref<1x32xf32, #tpu.memory_space<vmem>>) target_semaphore(%arg11 : memref<!tpu.dma_semaphore, #tpu.memory_space<semaphore_mem>>)
      %mul3A_222 = arith.constant 16 : i32
      %mul3A_223 = arith.muli %scan3A_60, %mul3A_222 : i32
      %add3A_224 = arith.constant 5 : i32
      %add3A_225 = arith.addi %mul3A_223, %add3A_224 : i32
      %slice3A_226 = vector.extract_strided_slice %gather3A {offsets = [5], sizes = [1], strides = [1]} : vector<16xi32> to vector<1xi32>
      %squeeze3A_227 = vector.extract %slice3A_226[0] : i32 from vector<1xi32>
      %dma_start3A_228 = arith.constant 0 : i32
      %dma_start3A_229 = tpu.memref_slice %arg7[%add3A_225, %dma_start3A_228] : memref<256x32xf32, #tpu.memory_space<vmem>> -> memref<1x32xf32, #tpu.memory_space<vmem>>
      %dma_start3A_230 = arith.constant 0 : i32
      %dma_start3A_231 = tpu.memref_slice %arg3[%squeeze3A_227, %dma_start3A_230] : memref<2000000x32xf32, #tpu.memory_space<hbm>> -> memref<1x32xf32, #tpu.memory_space<hbm>>
      %dma_start3A_232 = arith.constant 0 : i32
      %dma_start3A_233 = tpu.memref_slice %arg7[%add3A_225, %dma_start3A_232] : memref<256x32xf32, #tpu.memory_space<vmem>> -> memref<1x32xf32, #tpu.memory_space<vmem>>
      %dma_start3A_234 = arith.constant 0 : i32
      %dma_start3A_235 = tpu.memref_slice %arg3[%squeeze3A_227, %dma_start3A_234] : memref<2000000x32xf32, #tpu.memory_space<hbm>> -> memref<1x32xf32, #tpu.memory_space<hbm>>
      tpu.enqueue_dma source(%dma_start3A_235 : memref<1x32xf32, #tpu.memory_space<hbm>>) target(%dma_start3A_233 : memref<1x32xf32, #tpu.memory_space<vmem>>) target_semaphore(%arg11 : memref<!tpu.dma_semaphore, #tpu.memory_space<semaphore_mem>>)
      %mul3A_236 = arith.constant 16 : i32
      %mul3A_237 = arith.muli %scan3A_60, %mul3A_236 : i32
      %add3A_238 = arith.constant 5 : i32
      %add3A_239 = arith.addi %mul3A_237, %add3A_238 : i32
      %slice3A_240 = vector.extract_strided_slice %add3A_82 {offsets = [5], sizes = [1], strides = [1]} : vector<16xi32> to vector<1xi32>
      %squeeze3A_241 = vector.extract %slice3A_240[0] : i32 from vector<1xi32>
      %dma_start3A_242 = arith.constant 0 : i32
      %dma_start3A_243 = tpu.memref_slice %arg8[%add3A_239, %dma_start3A_242] : memref<256x32xf32, #tpu.memory_space<vmem>> -> memref<1x32xf32, #tpu.memory_space<vmem>>
      %dma_start3A_244 = arith.constant 0 : i32
      %dma_start3A_245 = tpu.memref_slice %arg3[%squeeze3A_241, %dma_start3A_244] : memref<2000000x32xf32, #tpu.memory_space<hbm>> -> memref<1x32xf32, #tpu.memory_space<hbm>>
      %dma_start3A_246 = arith.constant 0 : i32
      %dma_start3A_247 = tpu.memref_slice %arg8[%add3A_239, %dma_start3A_246] : memref<256x32xf32, #tpu.memory_space<vmem>> -> memref<1x32xf32, #tpu.memory_space<vmem>>
      %dma_start3A_248 = arith.constant 0 : i32
      %dma_start3A_249 = tpu.memref_slice %arg3[%squeeze3A_241, %dma_start3A_248] : memref<2000000x32xf32, #tpu.memory_space<hbm>> -> memref<1x32xf32, #tpu.memory_space<hbm>>
      tpu.enqueue_dma source(%dma_start3A_249 : memref<1x32xf32, #tpu.memory_space<hbm>>) target(%dma_start3A_247 : memref<1x32xf32, #tpu.memory_space<vmem>>) target_semaphore(%arg11 : memref<!tpu.dma_semaphore, #tpu.memory_space<semaphore_mem>>)
      %mul3A_250 = arith.constant 16 : i32
      %mul3A_251 = arith.muli %scan3A_60, %mul3A_250 : i32
      %add3A_252 = arith.constant 6 : i32
      %add3A_253 = arith.addi %mul3A_251, %add3A_252 : i32
      %slice3A_254 = vector.extract_strided_slice %gather3A {offsets = [6], sizes = [1], strides = [1]} : vector<16xi32> to vector<1xi32>
      %squeeze3A_255 = vector.extract %slice3A_254[0] : i32 from vector<1xi32>
      %dma_start3A_256 = arith.constant 0 : i32
      %dma_start3A_257 = tpu.memref_slice %arg7[%add3A_253, %dma_start3A_256] : memref<256x32xf32, #tpu.memory_space<vmem>> -> memref<1x32xf32, #tpu.memory_space<vmem>>
      %dma_start3A_258 = arith.constant 0 : i32
      %dma_start3A_259 = tpu.memref_slice %arg3[%squeeze3A_255, %dma_start3A_258] : memref<2000000x32xf32, #tpu.memory_space<hbm>> -> memref<1x32xf32, #tpu.memory_space<hbm>>
      %dma_start3A_260 = arith.constant 0 : i32
      %dma_start3A_261 = tpu.memref_slice %arg7[%add3A_253, %dma_start3A_260] : memref<256x32xf32, #tpu.memory_space<vmem>> -> memref<1x32xf32, #tpu.memory_space<vmem>>
      %dma_start3A_262 = arith.constant 0 : i32
      %dma_start3A_263 = tpu.memref_slice %arg3[%squeeze3A_255, %dma_start3A_262] : memref<2000000x32xf32, #tpu.memory_space<hbm>> -> memref<1x32xf32, #tpu.memory_space<hbm>>
      tpu.enqueue_dma source(%dma_start3A_263 : memref<1x32xf32, #tpu.memory_space<hbm>>) target(%dma_start3A_261 : memref<1x32xf32, #tpu.memory_space<vmem>>) target_semaphore(%arg11 : memref<!tpu.dma_semaphore, #tpu.memory_space<semaphore_mem>>)
      %mul3A_264 = arith.constant 16 : i32
      %mul3A_265 = arith.muli %scan3A_60, %mul3A_264 : i32
      %add3A_266 = arith.constant 6 : i32
      %add3A_267 = arith.addi %mul3A_265, %add3A_266 : i32
      %slice3A_268 = vector.extract_strided_slice %add3A_82 {offsets = [6], sizes = [1], strides = [1]} : vector<16xi32> to vector<1xi32>
      %squeeze3A_269 = vector.extract %slice3A_268[0] : i32 from vector<1xi32>
      %dma_start3A_270 = arith.constant 0 : i32
      %dma_start3A_271 = tpu.memref_slice %arg8[%add3A_267, %dma_start3A_270] : memref<256x32xf32, #tpu.memory_space<vmem>> -> memref<1x32xf32, #tpu.memory_space<vmem>>
      %dma_start3A_272 = arith.constant 0 : i32
      %dma_start3A_273 = tpu.memref_slice %arg3[%squeeze3A_269, %dma_start3A_272] : memref<2000000x32xf32, #tpu.memory_space<hbm>> -> memref<1x32xf32, #tpu.memory_space<hbm>>
      %dma_start3A_274 = arith.constant 0 : i32
      %dma_start3A_275 = tpu.memref_slice %arg8[%add3A_267, %dma_start3A_274] : memref<256x32xf32, #tpu.memory_space<vmem>> -> memref<1x32xf32, #tpu.memory_space<vmem>>
      %dma_start3A_276 = arith.constant 0 : i32
      %dma_start3A_277 = tpu.memref_slice %arg3[%squeeze3A_269, %dma_start3A_276] : memref<2000000x32xf32, #tpu.memory_space<hbm>> -> memref<1x32xf32, #tpu.memory_space<hbm>>
      tpu.enqueue_dma source(%dma_start3A_277 : memref<1x32xf32, #tpu.memory_space<hbm>>) target(%dma_start3A_275 : memref<1x32xf32, #tpu.memory_space<vmem>>) target_semaphore(%arg11 : memref<!tpu.dma_semaphore, #tpu.memory_space<semaphore_mem>>)
      %mul3A_278 = arith.constant 16 : i32
      %mul3A_279 = arith.muli %scan3A_60, %mul3A_278 : i32
      %add3A_280 = arith.constant 7 : i32
      %add3A_281 = arith.addi %mul3A_279, %add3A_280 : i32
      %slice3A_282 = vector.extract_strided_slice %gather3A {offsets = [7], sizes = [1], strides = [1]} : vector<16xi32> to vector<1xi32>
      %squeeze3A_283 = vector.extract %slice3A_282[0] : i32 from vector<1xi32>
      %dma_start3A_284 = arith.constant 0 : i32
      %dma_start3A_285 = tpu.memref_slice %arg7[%add3A_281, %dma_start3A_284] : memref<256x32xf32, #tpu.memory_space<vmem>> -> memref<1x32xf32, #tpu.memory_space<vmem>>
      %dma_start3A_286 = arith.constant 0 : i32
      %dma_start3A_287 = tpu.memref_slice %arg3[%squeeze3A_283, %dma_start3A_286] : memref<2000000x32xf32, #tpu.memory_space<hbm>> -> memref<1x32xf32, #tpu.memory_space<hbm>>
      %dma_start3A_288 = arith.constant 0 : i32
      %dma_start3A_289 = tpu.memref_slice %arg7[%add3A_281, %dma_start3A_288] : memref<256x32xf32, #tpu.memory_space<vmem>> -> memref<1x32xf32, #tpu.memory_space<vmem>>
      %dma_start3A_290 = arith.constant 0 : i32
      %dma_start3A_291 = tpu.memref_slice %arg3[%squeeze3A_283, %dma_start3A_290] : memref<2000000x32xf32, #tpu.memory_space<hbm>> -> memref<1x32xf32, #tpu.memory_space<hbm>>
      tpu.enqueue_dma source(%dma_start3A_291 : memref<1x32xf32, #tpu.memory_space<hbm>>) target(%dma_start3A_289 : memref<1x32xf32, #tpu.memory_space<vmem>>) target_semaphore(%arg11 : memref<!tpu.dma_semaphore, #tpu.memory_space<semaphore_mem>>)
      %mul3A_292 = arith.constant 16 : i32
      %mul3A_293 = arith.muli %scan3A_60, %mul3A_292 : i32
      %add3A_294 = arith.constant 7 : i32
      %add3A_295 = arith.addi %mul3A_293, %add3A_294 : i32
      %slice3A_296 = vector.extract_strided_slice %add3A_82 {offsets = [7], sizes = [1], strides = [1]} : vector<16xi32> to vector<1xi32>
      %squeeze3A_297 = vector.extract %slice3A_296[0] : i32 from vector<1xi32>
      %dma_start3A_298 = arith.constant 0 : i32
      %dma_start3A_299 = tpu.memref_slice %arg8[%add3A_295, %dma_start3A_298] : memref<256x32xf32, #tpu.memory_space<vmem>> -> memref<1x32xf32, #tpu.memory_space<vmem>>
      %dma_start3A_300 = arith.constant 0 : i32
      %dma_start3A_301 = tpu.memref_slice %arg3[%squeeze3A_297, %dma_start3A_300] : memref<2000000x32xf32, #tpu.memory_space<hbm>> -> memref<1x32xf32, #tpu.memory_space<hbm>>
      %dma_start3A_302 = arith.constant 0 : i32
      %dma_start3A_303 = tpu.memref_slice %arg8[%add3A_295, %dma_start3A_302] : memref<256x32xf32, #tpu.memory_space<vmem>> -> memref<1x32xf32, #tpu.memory_space<vmem>>
      %dma_start3A_304 = arith.constant 0 : i32
      %dma_start3A_305 = tpu.memref_slice %arg3[%squeeze3A_297, %dma_start3A_304] : memref<2000000x32xf32, #tpu.memory_space<hbm>> -> memref<1x32xf32, #tpu.memory_space<hbm>>
      tpu.enqueue_dma source(%dma_start3A_305 : memref<1x32xf32, #tpu.memory_space<hbm>>) target(%dma_start3A_303 : memref<1x32xf32, #tpu.memory_space<vmem>>) target_semaphore(%arg11 : memref<!tpu.dma_semaphore, #tpu.memory_space<semaphore_mem>>)
      %mul3A_306 = arith.constant 16 : i32
      %mul3A_307 = arith.muli %scan3A_60, %mul3A_306 : i32
      %add3A_308 = arith.constant 8 : i32
      %add3A_309 = arith.addi %mul3A_307, %add3A_308 : i32
      %slice3A_310 = vector.extract_strided_slice %gather3A {offsets = [8], sizes = [1], strides = [1]} : vector<16xi32> to vector<1xi32>
      %squeeze3A_311 = vector.extract %slice3A_310[0] : i32 from vector<1xi32>
      %dma_start3A_312 = arith.constant 0 : i32
      %dma_start3A_313 = tpu.memref_slice %arg7[%add3A_309, %dma_start3A_312] : memref<256x32xf32, #tpu.memory_space<vmem>> -> memref<1x32xf32, #tpu.memory_space<vmem>>
      %dma_start3A_314 = arith.constant 0 : i32
      %dma_start3A_315 = tpu.memref_slice %arg3[%squeeze3A_311, %dma_start3A_314] : memref<2000000x32xf32, #tpu.memory_space<hbm>> -> memref<1x32xf32, #tpu.memory_space<hbm>>
      %dma_start3A_316 = arith.constant 0 : i32
      %dma_start3A_317 = tpu.memref_slice %arg7[%add3A_309, %dma_start3A_316] : memref<256x32xf32, #tpu.memory_space<vmem>> -> memref<1x32xf32, #tpu.memory_space<vmem>>
      %dma_start3A_318 = arith.constant 0 : i32
      %dma_start3A_319 = tpu.memref_slice %arg3[%squeeze3A_311, %dma_start3A_318] : memref<2000000x32xf32, #tpu.memory_space<hbm>> -> memref<1x32xf32, #tpu.memory_space<hbm>>
      tpu.enqueue_dma source(%dma_start3A_319 : memref<1x32xf32, #tpu.memory_space<hbm>>) target(%dma_start3A_317 : memref<1x32xf32, #tpu.memory_space<vmem>>) target_semaphore(%arg11 : memref<!tpu.dma_semaphore, #tpu.memory_space<semaphore_mem>>)
      %mul3A_320 = arith.constant 16 : i32
      %mul3A_321 = arith.muli %scan3A_60, %mul3A_320 : i32
      %add3A_322 = arith.constant 8 : i32
      %add3A_323 = arith.addi %mul3A_321, %add3A_322 : i32
      %slice3A_324 = vector.extract_strided_slice %add3A_82 {offsets = [8], sizes = [1], strides = [1]} : vector<16xi32> to vector<1xi32>
      %squeeze3A_325 = vector.extract %slice3A_324[0] : i32 from vector<1xi32>
      %dma_start3A_326 = arith.constant 0 : i32
      %dma_start3A_327 = tpu.memref_slice %arg8[%add3A_323, %dma_start3A_326] : memref<256x32xf32, #tpu.memory_space<vmem>> -> memref<1x32xf32, #tpu.memory_space<vmem>>
      %dma_start3A_328 = arith.constant 0 : i32
      %dma_start3A_329 = tpu.memref_slice %arg3[%squeeze3A_325, %dma_start3A_328] : memref<2000000x32xf32, #tpu.memory_space<hbm>> -> memref<1x32xf32, #tpu.memory_space<hbm>>
      %dma_start3A_330 = arith.constant 0 : i32
      %dma_start3A_331 = tpu.memref_slice %arg8[%add3A_323, %dma_start3A_330] : memref<256x32xf32, #tpu.memory_space<vmem>> -> memref<1x32xf32, #tpu.memory_space<vmem>>
      %dma_start3A_332 = arith.constant 0 : i32
      %dma_start3A_333 = tpu.memref_slice %arg3[%squeeze3A_325, %dma_start3A_332] : memref<2000000x32xf32, #tpu.memory_space<hbm>> -> memref<1x32xf32, #tpu.memory_space<hbm>>
      tpu.enqueue_dma source(%dma_start3A_333 : memref<1x32xf32, #tpu.memory_space<hbm>>) target(%dma_start3A_331 : memref<1x32xf32, #tpu.memory_space<vmem>>) target_semaphore(%arg11 : memref<!tpu.dma_semaphore, #tpu.memory_space<semaphore_mem>>)
      %mul3A_334 = arith.constant 16 : i32
      %mul3A_335 = arith.muli %scan3A_60, %mul3A_334 : i32
      %add3A_336 = arith.constant 9 : i32
      %add3A_337 = arith.addi %mul3A_335, %add3A_336 : i32
      %slice3A_338 = vector.extract_strided_slice %gather3A {offsets = [9], sizes = [1], strides = [1]} : vector<16xi32> to vector<1xi32>
      %squeeze3A_339 = vector.extract %slice3A_338[0] : i32 from vector<1xi32>
      %dma_start3A_340 = arith.constant 0 : i32
      %dma_start3A_341 = tpu.memref_slice %arg7[%add3A_337, %dma_start3A_340] : memref<256x32xf32, #tpu.memory_space<vmem>> -> memref<1x32xf32, #tpu.memory_space<vmem>>
      %dma_start3A_342 = arith.constant 0 : i32
      %dma_start3A_343 = tpu.memref_slice %arg3[%squeeze3A_339, %dma_start3A_342] : memref<2000000x32xf32, #tpu.memory_space<hbm>> -> memref<1x32xf32, #tpu.memory_space<hbm>>
      %dma_start3A_344 = arith.constant 0 : i32
      %dma_start3A_345 = tpu.memref_slice %arg7[%add3A_337, %dma_start3A_344] : memref<256x32xf32, #tpu.memory_space<vmem>> -> memref<1x32xf32, #tpu.memory_space<vmem>>
      %dma_start3A_346 = arith.constant 0 : i32
      %dma_start3A_347 = tpu.memref_slice %arg3[%squeeze3A_339, %dma_start3A_346] : memref<2000000x32xf32, #tpu.memory_space<hbm>> -> memref<1x32xf32, #tpu.memory_space<hbm>>
      tpu.enqueue_dma source(%dma_start3A_347 : memref<1x32xf32, #tpu.memory_space<hbm>>) target(%dma_start3A_345 : memref<1x32xf32, #tpu.memory_space<vmem>>) target_semaphore(%arg11 : memref<!tpu.dma_semaphore, #tpu.memory_space<semaphore_mem>>)
      %mul3A_348 = arith.constant 16 : i32
      %mul3A_349 = arith.muli %scan3A_60, %mul3A_348 : i32
      %add3A_350 = arith.constant 9 : i32
      %add3A_351 = arith.addi %mul3A_349, %add3A_350 : i32
      %slice3A_352 = vector.extract_strided_slice %add3A_82 {offsets = [9], sizes = [1], strides = [1]} : vector<16xi32> to vector<1xi32>
      %squeeze3A_353 = vector.extract %slice3A_352[0] : i32 from vector<1xi32>
      %dma_start3A_354 = arith.constant 0 : i32
      %dma_start3A_355 = tpu.memref_slice %arg8[%add3A_351, %dma_start3A_354] : memref<256x32xf32, #tpu.memory_space<vmem>> -> memref<1x32xf32, #tpu.memory_space<vmem>>
      %dma_start3A_356 = arith.constant 0 : i32
      %dma_start3A_357 = tpu.memref_slice %arg3[%squeeze3A_353, %dma_start3A_356] : memref<2000000x32xf32, #tpu.memory_space<hbm>> -> memref<1x32xf32, #tpu.memory_space<hbm>>
      %dma_start3A_358 = arith.constant 0 : i32
      %dma_start3A_359 = tpu.memref_slice %arg8[%add3A_351, %dma_start3A_358] : memref<256x32xf32, #tpu.memory_space<vmem>> -> memref<1x32xf32, #tpu.memory_space<vmem>>
      %dma_start3A_360 = arith.constant 0 : i32
      %dma_start3A_361 = tpu.memref_slice %arg3[%squeeze3A_353, %dma_start3A_360] : memref<2000000x32xf32, #tpu.memory_space<hbm>> -> memref<1x32xf32, #tpu.memory_space<hbm>>
      tpu.enqueue_dma source(%dma_start3A_361 : memref<1x32xf32, #tpu.memory_space<hbm>>) target(%dma_start3A_359 : memref<1x32xf32, #tpu.memory_space<vmem>>) target_semaphore(%arg11 : memref<!tpu.dma_semaphore, #tpu.memory_space<semaphore_mem>>)
      %mul3A_362 = arith.constant 16 : i32
      %mul3A_363 = arith.muli %scan3A_60, %mul3A_362 : i32
      %add3A_364 = arith.constant 10 : i32
      %add3A_365 = arith.addi %mul3A_363, %add3A_364 : i32
      %slice3A_366 = vector.extract_strided_slice %gather3A {offsets = [10], sizes = [1], strides = [1]} : vector<16xi32> to vector<1xi32>
      %squeeze3A_367 = vector.extract %slice3A_366[0] : i32 from vector<1xi32>
      %dma_start3A_368 = arith.constant 0 : i32
      %dma_start3A_369 = tpu.memref_slice %arg7[%add3A_365, %dma_start3A_368] : memref<256x32xf32, #tpu.memory_space<vmem>> -> memref<1x32xf32, #tpu.memory_space<vmem>>
      %dma_start3A_370 = arith.constant 0 : i32
      %dma_start3A_371 = tpu.memref_slice %arg3[%squeeze3A_367, %dma_start3A_370] : memref<2000000x32xf32, #tpu.memory_space<hbm>> -> memref<1x32xf32, #tpu.memory_space<hbm>>
      %dma_start3A_372 = arith.constant 0 : i32
      %dma_start3A_373 = tpu.memref_slice %arg7[%add3A_365, %dma_start3A_372] : memref<256x32xf32, #tpu.memory_space<vmem>> -> memref<1x32xf32, #tpu.memory_space<vmem>>
      %dma_start3A_374 = arith.constant 0 : i32
      %dma_start3A_375 = tpu.memref_slice %arg3[%squeeze3A_367, %dma_start3A_374] : memref<2000000x32xf32, #tpu.memory_space<hbm>> -> memref<1x32xf32, #tpu.memory_space<hbm>>
      tpu.enqueue_dma source(%dma_start3A_375 : memref<1x32xf32, #tpu.memory_space<hbm>>) target(%dma_start3A_373 : memref<1x32xf32, #tpu.memory_space<vmem>>) target_semaphore(%arg11 : memref<!tpu.dma_semaphore, #tpu.memory_space<semaphore_mem>>)
      %mul3A_376 = arith.constant 16 : i32
      %mul3A_377 = arith.muli %scan3A_60, %mul3A_376 : i32
      %add3A_378 = arith.constant 10 : i32
      %add3A_379 = arith.addi %mul3A_377, %add3A_378 : i32
      %slice3A_380 = vector.extract_strided_slice %add3A_82 {offsets = [10], sizes = [1], strides = [1]} : vector<16xi32> to vector<1xi32>
      %squeeze3A_381 = vector.extract %slice3A_380[0] : i32 from vector<1xi32>
      %dma_start3A_382 = arith.constant 0 : i32
      %dma_start3A_383 = tpu.memref_slice %arg8[%add3A_379, %dma_start3A_382] : memref<256x32xf32, #tpu.memory_space<vmem>> -> memref<1x32xf32, #tpu.memory_space<vmem>>
      %dma_start3A_384 = arith.constant 0 : i32
      %dma_start3A_385 = tpu.memref_slice %arg3[%squeeze3A_381, %dma_start3A_384] : memref<2000000x32xf32, #tpu.memory_space<hbm>> -> memref<1x32xf32, #tpu.memory_space<hbm>>
      %dma_start3A_386 = arith.constant 0 : i32
      %dma_start3A_387 = tpu.memref_slice %arg8[%add3A_379, %dma_start3A_386] : memref<256x32xf32, #tpu.memory_space<vmem>> -> memref<1x32xf32, #tpu.memory_space<vmem>>
      %dma_start3A_388 = arith.constant 0 : i32
      %dma_start3A_389 = tpu.memref_slice %arg3[%squeeze3A_381, %dma_start3A_388] : memref<2000000x32xf32, #tpu.memory_space<hbm>> -> memref<1x32xf32, #tpu.memory_space<hbm>>
      tpu.enqueue_dma source(%dma_start3A_389 : memref<1x32xf32, #tpu.memory_space<hbm>>) target(%dma_start3A_387 : memref<1x32xf32, #tpu.memory_space<vmem>>) target_semaphore(%arg11 : memref<!tpu.dma_semaphore, #tpu.memory_space<semaphore_mem>>)
      %mul3A_390 = arith.constant 16 : i32
      %mul3A_391 = arith.muli %scan3A_60, %mul3A_390 : i32
      %add3A_392 = arith.constant 11 : i32
      %add3A_393 = arith.addi %mul3A_391, %add3A_392 : i32
      %slice3A_394 = vector.extract_strided_slice %gather3A {offsets = [11], sizes = [1], strides = [1]} : vector<16xi32> to vector<1xi32>
      %squeeze3A_395 = vector.extract %slice3A_394[0] : i32 from vector<1xi32>
      %dma_start3A_396 = arith.constant 0 : i32
      %dma_start3A_397 = tpu.memref_slice %arg7[%add3A_393, %dma_start3A_396] : memref<256x32xf32, #tpu.memory_space<vmem>> -> memref<1x32xf32, #tpu.memory_space<vmem>>
      %dma_start3A_398 = arith.constant 0 : i32
      %dma_start3A_399 = tpu.memref_slice %arg3[%squeeze3A_395, %dma_start3A_398] : memref<2000000x32xf32, #tpu.memory_space<hbm>> -> memref<1x32xf32, #tpu.memory_space<hbm>>
      %dma_start3A_400 = arith.constant 0 : i32
      %dma_start3A_401 = tpu.memref_slice %arg7[%add3A_393, %dma_start3A_400] : memref<256x32xf32, #tpu.memory_space<vmem>> -> memref<1x32xf32, #tpu.memory_space<vmem>>
      %dma_start3A_402 = arith.constant 0 : i32
      %dma_start3A_403 = tpu.memref_slice %arg3[%squeeze3A_395, %dma_start3A_402] : memref<2000000x32xf32, #tpu.memory_space<hbm>> -> memref<1x32xf32, #tpu.memory_space<hbm>>
      tpu.enqueue_dma source(%dma_start3A_403 : memref<1x32xf32, #tpu.memory_space<hbm>>) target(%dma_start3A_401 : memref<1x32xf32, #tpu.memory_space<vmem>>) target_semaphore(%arg11 : memref<!tpu.dma_semaphore, #tpu.memory_space<semaphore_mem>>)
      %mul3A_404 = arith.constant 16 : i32
      %mul3A_405 = arith.muli %scan3A_60, %mul3A_404 : i32
      %add3A_406 = arith.constant 11 : i32
      %add3A_407 = arith.addi %mul3A_405, %add3A_406 : i32
      %slice3A_408 = vector.extract_strided_slice %add3A_82 {offsets = [11], sizes = [1], strides = [1]} : vector<16xi32> to vector<1xi32>
      %squeeze3A_409 = vector.extract %slice3A_408[0] : i32 from vector<1xi32>
      %dma_start3A_410 = arith.constant 0 : i32
      %dma_start3A_411 = tpu.memref_slice %arg8[%add3A_407, %dma_start3A_410] : memref<256x32xf32, #tpu.memory_space<vmem>> -> memref<1x32xf32, #tpu.memory_space<vmem>>
      %dma_start3A_412 = arith.constant 0 : i32
      %dma_start3A_413 = tpu.memref_slice %arg3[%squeeze3A_409, %dma_start3A_412] : memref<2000000x32xf32, #tpu.memory_space<hbm>> -> memref<1x32xf32, #tpu.memory_space<hbm>>
      %dma_start3A_414 = arith.constant 0 : i32
      %dma_start3A_415 = tpu.memref_slice %arg8[%add3A_407, %dma_start3A_414] : memref<256x32xf32, #tpu.memory_space<vmem>> -> memref<1x32xf32, #tpu.memory_space<vmem>>
      %dma_start3A_416 = arith.constant 0 : i32
      %dma_start3A_417 = tpu.memref_slice %arg3[%squeeze3A_409, %dma_start3A_416] : memref<2000000x32xf32, #tpu.memory_space<hbm>> -> memref<1x32xf32, #tpu.memory_space<hbm>>
      tpu.enqueue_dma source(%dma_start3A_417 : memref<1x32xf32, #tpu.memory_space<hbm>>) target(%dma_start3A_415 : memref<1x32xf32, #tpu.memory_space<vmem>>) target_semaphore(%arg11 : memref<!tpu.dma_semaphore, #tpu.memory_space<semaphore_mem>>)
      %mul3A_418 = arith.constant 16 : i32
      %mul3A_419 = arith.muli %scan3A_60, %mul3A_418 : i32
      %add3A_420 = arith.constant 12 : i32
      %add3A_421 = arith.addi %mul3A_419, %add3A_420 : i32
      %slice3A_422 = vector.extract_strided_slice %gather3A {offsets = [12], sizes = [1], strides = [1]} : vector<16xi32> to vector<1xi32>
      %squeeze3A_423 = vector.extract %slice3A_422[0] : i32 from vector<1xi32>
      %dma_start3A_424 = arith.constant 0 : i32
      %dma_start3A_425 = tpu.memref_slice %arg7[%add3A_421, %dma_start3A_424] : memref<256x32xf32, #tpu.memory_space<vmem>> -> memref<1x32xf32, #tpu.memory_space<vmem>>
      %dma_start3A_426 = arith.constant 0 : i32
      %dma_start3A_427 = tpu.memref_slice %arg3[%squeeze3A_423, %dma_start3A_426] : memref<2000000x32xf32, #tpu.memory_space<hbm>> -> memref<1x32xf32, #tpu.memory_space<hbm>>
      %dma_start3A_428 = arith.constant 0 : i32
      %dma_start3A_429 = tpu.memref_slice %arg7[%add3A_421, %dma_start3A_428] : memref<256x32xf32, #tpu.memory_space<vmem>> -> memref<1x32xf32, #tpu.memory_space<vmem>>
      %dma_start3A_430 = arith.constant 0 : i32
      %dma_start3A_431 = tpu.memref_slice %arg3[%squeeze3A_423, %dma_start3A_430] : memref<2000000x32xf32, #tpu.memory_space<hbm>> -> memref<1x32xf32, #tpu.memory_space<hbm>>
      tpu.enqueue_dma source(%dma_start3A_431 : memref<1x32xf32, #tpu.memory_space<hbm>>) target(%dma_start3A_429 : memref<1x32xf32, #tpu.memory_space<vmem>>) target_semaphore(%arg11 : memref<!tpu.dma_semaphore, #tpu.memory_space<semaphore_mem>>)
      %mul3A_432 = arith.constant 16 : i32
      %mul3A_433 = arith.muli %scan3A_60, %mul3A_432 : i32
      %add3A_434 = arith.constant 12 : i32
      %add3A_435 = arith.addi %mul3A_433, %add3A_434 : i32
      %slice3A_436 = vector.extract_strided_slice %add3A_82 {offsets = [12], sizes = [1], strides = [1]} : vector<16xi32> to vector<1xi32>
      %squeeze3A_437 = vector.extract %slice3A_436[0] : i32 from vector<1xi32>
      %dma_start3A_438 = arith.constant 0 : i32
      %dma_start3A_439 = tpu.memref_slice %arg8[%add3A_435, %dma_start3A_438] : memref<256x32xf32, #tpu.memory_space<vmem>> -> memref<1x32xf32, #tpu.memory_space<vmem>>
      %dma_start3A_440 = arith.constant 0 : i32
      %dma_start3A_441 = tpu.memref_slice %arg3[%squeeze3A_437, %dma_start3A_440] : memref<2000000x32xf32, #tpu.memory_space<hbm>> -> memref<1x32xf32, #tpu.memory_space<hbm>>
      %dma_start3A_442 = arith.constant 0 : i32
      %dma_start3A_443 = tpu.memref_slice %arg8[%add3A_435, %dma_start3A_442] : memref<256x32xf32, #tpu.memory_space<vmem>> -> memref<1x32xf32, #tpu.memory_space<vmem>>
      %dma_start3A_444 = arith.constant 0 : i32
      %dma_start3A_445 = tpu.memref_slice %arg3[%squeeze3A_437, %dma_start3A_444] : memref<2000000x32xf32, #tpu.memory_space<hbm>> -> memref<1x32xf32, #tpu.memory_space<hbm>>
      tpu.enqueue_dma source(%dma_start3A_445 : memref<1x32xf32, #tpu.memory_space<hbm>>) target(%dma_start3A_443 : memref<1x32xf32, #tpu.memory_space<vmem>>) target_semaphore(%arg11 : memref<!tpu.dma_semaphore, #tpu.memory_space<semaphore_mem>>)
      %mul3A_446 = arith.constant 16 : i32
      %mul3A_447 = arith.muli %scan3A_60, %mul3A_446 : i32
      %add3A_448 = arith.constant 13 : i32
      %add3A_449 = arith.addi %mul3A_447, %add3A_448 : i32
      %slice3A_450 = vector.extract_strided_slice %gather3A {offsets = [13], sizes = [1], strides = [1]} : vector<16xi32> to vector<1xi32>
      %squeeze3A_451 = vector.extract %slice3A_450[0] : i32 from vector<1xi32>
      %dma_start3A_452 = arith.constant 0 : i32
      %dma_start3A_453 = tpu.memref_slice %arg7[%add3A_449, %dma_start3A_452] : memref<256x32xf32, #tpu.memory_space<vmem>> -> memref<1x32xf32, #tpu.memory_space<vmem>>
      %dma_start3A_454 = arith.constant 0 : i32
      %dma_start3A_455 = tpu.memref_slice %arg3[%squeeze3A_451, %dma_start3A_454] : memref<2000000x32xf32, #tpu.memory_space<hbm>> -> memref<1x32xf32, #tpu.memory_space<hbm>>
      %dma_start3A_456 = arith.constant 0 : i32
      %dma_start3A_457 = tpu.memref_slice %arg7[%add3A_449, %dma_start3A_456] : memref<256x32xf32, #tpu.memory_space<vmem>> -> memref<1x32xf32, #tpu.memory_space<vmem>>
      %dma_start3A_458 = arith.constant 0 : i32
      %dma_start3A_459 = tpu.memref_slice %arg3[%squeeze3A_451, %dma_start3A_458] : memref<2000000x32xf32, #tpu.memory_space<hbm>> -> memref<1x32xf32, #tpu.memory_space<hbm>>
      tpu.enqueue_dma source(%dma_start3A_459 : memref<1x32xf32, #tpu.memory_space<hbm>>) target(%dma_start3A_457 : memref<1x32xf32, #tpu.memory_space<vmem>>) target_semaphore(%arg11 : memref<!tpu.dma_semaphore, #tpu.memory_space<semaphore_mem>>)
      %mul3A_460 = arith.constant 16 : i32
      %mul3A_461 = arith.muli %scan3A_60, %mul3A_460 : i32
      %add3A_462 = arith.constant 13 : i32
      %add3A_463 = arith.addi %mul3A_461, %add3A_462 : i32
      %slice3A_464 = vector.extract_strided_slice %add3A_82 {offsets = [13], sizes = [1], strides = [1]} : vector<16xi32> to vector<1xi32>
      %squeeze3A_465 = vector.extract %slice3A_464[0] : i32 from vector<1xi32>
      %dma_start3A_466 = arith.constant 0 : i32
      %dma_start3A_467 = tpu.memref_slice %arg8[%add3A_463, %dma_start3A_466] : memref<256x32xf32, #tpu.memory_space<vmem>> -> memref<1x32xf32, #tpu.memory_space<vmem>>
      %dma_start3A_468 = arith.constant 0 : i32
      %dma_start3A_469 = tpu.memref_slice %arg3[%squeeze3A_465, %dma_start3A_468] : memref<2000000x32xf32, #tpu.memory_space<hbm>> -> memref<1x32xf32, #tpu.memory_space<hbm>>
      %dma_start3A_470 = arith.constant 0 : i32
      %dma_start3A_471 = tpu.memref_slice %arg8[%add3A_463, %dma_start3A_470] : memref<256x32xf32, #tpu.memory_space<vmem>> -> memref<1x32xf32, #tpu.memory_space<vmem>>
      %dma_start3A_472 = arith.constant 0 : i32
      %dma_start3A_473 = tpu.memref_slice %arg3[%squeeze3A_465, %dma_start3A_472] : memref<2000000x32xf32, #tpu.memory_space<hbm>> -> memref<1x32xf32, #tpu.memory_space<hbm>>
      tpu.enqueue_dma source(%dma_start3A_473 : memref<1x32xf32, #tpu.memory_space<hbm>>) target(%dma_start3A_471 : memref<1x32xf32, #tpu.memory_space<vmem>>) target_semaphore(%arg11 : memref<!tpu.dma_semaphore, #tpu.memory_space<semaphore_mem>>)
      %mul3A_474 = arith.constant 16 : i32
      %mul3A_475 = arith.muli %scan3A_60, %mul3A_474 : i32
      %add3A_476 = arith.constant 14 : i32
      %add3A_477 = arith.addi %mul3A_475, %add3A_476 : i32
      %slice3A_478 = vector.extract_strided_slice %gather3A {offsets = [14], sizes = [1], strides = [1]} : vector<16xi32> to vector<1xi32>
      %squeeze3A_479 = vector.extract %slice3A_478[0] : i32 from vector<1xi32>
      %dma_start3A_480 = arith.constant 0 : i32
      %dma_start3A_481 = tpu.memref_slice %arg7[%add3A_477, %dma_start3A_480] : memref<256x32xf32, #tpu.memory_space<vmem>> -> memref<1x32xf32, #tpu.memory_space<vmem>>
      %dma_start3A_482 = arith.constant 0 : i32
      %dma_start3A_483 = tpu.memref_slice %arg3[%squeeze3A_479, %dma_start3A_482] : memref<2000000x32xf32, #tpu.memory_space<hbm>> -> memref<1x32xf32, #tpu.memory_space<hbm>>
      %dma_start3A_484 = arith.constant 0 : i32
      %dma_start3A_485 = tpu.memref_slice %arg7[%add3A_477, %dma_start3A_484] : memref<256x32xf32, #tpu.memory_space<vmem>> -> memref<1x32xf32, #tpu.memory_space<vmem>>
      %dma_start3A_486 = arith.constant 0 : i32
      %dma_start3A_487 = tpu.memref_slice %arg3[%squeeze3A_479, %dma_start3A_486] : memref<2000000x32xf32, #tpu.memory_space<hbm>> -> memref<1x32xf32, #tpu.memory_space<hbm>>
      tpu.enqueue_dma source(%dma_start3A_487 : memref<1x32xf32, #tpu.memory_space<hbm>>) target(%dma_start3A_485 : memref<1x32xf32, #tpu.memory_space<vmem>>) target_semaphore(%arg11 : memref<!tpu.dma_semaphore, #tpu.memory_space<semaphore_mem>>)
      %mul3A_488 = arith.constant 16 : i32
      %mul3A_489 = arith.muli %scan3A_60, %mul3A_488 : i32
      %add3A_490 = arith.constant 14 : i32
      %add3A_491 = arith.addi %mul3A_489, %add3A_490 : i32
      %slice3A_492 = vector.extract_strided_slice %add3A_82 {offsets = [14], sizes = [1], strides = [1]} : vector<16xi32> to vector<1xi32>
      %squeeze3A_493 = vector.extract %slice3A_492[0] : i32 from vector<1xi32>
      %dma_start3A_494 = arith.constant 0 : i32
      %dma_start3A_495 = tpu.memref_slice %arg8[%add3A_491, %dma_start3A_494] : memref<256x32xf32, #tpu.memory_space<vmem>> -> memref<1x32xf32, #tpu.memory_space<vmem>>
      %dma_start3A_496 = arith.constant 0 : i32
      %dma_start3A_497 = tpu.memref_slice %arg3[%squeeze3A_493, %dma_start3A_496] : memref<2000000x32xf32, #tpu.memory_space<hbm>> -> memref<1x32xf32, #tpu.memory_space<hbm>>
      %dma_start3A_498 = arith.constant 0 : i32
      %dma_start3A_499 = tpu.memref_slice %arg8[%add3A_491, %dma_start3A_498] : memref<256x32xf32, #tpu.memory_space<vmem>> -> memref<1x32xf32, #tpu.memory_space<vmem>>
      %dma_start3A_500 = arith.constant 0 : i32
      %dma_start3A_501 = tpu.memref_slice %arg3[%squeeze3A_493, %dma_start3A_500] : memref<2000000x32xf32, #tpu.memory_space<hbm>> -> memref<1x32xf32, #tpu.memory_space<hbm>>
      tpu.enqueue_dma source(%dma_start3A_501 : memref<1x32xf32, #tpu.memory_space<hbm>>) target(%dma_start3A_499 : memref<1x32xf32, #tpu.memory_space<vmem>>) target_semaphore(%arg11 : memref<!tpu.dma_semaphore, #tpu.memory_space<semaphore_mem>>)
      %mul3A_502 = arith.constant 16 : i32
      %mul3A_503 = arith.muli %scan3A_60, %mul3A_502 : i32
      %add3A_504 = arith.constant 15 : i32
      %add3A_505 = arith.addi %mul3A_503, %add3A_504 : i32
      %slice3A_506 = vector.extract_strided_slice %gather3A {offsets = [15], sizes = [1], strides = [1]} : vector<16xi32> to vector<1xi32>
      %squeeze3A_507 = vector.extract %slice3A_506[0] : i32 from vector<1xi32>
      %dma_start3A_508 = arith.constant 0 : i32
      %dma_start3A_509 = tpu.memref_slice %arg7[%add3A_505, %dma_start3A_508] : memref<256x32xf32, #tpu.memory_space<vmem>> -> memref<1x32xf32, #tpu.memory_space<vmem>>
      %dma_start3A_510 = arith.constant 0 : i32
      %dma_start3A_511 = tpu.memref_slice %arg3[%squeeze3A_507, %dma_start3A_510] : memref<2000000x32xf32, #tpu.memory_space<hbm>> -> memref<1x32xf32, #tpu.memory_space<hbm>>
      %dma_start3A_512 = arith.constant 0 : i32
      %dma_start3A_513 = tpu.memref_slice %arg7[%add3A_505, %dma_start3A_512] : memref<256x32xf32, #tpu.memory_space<vmem>> -> memref<1x32xf32, #tpu.memory_space<vmem>>
      %dma_start3A_514 = arith.constant 0 : i32
      %dma_start3A_515 = tpu.memref_slice %arg3[%squeeze3A_507, %dma_start3A_514] : memref<2000000x32xf32, #tpu.memory_space<hbm>> -> memref<1x32xf32, #tpu.memory_space<hbm>>
      tpu.enqueue_dma source(%dma_start3A_515 : memref<1x32xf32, #tpu.memory_space<hbm>>) target(%dma_start3A_513 : memref<1x32xf32, #tpu.memory_space<vmem>>) target_semaphore(%arg11 : memref<!tpu.dma_semaphore, #tpu.memory_space<semaphore_mem>>)
      %mul3A_516 = arith.constant 16 : i32
      %mul3A_517 = arith.muli %scan3A_60, %mul3A_516 : i32
      %add3A_518 = arith.constant 15 : i32
      %add3A_519 = arith.addi %mul3A_517, %add3A_518 : i32
      %slice3A_520 = vector.extract_strided_slice %add3A_82 {offsets = [15], sizes = [1], strides = [1]} : vector<16xi32> to vector<1xi32>
      %squeeze3A_521 = vector.extract %slice3A_520[0] : i32 from vector<1xi32>
      %dma_start3A_522 = arith.constant 0 : i32
      %dma_start3A_523 = tpu.memref_slice %arg8[%add3A_519, %dma_start3A_522] : memref<256x32xf32, #tpu.memory_space<vmem>> -> memref<1x32xf32, #tpu.memory_space<vmem>>
      %dma_start3A_524 = arith.constant 0 : i32
      %dma_start3A_525 = tpu.memref_slice %arg3[%squeeze3A_521, %dma_start3A_524] : memref<2000000x32xf32, #tpu.memory_space<hbm>> -> memref<1x32xf32, #tpu.memory_space<hbm>>
      %dma_start3A_526 = arith.constant 0 : i32
      %dma_start3A_527 = tpu.memref_slice %arg8[%add3A_519, %dma_start3A_526] : memref<256x32xf32, #tpu.memory_space<vmem>> -> memref<1x32xf32, #tpu.memory_space<vmem>>
      %dma_start3A_528 = arith.constant 0 : i32
      %dma_start3A_529 = tpu.memref_slice %arg3[%squeeze3A_521, %dma_start3A_528] : memref<2000000x32xf32, #tpu.memory_space<hbm>> -> memref<1x32xf32, #tpu.memory_space<hbm>>
      tpu.enqueue_dma source(%dma_start3A_529 : memref<1x32xf32, #tpu.memory_space<hbm>>) target(%dma_start3A_527 : memref<1x32xf32, #tpu.memory_space<vmem>>) target_semaphore(%arg11 : memref<!tpu.dma_semaphore, #tpu.memory_space<semaphore_mem>>)
      %scan3A_530 = arith.constant 0 : i32
      scf.yield %scan3A_530 : i32
    }
    %scan3A_40 = arith.constant 16 : i32
    %dma_wait3A_41 = arith.constant 0 : i32
    %dma_wait3A_42 = arith.constant 0 : i32
    %dma_wait3A_43 = tpu.memref_slice %arg3[%dma_wait3A_41, %dma_wait3A_42] : memref<2000000x32xf32, #tpu.memory_space<hbm>> -> memref<256x32xf32, #tpu.memory_space<hbm>>
    %dma_wait3A_44 = arith.constant 0 : i32
    %dma_wait3A_45 = arith.constant 0 : i32
    %dma_wait3A_46 = tpu.memref_slice %arg3[%dma_wait3A_44, %dma_wait3A_45] : memref<2000000x32xf32, #tpu.memory_space<hbm>> -> memref<256x32xf32, #tpu.memory_space<hbm>>
    tpu.wait_dma2 semaphore(%arg11 : memref<!tpu.dma_semaphore, #tpu.memory_space<semaphore_mem>>) src(%dma_wait3A_46 : memref<256x32xf32, #tpu.memory_space<hbm>>) dst(%arg7 : memref<256x32xf32, #tpu.memory_space<vmem>>)
    %dma_wait3A_47 = arith.constant 0 : i32
    %dma_wait3A_48 = arith.constant 0 : i32
    %dma_wait3A_49 = tpu.memref_slice %arg3[%dma_wait3A_47, %dma_wait3A_48] : memref<2000000x32xf32, #tpu.memory_space<hbm>> -> memref<256x32xf32, #tpu.memory_space<hbm>>
    %dma_wait3A_50 = arith.constant 0 : i32
    %dma_wait3A_51 = arith.constant 0 : i32
    %dma_wait3A_52 = tpu.memref_slice %arg3[%dma_wait3A_50, %dma_wait3A_51] : memref<2000000x32xf32, #tpu.memory_space<hbm>> -> memref<256x32xf32, #tpu.memory_space<hbm>>
    tpu.wait_dma2 semaphore(%arg11 : memref<!tpu.dma_semaphore, #tpu.memory_space<semaphore_mem>>) src(%dma_wait3A_52 : memref<256x32xf32, #tpu.memory_space<hbm>>) dst(%arg8 : memref<256x32xf32, #tpu.memory_space<vmem>>)
    %scan3A_53 = arith.constant 0 : i32
    %scan3A_54 = arith.constant 0 : i32
    %scan3A_55 = arith.constant 16 : i32
    %scan3A_56 = arith.addi %scan3A_54, %scan3A_55 : i32
    %scan3A_57 = arith.constant 1 : i32
    %scan3A_58 = scf.for %scan3A_60 = %scan3A_54 to %scan3A_56 step %scan3A_57 iter_args(%scan3A_61 = %scan3A_53) -> (i32)  : i32 {
      %mul3A_62 = arith.constant 16 : i32
      %mul3A_63 = arith.muli %scan3A_60, %mul3A_62 : i32
      %broadcast_in_dim3A_64 = arith.constant 0.000000e+00 : f32
      %broadcast_in_dim3A_65 = vector.broadcast %broadcast_in_dim3A_64 : f32 to vector<16xf32>
      %add3A_66 = arith.constant 0 : i32
      %add3A_67 = arith.addi %mul3A_63, %add3A_66 : i32
      %get3A_68 = arith.index_cast %add3A_67 : i32 to index
      %get3A_69 = arith.constant 0 : index
      %get3A_70 = tpu.vector_load %arg7[%get3A_68, %get3A_69] {strides = array<i32>} : memref<256x32xf32, #tpu.memory_space<vmem>>, vector<16xf32>,
      %get3A_71 = arith.index_cast %add3A_67 : i32 to index
      %get3A_72 = arith.constant 16 : index
      %get3A_73 = tpu.vector_load %arg7[%get3A_71, %get3A_72] {strides = array<i32>} : memref<256x32xf32, #tpu.memory_space<vmem>>, vector<16xf32>,
      %get3A_74 = arith.index_cast %add3A_67 : i32 to index
      %get3A_75 = arith.constant 0 : index
      %get3A_76 = tpu.vector_load %arg8[%get3A_74, %get3A_75] {strides = array<i32>} : memref<256x32xf32, #tpu.memory_space<vmem>>, vector<16xf32>,
      %get3A_77 = arith.index_cast %add3A_67 : i32 to index
      %get3A_78 = arith.constant 16 : index
      %get3A_79 = tpu.vector_load %arg8[%get3A_77, %get3A_78] {strides = array<i32>} : memref<256x32xf32, #tpu.memory_space<vmem>>, vector<16xf32>,
      %mul3A_80 = arith.mulf %get3A_70, %get3A_76 : vector<16xf32>
      %mul3A_81 = arith.mulf %mul3A_80, %get3A_5 : vector<16xf32>
      %mul3A_82 = arith.mulf %get3A_73, %get3A_79 : vector<16xf32>
      %mul3A_83 = arith.mulf %mul3A_82, %get3A_7 : vector<16xf32>
      %add3A_84 = arith.addf %mul3A_81, %mul3A_83 : vector<16xf32>
      %eq3A = arith.constant 0 : i32
      %eq3A_85 = vector.broadcast %eq3A : i32 to vector<16xi32>
      %eq3A_86 = arith.cmpi eq, %iota3A, %eq3A_85 : vector<16xi32>
      %reduce_sum3A = arith.constant true
      %reduce_sum3A_87 = vector.broadcast %reduce_sum3A : i1 to vector<16xi1>
      %reduce_sum3A_88 = tpu.scan <sum>, %add3A_84 masked %reduce_sum3A_87 : vector<16xf32>, vector<16xi1> -> vector<16xf32>
      %reduce_sum3A_89 = vector.extract %reduce_sum3A_88[15] : f32 from vector<16xf32>
      %broadcast_in_dim3A_90 = vector.broadcast %reduce_sum3A_89 : f32 to vector<16xf32>
      %select_n3A = arith.select %eq3A_86, %broadcast_in_dim3A_90, %broadcast_in_dim3A_65 : vector<16xi1>, vector<16xf32>
      %add3A_91 = arith.constant 1 : i32
      %add3A_92 = arith.addi %mul3A_63, %add3A_91 : i32
      %get3A_93 = arith.index_cast %add3A_92 : i32 to index
      %get3A_94 = arith.constant 0 : index
      %get3A_95 = tpu.vector_load %arg7[%get3A_93, %get3A_94] {strides = array<i32>} : memref<256x32xf32, #tpu.memory_space<vmem>>, vector<16xf32>,
      %get3A_96 = arith.index_cast %add3A_92 : i32 to index
      %get3A_97 = arith.constant 16 : index
      %get3A_98 = tpu.vector_load %arg7[%get3A_96, %get3A_97] {strides = array<i32>} : memref<256x32xf32, #tpu.memory_space<vmem>>, vector<16xf32>,
      %get3A_99 = arith.index_cast %add3A_92 : i32 to index
      %get3A_100 = arith.constant 0 : index
      %get3A_101 = tpu.vector_load %arg8[%get3A_99, %get3A_100] {strides = array<i32>} : memref<256x32xf32, #tpu.memory_space<vmem>>, vector<16xf32>,
      %get3A_102 = arith.index_cast %add3A_92 : i32 to index
      %get3A_103 = arith.constant 16 : index
      %get3A_104 = tpu.vector_load %arg8[%get3A_102, %get3A_103] {strides = array<i32>} : memref<256x32xf32, #tpu.memory_space<vmem>>, vector<16xf32>,
      %mul3A_105 = arith.mulf %get3A_95, %get3A_101 : vector<16xf32>
      %mul3A_106 = arith.mulf %mul3A_105, %get3A_5 : vector<16xf32>
      %mul3A_107 = arith.mulf %get3A_98, %get3A_104 : vector<16xf32>
      %mul3A_108 = arith.mulf %mul3A_107, %get3A_7 : vector<16xf32>
      %add3A_109 = arith.addf %mul3A_106, %mul3A_108 : vector<16xf32>
      %eq3A_110 = arith.constant 1 : i32
      %eq3A_111 = vector.broadcast %eq3A_110 : i32 to vector<16xi32>
      %eq3A_112 = arith.cmpi eq, %iota3A, %eq3A_111 : vector<16xi32>
      %reduce_sum3A_113 = arith.constant true
      %reduce_sum3A_114 = vector.broadcast %reduce_sum3A_113 : i1 to vector<16xi1>
      %reduce_sum3A_115 = tpu.scan <sum>, %add3A_109 masked %reduce_sum3A_114 : vector<16xf32>, vector<16xi1> -> vector<16xf32>
      %reduce_sum3A_116 = vector.extract %reduce_sum3A_115[15] : f32 from vector<16xf32>
      %broadcast_in_dim3A_117 = vector.broadcast %reduce_sum3A_116 : f32 to vector<16xf32>
      %select_n3A_118 = arith.select %eq3A_112, %broadcast_in_dim3A_117, %select_n3A : vector<16xi1>, vector<16xf32>
      %add3A_119 = arith.constant 2 : i32
      %add3A_120 = arith.addi %mul3A_63, %add3A_119 : i32
      %get3A_121 = arith.index_cast %add3A_120 : i32 to index
      %get3A_122 = arith.constant 0 : index
      %get3A_123 = tpu.vector_load %arg7[%get3A_121, %get3A_122] {strides = array<i32>} : memref<256x32xf32, #tpu.memory_space<vmem>>, vector<16xf32>,
      %get3A_124 = arith.index_cast %add3A_120 : i32 to index
      %get3A_125 = arith.constant 16 : index
      %get3A_126 = tpu.vector_load %arg7[%get3A_124, %get3A_125] {strides = array<i32>} : memref<256x32xf32, #tpu.memory_space<vmem>>, vector<16xf32>,
      %get3A_127 = arith.index_cast %add3A_120 : i32 to index
      %get3A_128 = arith.constant 0 : index
      %get3A_129 = tpu.vector_load %arg8[%get3A_127, %get3A_128] {strides = array<i32>} : memref<256x32xf32, #tpu.memory_space<vmem>>, vector<16xf32>,
      %get3A_130 = arith.index_cast %add3A_120 : i32 to index
      %get3A_131 = arith.constant 16 : index
      %get3A_132 = tpu.vector_load %arg8[%get3A_130, %get3A_131] {strides = array<i32>} : memref<256x32xf32, #tpu.memory_space<vmem>>, vector<16xf32>,
      %mul3A_133 = arith.mulf %get3A_123, %get3A_129 : vector<16xf32>
      %mul3A_134 = arith.mulf %mul3A_133, %get3A_5 : vector<16xf32>
      %mul3A_135 = arith.mulf %get3A_126, %get3A_132 : vector<16xf32>
      %mul3A_136 = arith.mulf %mul3A_135, %get3A_7 : vector<16xf32>
      %add3A_137 = arith.addf %mul3A_134, %mul3A_136 : vector<16xf32>
      %eq3A_138 = arith.constant 2 : i32
      %eq3A_139 = vector.broadcast %eq3A_138 : i32 to vector<16xi32>
      %eq3A_140 = arith.cmpi eq, %iota3A, %eq3A_139 : vector<16xi32>
      %reduce_sum3A_141 = arith.constant true
      %reduce_sum3A_142 = vector.broadcast %reduce_sum3A_141 : i1 to vector<16xi1>
      %reduce_sum3A_143 = tpu.scan <sum>, %add3A_137 masked %reduce_sum3A_142 : vector<16xf32>, vector<16xi1> -> vector<16xf32>
      %reduce_sum3A_144 = vector.extract %reduce_sum3A_143[15] : f32 from vector<16xf32>
      %broadcast_in_dim3A_145 = vector.broadcast %reduce_sum3A_144 : f32 to vector<16xf32>
      %select_n3A_146 = arith.select %eq3A_140, %broadcast_in_dim3A_145, %select_n3A_118 : vector<16xi1>, vector<16xf32>
      %add3A_147 = arith.constant 3 : i32
      %add3A_148 = arith.addi %mul3A_63, %add3A_147 : i32
      %get3A_149 = arith.index_cast %add3A_148 : i32 to index
      %get3A_150 = arith.constant 0 : index
      %get3A_151 = tpu.vector_load %arg7[%get3A_149, %get3A_150] {strides = array<i32>} : memref<256x32xf32, #tpu.memory_space<vmem>>, vector<16xf32>,
      %get3A_152 = arith.index_cast %add3A_148 : i32 to index
      %get3A_153 = arith.constant 16 : index
      %get3A_154 = tpu.vector_load %arg7[%get3A_152, %get3A_153] {strides = array<i32>} : memref<256x32xf32, #tpu.memory_space<vmem>>, vector<16xf32>,
      %get3A_155 = arith.index_cast %add3A_148 : i32 to index
      %get3A_156 = arith.constant 0 : index
      %get3A_157 = tpu.vector_load %arg8[%get3A_155, %get3A_156] {strides = array<i32>} : memref<256x32xf32, #tpu.memory_space<vmem>>, vector<16xf32>,
      %get3A_158 = arith.index_cast %add3A_148 : i32 to index
      %get3A_159 = arith.constant 16 : index
      %get3A_160 = tpu.vector_load %arg8[%get3A_158, %get3A_159] {strides = array<i32>} : memref<256x32xf32, #tpu.memory_space<vmem>>, vector<16xf32>,
      %mul3A_161 = arith.mulf %get3A_151, %get3A_157 : vector<16xf32>
      %mul3A_162 = arith.mulf %mul3A_161, %get3A_5 : vector<16xf32>
      %mul3A_163 = arith.mulf %get3A_154, %get3A_160 : vector<16xf32>
      %mul3A_164 = arith.mulf %mul3A_163, %get3A_7 : vector<16xf32>
      %add3A_165 = arith.addf %mul3A_162, %mul3A_164 : vector<16xf32>
      %eq3A_166 = arith.constant 3 : i32
      %eq3A_167 = vector.broadcast %eq3A_166 : i32 to vector<16xi32>
      %eq3A_168 = arith.cmpi eq, %iota3A, %eq3A_167 : vector<16xi32>
      %reduce_sum3A_169 = arith.constant true
      %reduce_sum3A_170 = vector.broadcast %reduce_sum3A_169 : i1 to vector<16xi1>
      %reduce_sum3A_171 = tpu.scan <sum>, %add3A_165 masked %reduce_sum3A_170 : vector<16xf32>, vector<16xi1> -> vector<16xf32>
      %reduce_sum3A_172 = vector.extract %reduce_sum3A_171[15] : f32 from vector<16xf32>
      %broadcast_in_dim3A_173 = vector.broadcast %reduce_sum3A_172 : f32 to vector<16xf32>
      %select_n3A_174 = arith.select %eq3A_168, %broadcast_in_dim3A_173, %select_n3A_146 : vector<16xi1>, vector<16xf32>
      %add3A_175 = arith.constant 4 : i32
      %add3A_176 = arith.addi %mul3A_63, %add3A_175 : i32
      %get3A_177 = arith.index_cast %add3A_176 : i32 to index
      %get3A_178 = arith.constant 0 : index
      %get3A_179 = tpu.vector_load %arg7[%get3A_177, %get3A_178] {strides = array<i32>} : memref<256x32xf32, #tpu.memory_space<vmem>>, vector<16xf32>,
      %get3A_180 = arith.index_cast %add3A_176 : i32 to index
      %get3A_181 = arith.constant 16 : index
      %get3A_182 = tpu.vector_load %arg7[%get3A_180, %get3A_181] {strides = array<i32>} : memref<256x32xf32, #tpu.memory_space<vmem>>, vector<16xf32>,
      %get3A_183 = arith.index_cast %add3A_176 : i32 to index
      %get3A_184 = arith.constant 0 : index
      %get3A_185 = tpu.vector_load %arg8[%get3A_183, %get3A_184] {strides = array<i32>} : memref<256x32xf32, #tpu.memory_space<vmem>>, vector<16xf32>,
      %get3A_186 = arith.index_cast %add3A_176 : i32 to index
      %get3A_187 = arith.constant 16 : index
      %get3A_188 = tpu.vector_load %arg8[%get3A_186, %get3A_187] {strides = array<i32>} : memref<256x32xf32, #tpu.memory_space<vmem>>, vector<16xf32>,
      %mul3A_189 = arith.mulf %get3A_179, %get3A_185 : vector<16xf32>
      %mul3A_190 = arith.mulf %mul3A_189, %get3A_5 : vector<16xf32>
      %mul3A_191 = arith.mulf %get3A_182, %get3A_188 : vector<16xf32>
      %mul3A_192 = arith.mulf %mul3A_191, %get3A_7 : vector<16xf32>
      %add3A_193 = arith.addf %mul3A_190, %mul3A_192 : vector<16xf32>
      %eq3A_194 = arith.constant 4 : i32
      %eq3A_195 = vector.broadcast %eq3A_194 : i32 to vector<16xi32>
      %eq3A_196 = arith.cmpi eq, %iota3A, %eq3A_195 : vector<16xi32>
      %reduce_sum3A_197 = arith.constant true
      %reduce_sum3A_198 = vector.broadcast %reduce_sum3A_197 : i1 to vector<16xi1>
      %reduce_sum3A_199 = tpu.scan <sum>, %add3A_193 masked %reduce_sum3A_198 : vector<16xf32>, vector<16xi1> -> vector<16xf32>
      %reduce_sum3A_200 = vector.extract %reduce_sum3A_199[15] : f32 from vector<16xf32>
      %broadcast_in_dim3A_201 = vector.broadcast %reduce_sum3A_200 : f32 to vector<16xf32>
      %select_n3A_202 = arith.select %eq3A_196, %broadcast_in_dim3A_201, %select_n3A_174 : vector<16xi1>, vector<16xf32>
      %add3A_203 = arith.constant 5 : i32
      %add3A_204 = arith.addi %mul3A_63, %add3A_203 : i32
      %get3A_205 = arith.index_cast %add3A_204 : i32 to index
      %get3A_206 = arith.constant 0 : index
      %get3A_207 = tpu.vector_load %arg7[%get3A_205, %get3A_206] {strides = array<i32>} : memref<256x32xf32, #tpu.memory_space<vmem>>, vector<16xf32>,
      %get3A_208 = arith.index_cast %add3A_204 : i32 to index
      %get3A_209 = arith.constant 16 : index
      %get3A_210 = tpu.vector_load %arg7[%get3A_208, %get3A_209] {strides = array<i32>} : memref<256x32xf32, #tpu.memory_space<vmem>>, vector<16xf32>,
      %get3A_211 = arith.index_cast %add3A_204 : i32 to index
      %get3A_212 = arith.constant 0 : index
      %get3A_213 = tpu.vector_load %arg8[%get3A_211, %get3A_212] {strides = array<i32>} : memref<256x32xf32, #tpu.memory_space<vmem>>, vector<16xf32>,
      %get3A_214 = arith.index_cast %add3A_204 : i32 to index
      %get3A_215 = arith.constant 16 : index
      %get3A_216 = tpu.vector_load %arg8[%get3A_214, %get3A_215] {strides = array<i32>} : memref<256x32xf32, #tpu.memory_space<vmem>>, vector<16xf32>,
      %mul3A_217 = arith.mulf %get3A_207, %get3A_213 : vector<16xf32>
      %mul3A_218 = arith.mulf %mul3A_217, %get3A_5 : vector<16xf32>
      %mul3A_219 = arith.mulf %get3A_210, %get3A_216 : vector<16xf32>
      %mul3A_220 = arith.mulf %mul3A_219, %get3A_7 : vector<16xf32>
      %add3A_221 = arith.addf %mul3A_218, %mul3A_220 : vector<16xf32>
      %eq3A_222 = arith.constant 5 : i32
      %eq3A_223 = vector.broadcast %eq3A_222 : i32 to vector<16xi32>
      %eq3A_224 = arith.cmpi eq, %iota3A, %eq3A_223 : vector<16xi32>
      %reduce_sum3A_225 = arith.constant true
      %reduce_sum3A_226 = vector.broadcast %reduce_sum3A_225 : i1 to vector<16xi1>
      %reduce_sum3A_227 = tpu.scan <sum>, %add3A_221 masked %reduce_sum3A_226 : vector<16xf32>, vector<16xi1> -> vector<16xf32>
      %reduce_sum3A_228 = vector.extract %reduce_sum3A_227[15] : f32 from vector<16xf32>
      %broadcast_in_dim3A_229 = vector.broadcast %reduce_sum3A_228 : f32 to vector<16xf32>
      %select_n3A_230 = arith.select %eq3A_224, %broadcast_in_dim3A_229, %select_n3A_202 : vector<16xi1>, vector<16xf32>
      %add3A_231 = arith.constant 6 : i32
      %add3A_232 = arith.addi %mul3A_63, %add3A_231 : i32
      %get3A_233 = arith.index_cast %add3A_232 : i32 to index
      %get3A_234 = arith.constant 0 : index
      %get3A_235 = tpu.vector_load %arg7[%get3A_233, %get3A_234] {strides = array<i32>} : memref<256x32xf32, #tpu.memory_space<vmem>>, vector<16xf32>,
      %get3A_236 = arith.index_cast %add3A_232 : i32 to index
      %get3A_237 = arith.constant 16 : index
      %get3A_238 = tpu.vector_load %arg7[%get3A_236, %get3A_237] {strides = array<i32>} : memref<256x32xf32, #tpu.memory_space<vmem>>, vector<16xf32>,
      %get3A_239 = arith.index_cast %add3A_232 : i32 to index
      %get3A_240 = arith.constant 0 : index
      %get3A_241 = tpu.vector_load %arg8[%get3A_239, %get3A_240] {strides = array<i32>} : memref<256x32xf32, #tpu.memory_space<vmem>>, vector<16xf32>,
      %get3A_242 = arith.index_cast %add3A_232 : i32 to index
      %get3A_243 = arith.constant 16 : index
      %get3A_244 = tpu.vector_load %arg8[%get3A_242, %get3A_243] {strides = array<i32>} : memref<256x32xf32, #tpu.memory_space<vmem>>, vector<16xf32>,
      %mul3A_245 = arith.mulf %get3A_235, %get3A_241 : vector<16xf32>
      %mul3A_246 = arith.mulf %mul3A_245, %get3A_5 : vector<16xf32>
      %mul3A_247 = arith.mulf %get3A_238, %get3A_244 : vector<16xf32>
      %mul3A_248 = arith.mulf %mul3A_247, %get3A_7 : vector<16xf32>
      %add3A_249 = arith.addf %mul3A_246, %mul3A_248 : vector<16xf32>
      %eq3A_250 = arith.constant 6 : i32
      %eq3A_251 = vector.broadcast %eq3A_250 : i32 to vector<16xi32>
      %eq3A_252 = arith.cmpi eq, %iota3A, %eq3A_251 : vector<16xi32>
      %reduce_sum3A_253 = arith.constant true
      %reduce_sum3A_254 = vector.broadcast %reduce_sum3A_253 : i1 to vector<16xi1>
      %reduce_sum3A_255 = tpu.scan <sum>, %add3A_249 masked %reduce_sum3A_254 : vector<16xf32>, vector<16xi1> -> vector<16xf32>
      %reduce_sum3A_256 = vector.extract %reduce_sum3A_255[15] : f32 from vector<16xf32>
      %broadcast_in_dim3A_257 = vector.broadcast %reduce_sum3A_256 : f32 to vector<16xf32>
      %select_n3A_258 = arith.select %eq3A_252, %broadcast_in_dim3A_257, %select_n3A_230 : vector<16xi1>, vector<16xf32>
      %add3A_259 = arith.constant 7 : i32
      %add3A_260 = arith.addi %mul3A_63, %add3A_259 : i32
      %get3A_261 = arith.index_cast %add3A_260 : i32 to index
      %get3A_262 = arith.constant 0 : index
      %get3A_263 = tpu.vector_load %arg7[%get3A_261, %get3A_262] {strides = array<i32>} : memref<256x32xf32, #tpu.memory_space<vmem>>, vector<16xf32>,
      %get3A_264 = arith.index_cast %add3A_260 : i32 to index
      %get3A_265 = arith.constant 16 : index
      %get3A_266 = tpu.vector_load %arg7[%get3A_264, %get3A_265] {strides = array<i32>} : memref<256x32xf32, #tpu.memory_space<vmem>>, vector<16xf32>,
      %get3A_267 = arith.index_cast %add3A_260 : i32 to index
      %get3A_268 = arith.constant 0 : index
      %get3A_269 = tpu.vector_load %arg8[%get3A_267, %get3A_268] {strides = array<i32>} : memref<256x32xf32, #tpu.memory_space<vmem>>, vector<16xf32>,
      %get3A_270 = arith.index_cast %add3A_260 : i32 to index
      %get3A_271 = arith.constant 16 : index
      %get3A_272 = tpu.vector_load %arg8[%get3A_270, %get3A_271] {strides = array<i32>} : memref<256x32xf32, #tpu.memory_space<vmem>>, vector<16xf32>,
      %mul3A_273 = arith.mulf %get3A_263, %get3A_269 : vector<16xf32>
      %mul3A_274 = arith.mulf %mul3A_273, %get3A_5 : vector<16xf32>
      %mul3A_275 = arith.mulf %get3A_266, %get3A_272 : vector<16xf32>
      %mul3A_276 = arith.mulf %mul3A_275, %get3A_7 : vector<16xf32>
      %add3A_277 = arith.addf %mul3A_274, %mul3A_276 : vector<16xf32>
      %eq3A_278 = arith.constant 7 : i32
      %eq3A_279 = vector.broadcast %eq3A_278 : i32 to vector<16xi32>
      %eq3A_280 = arith.cmpi eq, %iota3A, %eq3A_279 : vector<16xi32>
      %reduce_sum3A_281 = arith.constant true
      %reduce_sum3A_282 = vector.broadcast %reduce_sum3A_281 : i1 to vector<16xi1>
      %reduce_sum3A_283 = tpu.scan <sum>, %add3A_277 masked %reduce_sum3A_282 : vector<16xf32>, vector<16xi1> -> vector<16xf32>
      %reduce_sum3A_284 = vector.extract %reduce_sum3A_283[15] : f32 from vector<16xf32>
      %broadcast_in_dim3A_285 = vector.broadcast %reduce_sum3A_284 : f32 to vector<16xf32>
      %select_n3A_286 = arith.select %eq3A_280, %broadcast_in_dim3A_285, %select_n3A_258 : vector<16xi1>, vector<16xf32>
      %add3A_287 = arith.constant 8 : i32
      %add3A_288 = arith.addi %mul3A_63, %add3A_287 : i32
      %get3A_289 = arith.index_cast %add3A_288 : i32 to index
      %get3A_290 = arith.constant 0 : index
      %get3A_291 = tpu.vector_load %arg7[%get3A_289, %get3A_290] {strides = array<i32>} : memref<256x32xf32, #tpu.memory_space<vmem>>, vector<16xf32>,
      %get3A_292 = arith.index_cast %add3A_288 : i32 to index
      %get3A_293 = arith.constant 16 : index
      %get3A_294 = tpu.vector_load %arg7[%get3A_292, %get3A_293] {strides = array<i32>} : memref<256x32xf32, #tpu.memory_space<vmem>>, vector<16xf32>,
      %get3A_295 = arith.index_cast %add3A_288 : i32 to index
      %get3A_296 = arith.constant 0 : index
      %get3A_297 = tpu.vector_load %arg8[%get3A_295, %get3A_296] {strides = array<i32>} : memref<256x32xf32, #tpu.memory_space<vmem>>, vector<16xf32>,
      %get3A_298 = arith.index_cast %add3A_288 : i32 to index
      %get3A_299 = arith.constant 16 : index
      %get3A_300 = tpu.vector_load %arg8[%get3A_298, %get3A_299] {strides = array<i32>} : memref<256x32xf32, #tpu.memory_space<vmem>>, vector<16xf32>,
      %mul3A_301 = arith.mulf %get3A_291, %get3A_297 : vector<16xf32>
      %mul3A_302 = arith.mulf %mul3A_301, %get3A_5 : vector<16xf32>
      %mul3A_303 = arith.mulf %get3A_294, %get3A_300 : vector<16xf32>
      %mul3A_304 = arith.mulf %mul3A_303, %get3A_7 : vector<16xf32>
      %add3A_305 = arith.addf %mul3A_302, %mul3A_304 : vector<16xf32>
      %eq3A_306 = arith.constant 8 : i32
      %eq3A_307 = vector.broadcast %eq3A_306 : i32 to vector<16xi32>
      %eq3A_308 = arith.cmpi eq, %iota3A, %eq3A_307 : vector<16xi32>
      %reduce_sum3A_309 = arith.constant true
      %reduce_sum3A_310 = vector.broadcast %reduce_sum3A_309 : i1 to vector<16xi1>
      %reduce_sum3A_311 = tpu.scan <sum>, %add3A_305 masked %reduce_sum3A_310 : vector<16xf32>, vector<16xi1> -> vector<16xf32>
      %reduce_sum3A_312 = vector.extract %reduce_sum3A_311[15] : f32 from vector<16xf32>
      %broadcast_in_dim3A_313 = vector.broadcast %reduce_sum3A_312 : f32 to vector<16xf32>
      %select_n3A_314 = arith.select %eq3A_308, %broadcast_in_dim3A_313, %select_n3A_286 : vector<16xi1>, vector<16xf32>
      %add3A_315 = arith.constant 9 : i32
      %add3A_316 = arith.addi %mul3A_63, %add3A_315 : i32
      %get3A_317 = arith.index_cast %add3A_316 : i32 to index
      %get3A_318 = arith.constant 0 : index
      %get3A_319 = tpu.vector_load %arg7[%get3A_317, %get3A_318] {strides = array<i32>} : memref<256x32xf32, #tpu.memory_space<vmem>>, vector<16xf32>,
      %get3A_320 = arith.index_cast %add3A_316 : i32 to index
      %get3A_321 = arith.constant 16 : index
      %get3A_322 = tpu.vector_load %arg7[%get3A_320, %get3A_321] {strides = array<i32>} : memref<256x32xf32, #tpu.memory_space<vmem>>, vector<16xf32>,
      %get3A_323 = arith.index_cast %add3A_316 : i32 to index
      %get3A_324 = arith.constant 0 : index
      %get3A_325 = tpu.vector_load %arg8[%get3A_323, %get3A_324] {strides = array<i32>} : memref<256x32xf32, #tpu.memory_space<vmem>>, vector<16xf32>,
      %get3A_326 = arith.index_cast %add3A_316 : i32 to index
      %get3A_327 = arith.constant 16 : index
      %get3A_328 = tpu.vector_load %arg8[%get3A_326, %get3A_327] {strides = array<i32>} : memref<256x32xf32, #tpu.memory_space<vmem>>, vector<16xf32>,
      %mul3A_329 = arith.mulf %get3A_319, %get3A_325 : vector<16xf32>
      %mul3A_330 = arith.mulf %mul3A_329, %get3A_5 : vector<16xf32>
      %mul3A_331 = arith.mulf %get3A_322, %get3A_328 : vector<16xf32>
      %mul3A_332 = arith.mulf %mul3A_331, %get3A_7 : vector<16xf32>
      %add3A_333 = arith.addf %mul3A_330, %mul3A_332 : vector<16xf32>
      %eq3A_334 = arith.constant 9 : i32
      %eq3A_335 = vector.broadcast %eq3A_334 : i32 to vector<16xi32>
      %eq3A_336 = arith.cmpi eq, %iota3A, %eq3A_335 : vector<16xi32>
      %reduce_sum3A_337 = arith.constant true
      %reduce_sum3A_338 = vector.broadcast %reduce_sum3A_337 : i1 to vector<16xi1>
      %reduce_sum3A_339 = tpu.scan <sum>, %add3A_333 masked %reduce_sum3A_338 : vector<16xf32>, vector<16xi1> -> vector<16xf32>
      %reduce_sum3A_340 = vector.extract %reduce_sum3A_339[15] : f32 from vector<16xf32>
      %broadcast_in_dim3A_341 = vector.broadcast %reduce_sum3A_340 : f32 to vector<16xf32>
      %select_n3A_342 = arith.select %eq3A_336, %broadcast_in_dim3A_341, %select_n3A_314 : vector<16xi1>, vector<16xf32>
      %add3A_343 = arith.constant 10 : i32
      %add3A_344 = arith.addi %mul3A_63, %add3A_343 : i32
      %get3A_345 = arith.index_cast %add3A_344 : i32 to index
      %get3A_346 = arith.constant 0 : index
      %get3A_347 = tpu.vector_load %arg7[%get3A_345, %get3A_346] {strides = array<i32>} : memref<256x32xf32, #tpu.memory_space<vmem>>, vector<16xf32>,
      %get3A_348 = arith.index_cast %add3A_344 : i32 to index
      %get3A_349 = arith.constant 16 : index
      %get3A_350 = tpu.vector_load %arg7[%get3A_348, %get3A_349] {strides = array<i32>} : memref<256x32xf32, #tpu.memory_space<vmem>>, vector<16xf32>,
      %get3A_351 = arith.index_cast %add3A_344 : i32 to index
      %get3A_352 = arith.constant 0 : index
      %get3A_353 = tpu.vector_load %arg8[%get3A_351, %get3A_352] {strides = array<i32>} : memref<256x32xf32, #tpu.memory_space<vmem>>, vector<16xf32>,
      %get3A_354 = arith.index_cast %add3A_344 : i32 to index
      %get3A_355 = arith.constant 16 : index
      %get3A_356 = tpu.vector_load %arg8[%get3A_354, %get3A_355] {strides = array<i32>} : memref<256x32xf32, #tpu.memory_space<vmem>>, vector<16xf32>,
      %mul3A_357 = arith.mulf %get3A_347, %get3A_353 : vector<16xf32>
      %mul3A_358 = arith.mulf %mul3A_357, %get3A_5 : vector<16xf32>
      %mul3A_359 = arith.mulf %get3A_350, %get3A_356 : vector<16xf32>
      %mul3A_360 = arith.mulf %mul3A_359, %get3A_7 : vector<16xf32>
      %add3A_361 = arith.addf %mul3A_358, %mul3A_360 : vector<16xf32>
      %eq3A_362 = arith.constant 10 : i32
      %eq3A_363 = vector.broadcast %eq3A_362 : i32 to vector<16xi32>
      %eq3A_364 = arith.cmpi eq, %iota3A, %eq3A_363 : vector<16xi32>
      %reduce_sum3A_365 = arith.constant true
      %reduce_sum3A_366 = vector.broadcast %reduce_sum3A_365 : i1 to vector<16xi1>
      %reduce_sum3A_367 = tpu.scan <sum>, %add3A_361 masked %reduce_sum3A_366 : vector<16xf32>, vector<16xi1> -> vector<16xf32>
      %reduce_sum3A_368 = vector.extract %reduce_sum3A_367[15] : f32 from vector<16xf32>
      %broadcast_in_dim3A_369 = vector.broadcast %reduce_sum3A_368 : f32 to vector<16xf32>
      %select_n3A_370 = arith.select %eq3A_364, %broadcast_in_dim3A_369, %select_n3A_342 : vector<16xi1>, vector<16xf32>
      %add3A_371 = arith.constant 11 : i32
      %add3A_372 = arith.addi %mul3A_63, %add3A_371 : i32
      %get3A_373 = arith.index_cast %add3A_372 : i32 to index
      %get3A_374 = arith.constant 0 : index
      %get3A_375 = tpu.vector_load %arg7[%get3A_373, %get3A_374] {strides = array<i32>} : memref<256x32xf32, #tpu.memory_space<vmem>>, vector<16xf32>,
      %get3A_376 = arith.index_cast %add3A_372 : i32 to index
      %get3A_377 = arith.constant 16 : index
      %get3A_378 = tpu.vector_load %arg7[%get3A_376, %get3A_377] {strides = array<i32>} : memref<256x32xf32, #tpu.memory_space<vmem>>, vector<16xf32>,
      %get3A_379 = arith.index_cast %add3A_372 : i32 to index
      %get3A_380 = arith.constant 0 : index
      %get3A_381 = tpu.vector_load %arg8[%get3A_379, %get3A_380] {strides = array<i32>} : memref<256x32xf32, #tpu.memory_space<vmem>>, vector<16xf32>,
      %get3A_382 = arith.index_cast %add3A_372 : i32 to index
      %get3A_383 = arith.constant 16 : index
      %get3A_384 = tpu.vector_load %arg8[%get3A_382, %get3A_383] {strides = array<i32>} : memref<256x32xf32, #tpu.memory_space<vmem>>, vector<16xf32>,
      %mul3A_385 = arith.mulf %get3A_375, %get3A_381 : vector<16xf32>
      %mul3A_386 = arith.mulf %mul3A_385, %get3A_5 : vector<16xf32>
      %mul3A_387 = arith.mulf %get3A_378, %get3A_384 : vector<16xf32>
      %mul3A_388 = arith.mulf %mul3A_387, %get3A_7 : vector<16xf32>
      %add3A_389 = arith.addf %mul3A_386, %mul3A_388 : vector<16xf32>
      %eq3A_390 = arith.constant 11 : i32
      %eq3A_391 = vector.broadcast %eq3A_390 : i32 to vector<16xi32>
      %eq3A_392 = arith.cmpi eq, %iota3A, %eq3A_391 : vector<16xi32>
      %reduce_sum3A_393 = arith.constant true
      %reduce_sum3A_394 = vector.broadcast %reduce_sum3A_393 : i1 to vector<16xi1>
      %reduce_sum3A_395 = tpu.scan <sum>, %add3A_389 masked %reduce_sum3A_394 : vector<16xf32>, vector<16xi1> -> vector<16xf32>
      %reduce_sum3A_396 = vector.extract %reduce_sum3A_395[15] : f32 from vector<16xf32>
      %broadcast_in_dim3A_397 = vector.broadcast %reduce_sum3A_396 : f32 to vector<16xf32>
      %select_n3A_398 = arith.select %eq3A_392, %broadcast_in_dim3A_397, %select_n3A_370 : vector<16xi1>, vector<16xf32>
      %add3A_399 = arith.constant 12 : i32
      %add3A_400 = arith.addi %mul3A_63, %add3A_399 : i32
      %get3A_401 = arith.index_cast %add3A_400 : i32 to index
      %get3A_402 = arith.constant 0 : index
      %get3A_403 = tpu.vector_load %arg7[%get3A_401, %get3A_402] {strides = array<i32>} : memref<256x32xf32, #tpu.memory_space<vmem>>, vector<16xf32>,
      %get3A_404 = arith.index_cast %add3A_400 : i32 to index
      %get3A_405 = arith.constant 16 : index
      %get3A_406 = tpu.vector_load %arg7[%get3A_404, %get3A_405] {strides = array<i32>} : memref<256x32xf32, #tpu.memory_space<vmem>>, vector<16xf32>,
      %get3A_407 = arith.index_cast %add3A_400 : i32 to index
      %get3A_408 = arith.constant 0 : index
      %get3A_409 = tpu.vector_load %arg8[%get3A_407, %get3A_408] {strides = array<i32>} : memref<256x32xf32, #tpu.memory_space<vmem>>, vector<16xf32>,
      %get3A_410 = arith.index_cast %add3A_400 : i32 to index
      %get3A_411 = arith.constant 16 : index
      %get3A_412 = tpu.vector_load %arg8[%get3A_410, %get3A_411] {strides = array<i32>} : memref<256x32xf32, #tpu.memory_space<vmem>>, vector<16xf32>,
      %mul3A_413 = arith.mulf %get3A_403, %get3A_409 : vector<16xf32>
      %mul3A_414 = arith.mulf %mul3A_413, %get3A_5 : vector<16xf32>
      %mul3A_415 = arith.mulf %get3A_406, %get3A_412 : vector<16xf32>
      %mul3A_416 = arith.mulf %mul3A_415, %get3A_7 : vector<16xf32>
      %add3A_417 = arith.addf %mul3A_414, %mul3A_416 : vector<16xf32>
      %eq3A_418 = arith.constant 12 : i32
      %eq3A_419 = vector.broadcast %eq3A_418 : i32 to vector<16xi32>
      %eq3A_420 = arith.cmpi eq, %iota3A, %eq3A_419 : vector<16xi32>
      %reduce_sum3A_421 = arith.constant true
      %reduce_sum3A_422 = vector.broadcast %reduce_sum3A_421 : i1 to vector<16xi1>
      %reduce_sum3A_423 = tpu.scan <sum>, %add3A_417 masked %reduce_sum3A_422 : vector<16xf32>, vector<16xi1> -> vector<16xf32>
      %reduce_sum3A_424 = vector.extract %reduce_sum3A_423[15] : f32 from vector<16xf32>
      %broadcast_in_dim3A_425 = vector.broadcast %reduce_sum3A_424 : f32 to vector<16xf32>
      %select_n3A_426 = arith.select %eq3A_420, %broadcast_in_dim3A_425, %select_n3A_398 : vector<16xi1>, vector<16xf32>
      %add3A_427 = arith.constant 13 : i32
      %add3A_428 = arith.addi %mul3A_63, %add3A_427 : i32
      %get3A_429 = arith.index_cast %add3A_428 : i32 to index
      %get3A_430 = arith.constant 0 : index
      %get3A_431 = tpu.vector_load %arg7[%get3A_429, %get3A_430] {strides = array<i32>} : memref<256x32xf32, #tpu.memory_space<vmem>>, vector<16xf32>,
      %get3A_432 = arith.index_cast %add3A_428 : i32 to index
      %get3A_433 = arith.constant 16 : index
      %get3A_434 = tpu.vector_load %arg7[%get3A_432, %get3A_433] {strides = array<i32>} : memref<256x32xf32, #tpu.memory_space<vmem>>, vector<16xf32>,
      %get3A_435 = arith.index_cast %add3A_428 : i32 to index
      %get3A_436 = arith.constant 0 : index
      %get3A_437 = tpu.vector_load %arg8[%get3A_435, %get3A_436] {strides = array<i32>} : memref<256x32xf32, #tpu.memory_space<vmem>>, vector<16xf32>,
      %get3A_438 = arith.index_cast %add3A_428 : i32 to index
      %get3A_439 = arith.constant 16 : index
      %get3A_440 = tpu.vector_load %arg8[%get3A_438, %get3A_439] {strides = array<i32>} : memref<256x32xf32, #tpu.memory_space<vmem>>, vector<16xf32>,
      %mul3A_441 = arith.mulf %get3A_431, %get3A_437 : vector<16xf32>
      %mul3A_442 = arith.mulf %mul3A_441, %get3A_5 : vector<16xf32>
      %mul3A_443 = arith.mulf %get3A_434, %get3A_440 : vector<16xf32>
      %mul3A_444 = arith.mulf %mul3A_443, %get3A_7 : vector<16xf32>
      %add3A_445 = arith.addf %mul3A_442, %mul3A_444 : vector<16xf32>
      %eq3A_446 = arith.constant 13 : i32
      %eq3A_447 = vector.broadcast %eq3A_446 : i32 to vector<16xi32>
      %eq3A_448 = arith.cmpi eq, %iota3A, %eq3A_447 : vector<16xi32>
      %reduce_sum3A_449 = arith.constant true
      %reduce_sum3A_450 = vector.broadcast %reduce_sum3A_449 : i1 to vector<16xi1>
      %reduce_sum3A_451 = tpu.scan <sum>, %add3A_445 masked %reduce_sum3A_450 : vector<16xf32>, vector<16xi1> -> vector<16xf32>
      %reduce_sum3A_452 = vector.extract %reduce_sum3A_451[15] : f32 from vector<16xf32>
      %broadcast_in_dim3A_453 = vector.broadcast %reduce_sum3A_452 : f32 to vector<16xf32>
      %select_n3A_454 = arith.select %eq3A_448, %broadcast_in_dim3A_453, %select_n3A_426 : vector<16xi1>, vector<16xf32>
      %add3A_455 = arith.constant 14 : i32
      %add3A_456 = arith.addi %mul3A_63, %add3A_455 : i32
      %get3A_457 = arith.index_cast %add3A_456 : i32 to index
      %get3A_458 = arith.constant 0 : index
      %get3A_459 = tpu.vector_load %arg7[%get3A_457, %get3A_458] {strides = array<i32>} : memref<256x32xf32, #tpu.memory_space<vmem>>, vector<16xf32>,
      %get3A_460 = arith.index_cast %add3A_456 : i32 to index
      %get3A_461 = arith.constant 16 : index
      %get3A_462 = tpu.vector_load %arg7[%get3A_460, %get3A_461] {strides = array<i32>} : memref<256x32xf32, #tpu.memory_space<vmem>>, vector<16xf32>,
      %get3A_463 = arith.index_cast %add3A_456 : i32 to index
      %get3A_464 = arith.constant 0 : index
      %get3A_465 = tpu.vector_load %arg8[%get3A_463, %get3A_464] {strides = array<i32>} : memref<256x32xf32, #tpu.memory_space<vmem>>, vector<16xf32>,
      %get3A_466 = arith.index_cast %add3A_456 : i32 to index
      %get3A_467 = arith.constant 16 : index
      %get3A_468 = tpu.vector_load %arg8[%get3A_466, %get3A_467] {strides = array<i32>} : memref<256x32xf32, #tpu.memory_space<vmem>>, vector<16xf32>,
      %mul3A_469 = arith.mulf %get3A_459, %get3A_465 : vector<16xf32>
      %mul3A_470 = arith.mulf %mul3A_469, %get3A_5 : vector<16xf32>
      %mul3A_471 = arith.mulf %get3A_462, %get3A_468 : vector<16xf32>
      %mul3A_472 = arith.mulf %mul3A_471, %get3A_7 : vector<16xf32>
      %add3A_473 = arith.addf %mul3A_470, %mul3A_472 : vector<16xf32>
      %eq3A_474 = arith.constant 14 : i32
      %eq3A_475 = vector.broadcast %eq3A_474 : i32 to vector<16xi32>
      %eq3A_476 = arith.cmpi eq, %iota3A, %eq3A_475 : vector<16xi32>
      %reduce_sum3A_477 = arith.constant true
      %reduce_sum3A_478 = vector.broadcast %reduce_sum3A_477 : i1 to vector<16xi1>
      %reduce_sum3A_479 = tpu.scan <sum>, %add3A_473 masked %reduce_sum3A_478 : vector<16xf32>, vector<16xi1> -> vector<16xf32>
      %reduce_sum3A_480 = vector.extract %reduce_sum3A_479[15] : f32 from vector<16xf32>
      %broadcast_in_dim3A_481 = vector.broadcast %reduce_sum3A_480 : f32 to vector<16xf32>
      %select_n3A_482 = arith.select %eq3A_476, %broadcast_in_dim3A_481, %select_n3A_454 : vector<16xi1>, vector<16xf32>
      %add3A_483 = arith.constant 15 : i32
      %add3A_484 = arith.addi %mul3A_63, %add3A_483 : i32
      %get3A_485 = arith.index_cast %add3A_484 : i32 to index
      %get3A_486 = arith.constant 0 : index
      %get3A_487 = tpu.vector_load %arg7[%get3A_485, %get3A_486] {strides = array<i32>} : memref<256x32xf32, #tpu.memory_space<vmem>>, vector<16xf32>,
      %get3A_488 = arith.index_cast %add3A_484 : i32 to index
      %get3A_489 = arith.constant 16 : index
      %get3A_490 = tpu.vector_load %arg7[%get3A_488, %get3A_489] {strides = array<i32>} : memref<256x32xf32, #tpu.memory_space<vmem>>, vector<16xf32>,
      %get3A_491 = arith.index_cast %add3A_484 : i32 to index
      %get3A_492 = arith.constant 0 : index
      %get3A_493 = tpu.vector_load %arg8[%get3A_491, %get3A_492] {strides = array<i32>} : memref<256x32xf32, #tpu.memory_space<vmem>>, vector<16xf32>,
      %get3A_494 = arith.index_cast %add3A_484 : i32 to index
      %get3A_495 = arith.constant 16 : index
      %get3A_496 = tpu.vector_load %arg8[%get3A_494, %get3A_495] {strides = array<i32>} : memref<256x32xf32, #tpu.memory_space<vmem>>, vector<16xf32>,
      %mul3A_497 = arith.mulf %get3A_487, %get3A_493 : vector<16xf32>
      %mul3A_498 = arith.mulf %mul3A_497, %get3A_5 : vector<16xf32>
      %mul3A_499 = arith.mulf %get3A_490, %get3A_496 : vector<16xf32>
      %mul3A_500 = arith.mulf %mul3A_499, %get3A_7 : vector<16xf32>
      %add3A_501 = arith.addf %mul3A_498, %mul3A_500 : vector<16xf32>
      %eq3A_502 = arith.constant 15 : i32
      %eq3A_503 = vector.broadcast %eq3A_502 : i32 to vector<16xi32>
      %eq3A_504 = arith.cmpi eq, %iota3A, %eq3A_503 : vector<16xi32>
      %reduce_sum3A_505 = arith.constant true
      %reduce_sum3A_506 = vector.broadcast %reduce_sum3A_505 : i1 to vector<16xi1>
      %reduce_sum3A_507 = tpu.scan <sum>, %add3A_501 masked %reduce_sum3A_506 : vector<16xf32>, vector<16xi1> -> vector<16xf32>
      %reduce_sum3A_508 = vector.extract %reduce_sum3A_507[15] : f32 from vector<16xf32>
      %broadcast_in_dim3A_509 = vector.broadcast %reduce_sum3A_508 : f32 to vector<16xf32>
      %select_n3A_510 = arith.select %eq3A_504, %broadcast_in_dim3A_509, %select_n3A_482 : vector<16xi1>, vector<16xf32>
      %add3A_511 = arith.addf %select_n3A_510, %broadcast_in_dim3A : vector<16xf32>
      %max3A = arith.constant 0.000000e+00 : f32
      %max3A_512 = vector.broadcast %max3A : f32 to vector<16xf32>
      %max3A_513 = arith.maximumf %add3A_511, %max3A_512 : vector<16xf32>
      %add3A_514 = arith.constant 256 : i32
      %add3A_515 = arith.addi %add3A_514, %mul3A_63 : i32
      %swap3A = arith.index_cast %add3A_515 : i32 to index
      %swap3A_516 = tpu.vector_load %arg9[%swap3A] {strides = array<i32>} : memref<512xf32, #tpu.memory_space<vmem>>, vector<16xf32>,
      tpu.vector_store %arg9[%swap3A], %max3A_513 {strides = array<i32>} : memref<512xf32, #tpu.memory_space<vmem>>, vector<16xf32>,
      %scan3A_517 = arith.constant 0 : i32
      scf.yield %scan3A_517 : i32
    }
    %scan3A_59 = arith.constant 16 : i32
    "tpu.region"() ({
      %run_scoped3A = tpu.sem_alloc : memref<!tpu.dma_semaphore, #tpu.memory_space<semaphore_mem>>
      %dma_start3A = tpu.memref_slice %arg5[%mul3A_2] : memref<16384xf32, #tpu.memory_space<hbm>> -> memref<512xf32, #tpu.memory_space<hbm>>
      %dma_start3A_60 = tpu.memref_slice %arg5[%mul3A_2] : memref<16384xf32, #tpu.memory_space<hbm>> -> memref<512xf32, #tpu.memory_space<hbm>>
      tpu.enqueue_dma source(%arg9 : memref<512xf32, #tpu.memory_space<vmem>>) target(%dma_start3A_60 : memref<512xf32, #tpu.memory_space<hbm>>) target_semaphore(%run_scoped3A : memref<!tpu.dma_semaphore, #tpu.memory_space<semaphore_mem>>)
      %dma_wait3A_61 = tpu.memref_slice %arg5[%mul3A_2] : memref<16384xf32, #tpu.memory_space<hbm>> -> memref<512xf32, #tpu.memory_space<hbm>>
      %dma_wait3A_62 = tpu.memref_slice %arg5[%mul3A_2] : memref<16384xf32, #tpu.memory_space<hbm>> -> memref<512xf32, #tpu.memory_space<hbm>>
      tpu.wait_dma2 semaphore(%run_scoped3A : memref<!tpu.dma_semaphore, #tpu.memory_space<semaphore_mem>>) src(%arg9 : memref<512xf32, #tpu.memory_space<vmem>>) dst(%dma_wait3A_62 : memref<512xf32, #tpu.memory_space<hbm>>)
      tpu.yield
    }) : () -> ()
    return
  }
}

</mosaic_0001>

<sc_bundles>
// kernel: kernel.3.cloned.1.call-start
scs
__scs_entry_jumppad:
0x0: {  	(pc) =	sbr.rel $0x88, $3  }
0x1: {  	(tag) =	ssettag $0x0;
	lr =	simm.s32 $0x1  }
0x2: {  	[smem:$0x3F9D] =	sst lr;
	_ =	strace $0xD0000000  }
0x3: {  	_ = 	snop  }
0x4: {  	_ = 	snop  }
0x5: {  	_ = 	snop  }
0x6: {  	_ = 	snop  }
0x7: {  	_ = 	snop  }
__scs_overlays_trampoline_lowered:
0x8: {  	[smem:$0x3FAC] =	sst s0  }
0x9: {  	[smem:$0x3FAD] =	sst s1  }
0xa: {  	[smem:$0x3FAE] =	sst s2  }
0xb: {  	[smem:$0x3FAF] =	sst s3  }
0xc: {  	[smem:$0x3FB0] =	sst s4  }
0xd: {  	[smem:$0x3FB1] =	sst s5  }
0xe: {  	[smem:$0x3FB2] =	sst s6  }
0xf: {  	[smem:$0x3FB3] =	sst s7  }
0x10: {  	[smem:$0x3FB4] =	sst s8  }
0x11: {  	[smem:$0x3FB5] =	sst s9;
	s0 =	simm.s32 @!p0 $0x0  }
0x12: {  	s1 =	sld [smem:$0x3F9B];
	s0 =	simm.s32 @p0 $0x1  }
0x13: {  	[smem:$0x3FB6] =	sst s0;
	s0 =	simm.s32 @!p1 $0x0  }
0x14: {  	s2 =	sld [smem:$0x3F9A];
	s0 =	simm.s32 @p1 $0x1  }
0x15: {  	[smem:$0x3FB7] =	sst s0;
	s0 =	simm.s32 @!p2 $0x0  }
0x16: {  	s3 =	sld [smem:$0x3FDB];
	s0 =	simm.s32 @p2 $0x1  }
0x17: {  	s4 =	simm.s32 $0x1BF5;
	[smem:$0x3FB9] =	sst s0  }
0x18: {  	s0 =	sld [smem:$0x3F9C];
	_ =	swait.ge [sflag:s4], $0x0  }
0x19: {  	s7 =	sld [smem:$0x3F9D]  }
0x1a: {  	s8 =	sadd.s32 $0xFFFFE003, lr  }
0x1b: {  	s9 =	sadd.s32 $0xFFFFFEF7, lr;
	s5 =	simm.s32 $0xFFFFFFFF;
	p2 =	slt.u32 s8, $0xFFFFF086  }
0x1c: {  	p1 =	slt.u32 s9, $0xF7A;
	s5 =	simm.s32 @!p2 $0x0  }
0x1d: {  	s5 =	simm.s32 @p1 $0x1;
	p0 =	seq.s32 s7, s2  }
0x1e: {  	s7 =	smul.u32 @!p0 $0xF7A, s2;
	p2 =	seq.s32 @!p0 s5, $0x0  }
0x1f: {  	s9 =	smul.u32 $0xF7A, s1;
	s8 =	simm.s32 @!p0 $0x1BF5;
	p2 =	por !p2, p0  }
0x20: {  	[sflag:s8] =	ssyncset.s32 @!p0 $0xFFFFF086;
	s6 =	sadd.s32 @!p0 s3, s7;
	s7 =	simm.s32 @!p0 $0x108  }
0x21: {  	s3 =	sadd.s32 s3, s9;
	s6 =	sadd.s32 @!p0 $0x88, s6;
	s7 =	simm.s32 @p2 $0x1082  }
0x22: {  	[simem:s7], [sflag:s8] =	dma.local @!p0 [hbm:s6], $0xF7A  }
0x23: {  	s9 =	sor.u32 $0xD0000000, s2;
	s6 =	simm.s32 $0x108;
	_ =	swait.ge @!p0 [sflag:s8], $0x0  }
0x24: {  	s3 =	sadd.s32 $0x88, s3;
	s6 =	simm.s32 @!p1 $0x1082;
	[sflag:s4] =	ssyncset.s32 $0xFFFFF086  }
0x25: {  	[simem:s6], [sflag:s4] =	dma.local [hbm:s3], $0xF7A  }
0x26: {  	[smem:$0x3F9D] =	sst s1;
	(tag) =	ssettag s2;
	_ =	strace s9  }
0x27: {  	s1 =	sld [smem:$0x3FAD]  }
0x28: {  	s2 =	sld [smem:$0x3FAE]  }
0x29: {  	s4 =	sld [smem:$0x3FB0]  }
0x2a: {  	p0 =	seq.s32 s5, $0x0;
	s5 =	sld [smem:$0x3FB1]  }
0x2b: {  	s6 =	sld [smem:$0x3FB2]  }
0x2c: {  	s7 =	sld [smem:$0x3FB3]  }
0x2d: {  	s3 =	simm.s32 $0x108;
	s8 =	sld [smem:$0x3FB4]  }
0x2e: {  	s3 =	simm.s32 @!p0 $0x1082;
	s9 =	sld [smem:$0x3FB5]  }
0x2f: {  	lr =	sadd.s32 s0, s3;
	s0 =	sld [smem:$0x3FAC]  }
0x30: {  	s3 =	sld [smem:$0x3FAF]  }
0x31: {  	[smem:$0x3FB8] =	sst s10  }
0x32: {  	s10 =	sld [smem:$0x3FB6];
	_ =	sdelay $0x3  }
0x33: {  	p0 =	seq.s32 s10, $0x1;
	s10 =	sld [smem:$0x3FB8];
	_ =	sdelay $0x3  }
0x34: {  	[smem:$0x3FB8] =	sst s10  }
0x35: {  	s10 =	sld [smem:$0x3FB7];
	_ =	sdelay $0x3  }
0x36: {  	p1 =	seq.s32 s10, $0x1;
	s10 =	sld [smem:$0x3FB8];
	_ =	sdelay $0x3  }
0x37: {  	[smem:$0x3FB8] =	sst s10  }
0x38: {  	s10 =	sld [smem:$0x3FB9]  }
0x39: {  	_ = 	snop;
	(pc) =	sbr.ind lr, $3  }
0x3a: {  	_ = 	snop  }
0x3b: {  	_ = 	snop  }
0x3c: {  	p2 =	seq.s32 s10, $0x1;
	s10 =	sld [smem:$0x3FB8]  }
0x3d: {  	_ =	shalt  }
0x3e: {  	_ =	shalt  }
0x3f: {  	_ =	shalt  }
0x40: {  	_ =	shalt  }
0x41: {  	_ =	shalt  }
0x42: {  	_ =	shalt  }
0x43: {  	_ =	shalt  }
0x44: {  	_ =	shalt  }
0x45: {  	_ =	shalt  }
0x46: {  	_ =	shalt  }
0x47: {  	_ =	shalt  }
0x48: {  	_ =	shalt  }
0x49: {  	_ =	shalt  }
0x4a: {  	_ =	shalt  }
0x4b: {  	_ =	shalt  }
0x4c: {  	_ =	shalt  }
0x4d: {  	_ =	shalt  }
0x4e: {  	_ =	shalt  }
0x4f: {  	_ =	shalt  }
0x50: {  	_ =	shalt  }
0x51: {  	_ =	shalt  }
0x52: {  	_ =	shalt  }
0x53: {  	_ =	shalt  }
0x54: {  	_ =	shalt  }
0x55: {  	_ =	shalt  }
0x56: {  	_ =	shalt  }
0x57: {  	_ =	shalt  }
0x58: {  	_ =	shalt  }
0x59: {  	_ =	shalt  }
0x5a: {  	_ =	shalt  }
0x5b: {  	_ =	shalt  }
0x5c: {  	_ =	shalt  }
0x5d: {  	_ =	shalt  }
0x5e: {  	_ =	shalt  }
0x5f: {  	_ =	shalt  }
0x60: {  	_ =	shalt  }
0x61: {  	_ =	shalt  }
0x62: {  	_ =	shalt  }
0x63: {  	_ =	shalt  }
0x64: {  	_ =	shalt  }
0x65: {  	_ =	shalt  }
0x66: {  	_ =	shalt  }
0x67: {  	_ =	shalt  }
0x68: {  	_ =	shalt  }
0x69: {  	_ =	shalt  }
0x6a: {  	_ =	shalt  }
0x6b: {  	_ =	shalt  }
0x6c: {  	_ =	shalt  }
0x6d: {  	_ =	shalt  }
0x6e: {  	_ =	shalt  }
0x6f: {  	_ =	shalt  }
0x70: {  	_ =	shalt  }
0x71: {  	_ =	shalt  }
0x72: {  	_ =	shalt  }
0x73: {  	_ =	shalt  }
0x74: {  	_ =	shalt  }
0x75: {  	_ =	shalt  }
0x76: {  	_ =	shalt  }
0x77: {  	_ =	shalt  }
0x78: {  	_ =	shalt  }
0x79: {  	_ =	shalt  }
0x7a: {  	_ =	shalt  }
0x7b: {  	_ =	shalt  }
0x7c: {  	_ =	shalt  }
0x7d: {  	_ =	shalt  }
0x7e: {  	_ =	shalt  }
0x7f: {  	_ =	shalt  }
0x80: {  	_ =	shalt  }
0x81: {  	_ =	shalt  }
0x82: {  	_ =	shalt  }
0x83: {  	_ =	shalt  }
0x84: {  	_ =	shalt  }
0x85: {  	_ =	shalt  }
0x86: {  	_ =	shalt  }
0x87: {  	_ =	shalt  }
.Lfunc_end0:
.L_simem_size_0:
called_computation_lowered:
.L_overlay_start_0:
0x88: {  	s2 =	sld [smem:$0x3FD9]  }
0x89: {  	s3 =	sld [smem:$0x3FFE];
	_ =	sdelay $0x1  }
0x8a: {  	s1 =	srdreg.scid  }
0x8b: {  	s0 =	sand.u32 $0x1, s1  }
0x8c: {  	s17 =	sshll.u32 s0, $0xA;
	s2 =	sadd.s32 s3, s2  }
0x8d: {  	s2 =	sadd.s32 s2, s17  }
0x8e: {  	[smem:$0x3FC4] =	sst s2  }
0x8f: {  	_ = 	snop  }
0x90: {  	s2 =	sld [smem:$0x3FD0];
	(tm) =	ssettm $0x1  }
0x91: {  	s18 =	sld [smem:$0x3FFB];
	_ =	sdelay $0x3  }
0x92: {  	_ =	strace s18  }
0x93: {  	s3 =	sld [smem:$0x3FFC];
	_ =	sdelay $0x3  }
0x94: {  	_ =	strace s3  }
0x95: {  	s3 =	sld [smem:$0x3FFD];
	_ =	sdelay $0x3  }
0x96: {  	_ =	strace s3  }
0x97: {  	_ =	strace $0x8FFFFFFF  }
0x98: {  	s19 =	sld [smem:$0x3FDB];
	_ =	sdelay $0x1  }
0x99: {  	s4 =	simm.s32 $_scs_section_size  }
0x9a: {  	s5 =	simm.s32 $_size__tile_overlayer_lowered;
	s6 =	simm.s32 $_tile_overlayer_lowered  }
0x9b: {  	s22 =	simm.s32 $0x1BFF;
	s21 =	sshll.u32 s6, $0x1;
	s3 =	sadd.s32 s4, s19  }
0x9c: {  	s7 =	simm.s32 $0x0;
	s20 =	sshll.u32 s5, $0x1;
	s5 =	sadd.s32 s21, s3  }
0x9d: {  	[timem:s7], [sflag:s22] =	dma.local [hbm:s5], s20  }
0x9e: {  	_ =	swait.ge [sflag:s22], s20  }
0x9f: {  	s4 =	ssub.s32 $0x0, s20;
	[sflag:s22] =	ssyncset.done $0x0  }
0xa0: {  	[sflag:s22] =	ssyncadd.s32 s4;
	_ =	sdelay $0x1  }
0xa1: {  	s23 =	simm.s32 $0x1B8B  }
0xa2: {  	_ =	swait.ge [sflag:s23], $0x1  }
0xa3: {  	[sflag:s23] =	ssyncset.done $0x0  }
0xa4: {  	s25 =	simm.s32 $0x1B8E;
	s24 =	sld [smem:$0x3FFE];
	[sflag:s23] =	ssyncadd.s32 $0xFFFFFFFF  }
0xa5: {  	s26 =	simm.s32 $execute0_lowered;
	[smem:$0x3FD2] =	sst s25  }
0xa6: {  	s5 =	sshll.u32 s26, $0x1;
	_ =	strace $0x80000046;
	[dreg:$0x1] =	wrdreg $0xFFFFFFFF  }
0xa7: {  	s28 =	simm.s32 $_size_execute0_lowered;
	s3 =	sadd.s32 s3, s5;
	[dreg:$0x0] =	wrdreg $0x0  }
0xa8: {  	s5 =	sshll.u32 s28, $0x1;
	[dreg:$0x2] =	wrdreg s3  }
0xa9: {  	[dreg:$0x3] =	wrdreg s5  }
0xaa: {  	[dreg:$0x4] =	wrdreg $0xC0  }
0xab: {  	_ =	task [dreg:s7], $0x5FFFF  }
0xac: {  	[dreg:$0x1] =	wrdreg $0xFFFFFFFF  }
0xad: {  	[dreg:$0x0] =	wrdreg $0x60  }
0xae: {  	[dreg:$0x2] =	wrdreg s24  }
0xaf: {  	[dreg:$0x3] =	wrdreg s2  }
0xb0: {  	[dreg:$0x4] =	wrdreg $0x9  }
0xb1: {  	_ =	task.clear_ibuf [dreg:s7], $0x5FFFF;
	_ =	strace $0x90000046  }
0xb2: {  	s29 =	simm.s32 $0x9;
	_ =	strace $0x80000048  }
0xb3: {  	_ =	swait.ge [sflag:s29], $0x1  }
0xb4: {  	[sflag:s29] =	ssyncadd.s32 $0xFFFFFFFF  }
0xb5: {  	_ =	strace $0x90000048  }
0xb6: {  	_ =	sfence  }
0xb7: {  	s30 =	sld [smem:$0x0];
	_ =	sdelay $0x2  }
0xb8: {  	s31 =	sshll.u32 s1, $0xD;
	s1 =	sshrl.u32 s1, $0x2  }
0xb9: {  	s3 =	sand.u32 $0x4000, s31;
	s1 =	sadd.s32 s1, s30  }
0xba: {  	s0 =	sor.u32 s3, s0;
	s1 =	sshll.u32 s1, $0x11  }
0xbb: {  	s0 =	sor.u32 s1, s0  }
0xbc: {  	s0 =	sadd.s32 $0x8F2B, s0  }
0xbd: {  	[sflag:s0] =	ssyncadd.remote.s32 $0x1  }
0xbe: {  	_ =	sfence.sel $0xFFFF  }
0xbf: {  	[dreg:$0x0] =	wrdreg $0xFFFFFFFF;
	(pc) =	sbr.abs _section_cstart, $3  }
0xc0: {  	[dreg:$0x1] =	wrdreg $0xFFFFFFFF  }
0xc1: {  	_ =	task.clear_ibuf [dreg:s7], $0x2FFFF;
	_ =	strace $0x9FFFFFFF  }
0xc2: {  	(tm) =	ssettm $0x7FFFFFFF  }
0xc3: {  	_ =	shalt  }
tec
execute0_lowered:
.L_overlay_start_1:
0x0: {  	(tag) =	ssettag $0x1  }
0x1: {  	s0 =	rddreg [dreg:$0x0]  }
0x2: {  	s2 =	srdreg.scid;
	s3 =	stileid.u32;
	s30 =	simm.s32 $0x0  }
0x3: {  	s2 =	sand.u32 $0x1, s2;
	s3 =	sshll.u32 s3, $0x1;
	[smem:$0x7FF] =	sst s30  }
0x4: {  	s1 =	rddreg [dreg:$0x1];
	s4 =	sor.u32 s2, s3;
	_ =	strace $0x80000047  }
0x5: {  	v0 =	vlaneseq.u32;
	vm0 =	vmmov $0x1;
	s2 =	ssub.s32 $0x2, s2;
	s3 =	sshll.u32 s4, $0x7;
	s4 =	sshll.u32 s4, $0x6  }
0x6: {  	vm1 =	vmmov $0x3;
	vm2 =	vmmov $0x7;
	vm3 =	vmmov $0xf;
	s5 =	sadd.s32 s3, s0;
	s3 =	sadd.s32 $0x1600, s0;
	s0 =	sadd.s32 $0x1E85E00, s0  }
0x7: {  	vm4 =	vmmov $0x1f;
	vm5 =	vmmov $0x3f;
	vm6 =	vmmov $0x7f;
	s29 =	sshrl.u32 s2, $0x1;
	s1 =	sadd.s32 s1, s4;
	[dreg:$0x13] =	wrdreg s0  }
0x8: {  	vm7 =	vmmov $0xff;
	vm8 =	vmmov $0x1ff;
	vm9 =	vmmov $0x3ff;
	s0 =	ssub.s32 s2, s29;
	s31 =	sadd.s32 $0x600, s5;
	[dreg:$0x15] =	wrdreg s1  }
0x9: {  	vm10 =	vmmov $0x7ff;
	vm11 =	vmmov $0xfff;
	vm12 =	vmmov $0x1fff;
	[dreg:$0x14] =	wrdreg s31;
	s0 =	smax.u32 s0, $0x1  }
0xa: {  	vm13 =	vmmov $0x3fff;
	vm14 =	vmmov $0x7fff;
	v0 =	vmul.u32 $0x2, v0;
	s1 =	simm.s32 $0x2;
	s2 =	simm.s32 $0x0;
	[dreg:$0x16] =	wrdreg s0  }
.LBB2_1:
0xb: {  	[dreg:$0x17] =	wrdreg s2  }
0xc: {  	s0 =	rddreg [dreg:$0x14]  }
0xd: {  	v1 =	vmov s30;
	[tilespmem:s30], [sflag:$0x2] =	stream.linear.gather [hbm4b:s0+s30], $0x400, $0x38;
	[tilespmem:$0x10680] =	vst v63  }
0xe: {  	v1 =	vshll.u32 v1, $0x1;
	_ =	swait.ge [sflag:s1], $0x400  }
0xf: {  	v1 =	vor.u32 v0, v1;
	[sflag:s1] =	ssyncset.done $0x0  }
0x10: {  	s20 =	simm.s32 $0x10600;
	v2 =	vor.u32 $0x1, v1;
	s19 =	rddreg [dreg:$0x13];
	[sflag:s1] =	ssyncadd.s32 $0xFFFFFC00  }
0x11: {  	[tilespmem:s20], [sflag:$0x2] =	stream.linear.gather [hbm4b:s19+s30], $0x80, $0x38;
	[tilespmem:$0x10680] =	vst v63  }
0x12: {  	_ =	swait.ge [sflag:s1], $0x80  }
0x13: {  	[sflag:s1] =	ssyncset.done $0x0  }
0x14: {  	[sflag:s1] =	ssyncadd.s32 $0xFFFFFF80  }
0x15: {  	v2 =	vld.idx.msk [tilespmem:v2+s30+$0x0], $0xffff  }
0x16: {  	v1 =	vld.idx.msk [tilespmem:v1+s30+$0x0], $0xffff;
	_ =	sdelay $0x4  }
0x17: {  	v2 =	vadd.s32 $0xF4240, v2;
	v5 =	vshll.u32 v1, $0x4  }
0x18: {  	v4 =	vshll.u32 v2, $0x4;
	(v2sf) =	vpush v5, $0x0  }
0x19: {  	(v2sf) =	vpush v4, $0x0  }
0x1a: {  	(v2sf) =	vpush v5, $0x1;
	_ =	sdelay $0x1  }
0x1b: {  	(v2sf) =	vpush v4, $0x1  }
0x1c: {  	(v2sf) =	vpush v5, $0x2;
	_ =	sdelay $0x1  }
0x1d: {  	(v2sf) =	vpush v4, $0x2;
	_ =	sdelay $0x1  }
0x1e: {  	(v2sf) =	vpush v5, $0x3;
	_ =	sdelay $0x1  }
0x1f: {  	s14 =	simm.s32 $0x4000;
	(v2sf) =	vpush v4, $0x3  }
0x20: {  	s16 =	simm.s32 $0x0;
	s15 =	simm.s32 $0x10;
	s21 =	simm.s32 $0x8400  }
0x21: {  	s22 =	simm.s32 $0x8580;
	s4 =	simm.s32 $0x400;
	s24 =	simm.s32 $0x8500  }
0x22: {  	s28 =	simm.s32 $0x480;
	s31 =	simm.s32 $0x8480;
	s8 =	simm.s32 $0x500  }
0x23: {  	s11 =	simm.s32 $0x580;
	s13 =	simm.s32 $0x600;
	s23 =	spop (v2sf)  }
0x24: {  	s0 =	simm.s32 $0x980;
	v3 =	vld [tilespmem:$0x10618];
	s2 =	sand.u32 $0x1FFFFFF0, s23;
	s5 =	spop (v2sf)  }
0x25: {  	v1 =	vld [tilespmem:$0x10610];
	(v2sf) =	vpush v5, $0x4;
	s2 =	sadd.s32 s3, s2;
	s5 =	sand.u32 $0x1FFFFFF0, s5;
	s6 =	spop (v2sf)  }
0x26: {  	v2 =	vld [tilespmem:$0x10600];
	[tilespmem:s4], [sflag:$0x1] =	stream.linear.gather [hbm4b:s2+s30], $0x80, $0x38  }
0x27: {  	s20 =	simm.s32 $0x2000;
	(v2sf) =	vpush v4, $0x4;
	s25 =	sadd.s32 s3, s5;
	s29 =	spop (v2sf)  }
0x28: {  	(v2sf) =	vpush v5, $0x5;
	s26 =	sand.u32 $0x1FFFFFF0, s6;
	s4 =	sand.u32 $0x1FFFFFF0, s29;
	s6 =	spop (v2sf)  }
0x29: {  	[tilespmem:s21], [sflag:$0x1] =	stream.linear.gather [hbm4b:s25+s30], $0x80, $0x38;
	[tilespmem:$0x10680] =	vst v63  }
0x2a: {  	(v2sf) =	vpush v4, $0x5;
	s5 =	sadd.s32 s3, s26;
	s4 =	sadd.s32 s3, s4;
	s7 =	spop (v2sf)  }
0x2b: {  	[tilespmem:s28], [sflag:$0x1] =	stream.linear.gather [hbm4b:s5+s30], $0x80, $0x38;
	[tilespmem:$0x10680] =	vst v63  }
0x2c: {  	(v2sf) =	vpush v5, $0x6;
	s10 =	sand.u32 $0x1FFFFFF0, s7;
	s12 =	spop (v2sf);
	s5 =	sand.u32 $0x1FFFFFF0, s6  }
0x2d: {  	[tilespmem:s31], [sflag:$0x1] =	stream.linear.gather [hbm4b:s4+s30], $0x80, $0x38;
	[tilespmem:$0x10680] =	vst v63  }
0x2e: {  	(v2sf) =	vpush v4, $0x6;
	s7 =	simm.s32 $0x700;
	s17 =	spop (v2sf);
	s9 =	sadd.s32 s3, s5  }
0x2f: {  	[tilespmem:s8], [sflag:$0x1] =	stream.linear.gather [hbm4b:s9+s30], $0x80, $0x38;
	[tilespmem:$0x10680] =	vst v63  }
0x30: {  	(v2sf) =	vpush v5, $0x7;
	s28 =	simm.s32 $0x680;
	s5 =	sadd.s32 s3, s10;
	s4 =	sand.u32 $0x1FFFFFF0, s12  }
0x31: {  	[tilespmem:s24], [sflag:$0x1] =	stream.linear.gather [hbm4b:s5+s30], $0x80, $0x38;
	[tilespmem:$0x10680] =	vst v63  }
0x32: {  	s10 =	simm.s32 $0x8700;
	s4 =	sadd.s32 s3, s4;
	s5 =	sand.u32 $0x1FFFFFF0, s17  }
0x33: {  	[tilespmem:s11], [sflag:$0x1] =	stream.linear.gather [hbm4b:s4+s30], $0x80, $0x38;
	[tilespmem:$0x10680] =	vst v63  }
0x34: {  	s24 =	simm.s32 $0x8600;
	s19 =	sadd.s32 s3, s5;
	s18 =	spop (v2sf);
	(v2sf) =	vpush v4, $0x7  }
0x35: {  	[tilespmem:s22], [sflag:$0x1] =	stream.linear.gather [hbm4b:s19+s30], $0x80, $0x38;
	[tilespmem:$0x10680] =	vst v63  }
0x36: {  	s21 =	sand.u32 $0x1FFFFFF0, s18;
	s23 =	spop (v2sf);
	(v2sf) =	vpush v5, $0x8;
	s22 =	simm.s32 $0x8680  }
0x37: {  	s5 =	sadd.s32 s3, s21;
	(v2sf) =	vpush v4, $0x8;
	s1 =	sand.u32 $0x1FFFFFF0, s23;
	s25 =	spop (v2sf)  }
0x38: {  	[tilespmem:s13], [sflag:$0x1] =	stream.linear.gather [hbm4b:s5+s30], $0x80, $0x38;
	[tilespmem:$0x10680] =	vst v63  }
0x39: {  	s1 =	sadd.s32 s3, s1;
	s26 =	spop (v2sf);
	(v2sf) =	vpush v5, $0x9;
	s5 =	sand.u32 $0x1FFFFFF0, s25  }
0x3a: {  	(v2sf) =	vpush v4, $0x9;
	[tilespmem:s24], [sflag:$0x1] =	stream.linear.gather [hbm4b:s1+s30], $0x80, $0x38;
	[tilespmem:$0x10680] =	vst v63  }
0x3b: {  	s31 =	sand.u32 $0x1FFFFFF0, s26;
	s6 =	spop (v2sf);
	s29 =	sadd.s32 s3, s5  }
0x3c: {  	(v2sf) =	vpush v5, $0xA;
	[tilespmem:s28], [sflag:$0x1] =	stream.linear.gather [hbm4b:s29+s30], $0x80, $0x38;
	[tilespmem:$0x10680] =	vst v63  }
0x3d: {  	s5 =	sadd.s32 s3, s31;
	s2 =	sand.u32 $0x1FFFFFF0, s6;
	s8 =	spop (v2sf)  }
0x3e: {  	[tilespmem:s22], [sflag:$0x1] =	stream.linear.gather [hbm4b:s5+s30], $0x80, $0x38;
	[tilespmem:$0x10680] =	vst v63  }
0x3f: {  	s2 =	sadd.s32 s3, s2;
	s9 =	spop (v2sf);
	s5 =	sand.u32 $0x1FFFFFF0, s8  }
0x40: {  	(v2sf) =	vpush v4, $0xA;
	[tilespmem:s7], [sflag:$0x1] =	stream.linear.gather [hbm4b:s2+s30], $0x80, $0x38;
	[tilespmem:$0x10680] =	vst v63  }
0x41: {  	s18 =	simm.s32 $0x8780;
	s12 =	sand.u32 $0x1FFFFFF0, s9;
	s11 =	sadd.s32 s3, s5  }
0x42: {  	[tilespmem:s10], [sflag:$0x1] =	stream.linear.gather [hbm4b:s11+s30], $0x80, $0x38;
	[tilespmem:$0x10680] =	vst v63  }
0x43: {  	s13 =	simm.s32 $0x780;
	s5 =	sadd.s32 s3, s12;
	s17 =	spop (v2sf)  }
0x44: {  	(v2sf) =	vpush v5, $0xB;
	[tilespmem:s13], [sflag:$0x1] =	stream.linear.gather [hbm4b:s5+s30], $0x80, $0x38;
	[tilespmem:$0x10680] =	vst v63  }
0x45: {  	s25 =	simm.s32 $0x8800;
	s4 =	sand.u32 $0x1FFFFFF0, s17;
	s19 =	spop (v2sf)  }
0x46: {  	s28 =	simm.s32 $0x880;
	(v2sf) =	vpush v4, $0xB;
	s4 =	sadd.s32 s3, s4;
	s21 =	spop (v2sf)  }
0x47: {  	[tilespmem:s18], [sflag:$0x1] =	stream.linear.gather [hbm4b:s4+s30], $0x80, $0x38;
	[tilespmem:$0x10680] =	vst v63  }
0x48: {  	s22 =	simm.s32 $0x800;
	s5 =	sand.u32 $0x1FFFFFF0, s19;
	s26 =	spop (v2sf)  }
0x49: {  	(v2sf) =	vpush v5, $0xC;
	s23 =	sadd.s32 s3, s5;
	s24 =	sand.u32 $0x1FFFFFF0, s21;
	s29 =	spop (v2sf)  }
0x4a: {  	(v2sf) =	vpush v4, $0xC;
	[tilespmem:s22], [sflag:$0x1] =	stream.linear.gather [hbm4b:s23+s30], $0x80, $0x38;
	[tilespmem:$0x10680] =	vst v63  }
0x4b: {  	s5 =	sadd.s32 s3, s24;
	s4 =	sand.u32 $0x1FFFFFF0, s26;
	s31 =	spop (v2sf)  }
0x4c: {  	[tilespmem:s25], [sflag:$0x1] =	stream.linear.gather [hbm4b:s5+s30], $0x80, $0x38;
	[tilespmem:$0x10680] =	vst v63  }
0x4d: {  	(v2sf) =	vpush v5, $0xD;
	s4 =	sadd.s32 s3, s4;
	s8 =	sand.u32 $0x1FFFFFF0, s31;
	s5 =	sand.u32 $0x1FFFFFF0, s29  }
0x4e: {  	[tilespmem:s28], [sflag:$0x1] =	stream.linear.gather [hbm4b:s4+s30], $0x80, $0x38;
	[tilespmem:$0x10680] =	vst v63  }
0x4f: {  	(v2sf) =	vpush v4, $0xD;
	s10 =	spop (v2sf);
	s7 =	sadd.s32 s3, s5;
	s4 =	simm.s32 $0x8880  }
0x50: {  	[tilespmem:s4], [sflag:$0x1] =	stream.linear.gather [hbm4b:s7+s30], $0x80, $0x38;
	[tilespmem:$0x10680] =	vst v63  }
0x51: {  	s9 =	simm.s32 $0x900;
	s5 =	sadd.s32 s3, s8;
	s4 =	sand.u32 $0x1FFFFFF0, s10  }
0x52: {  	[tilespmem:s9], [sflag:$0x1] =	stream.linear.gather [hbm4b:s5+s30], $0x80, $0x38;
	[tilespmem:$0x10680] =	vst v63  }
0x53: {  	s11 =	simm.s32 $0x8900;
	s4 =	sadd.s32 s3, s4;
	s12 =	spop (v2sf)  }
0x54: {  	[tilespmem:s11], [sflag:$0x1] =	stream.linear.gather [hbm4b:s4+s30], $0x80, $0x38;
	[tilespmem:$0x10680] =	vst v63  }
0x55: {  	s1 =	simm.s32 $0x8980;
	s5 =	sand.u32 $0x1FFFFFF0, s12;
	s13 =	spop (v2sf)  }
0x56: {  	s24 =	simm.s32 $0xA00;
	s17 =	sadd.s32 s3, s5;
	s18 =	sand.u32 $0x1FFFFFF0, s13  }
0x57: {  	[tilespmem:s0], [sflag:$0x1] =	stream.linear.gather [hbm4b:s17+s30], $0x80, $0x38;
	[tilespmem:$0x10680] =	vst v63  }
0x58: {  	s28 =	simm.s32 $0x8A00;
	s19 =	spop (v2sf);
	s21 =	sadd.s32 s3, s18  }
0x59: {  	(v2sf) =	vpush v5, $0xE;
	s22 =	sand.u32 $0x1FFFFFF0, s19;
	s23 =	spop (v2sf);
	s17 =	simm.s32 $0xA80  }
0x5a: {  	(v2sf) =	vpush v4, $0xE;
	s18 =	simm.s32 $0x8A80;
	s19 =	simm.s32 $0x8B00;
	s26 =	sand.u32 $0x1FFFFFF0, s23  }
0x5b: {  	(v2sf) =	vpush v5, $0xF;
	[tilespmem:s1], [sflag:$0x1] =	stream.linear.gather [hbm4b:s21+s30], $0x80, $0x38;
	[tilespmem:$0x10680] =	vst v63  }
0x5c: {  	v6 =	vmov s15;
	s25 =	sadd.s32 s3, s22;
	s31 =	spop (v2sf);
	s29 =	sadd.s32 s3, s26  }
0x5d: {  	v6 =	vshll.u32 v6, $0x1;
	(v2sf) =	vpush v4, $0xF;
	[tilespmem:s24], [sflag:$0x1] =	stream.linear.gather [hbm4b:s25+s30], $0x80, $0x38;
	[tilespmem:$0x10680] =	vst v63  }
0x5e: {  	v5 =	vor.u32 v0, v6;
	s21 =	simm.s32 $0xB00;
	s1 =	sand.u32 $0x1FFFFFF0, s31;
	s0 =	spop (v2sf)  }
0x5f: {  	v4 =	vor.u32 $0x1, v5;
	[tilespmem:s28], [sflag:$0x1] =	stream.linear.gather [hbm4b:s29+s30], $0x80, $0x38;
	[tilespmem:$0x10680] =	vst v63  }
.LBB2_2:
0x60: {  	_ =	sdelay $0x3  }
0x61: {  	s1 =	sadd.s32 s3, s1;
	s0 =	sand.u32 $0x1FFFFFF0, s0  }
0x62: {  	[tilespmem:s17], [sflag:$0x1] =	stream.linear.gather [hbm4b:s1+s30], $0x80, $0x38;
	[tilespmem:$0x10680] =	vst v63  }
0x63: {  	s0 =	sadd.s32 s3, s0  }
0x64: {  	[tilespmem:s18], [sflag:$0x1] =	stream.linear.gather [hbm4b:s0+s30], $0x80, $0x38;
	[tilespmem:$0x10680] =	vst v63  }
0x65: {  	s2 =	spop (v2sf)  }
0x66: {  	s8 =	sand.u32 $0x1FFFFFF0, s2;
	s9 =	spop (v2sf)  }
0x67: {  	s10 =	sadd.s32 s3, s8;
	s11 =	sand.u32 $0x1FFFFFF0, s9;
	s12 =	spop (v2sf)  }
0x68: {  	[tilespmem:s21], [sflag:$0x1] =	stream.linear.gather [hbm4b:s10+s30], $0x80, $0x38;
	[tilespmem:$0x10680] =	vst v63  }
0x69: {  	s13 =	sadd.s32 s3, s11;
	s17 =	sand.u32 $0x1FFFFFF0, s12;
	s18 =	spop (v2sf)  }
0x6a: {  	[tilespmem:s19], [sflag:$0x1] =	stream.linear.gather [hbm4b:s13+s30], $0x80, $0x38;
	[tilespmem:$0x10680] =	vst v63  }
0x6b: {  	s21 =	sadd.s32 $0xB80, s16;
	s1 =	sadd.s32 s3, s17;
	s2 =	sand.u32 $0x1FFFFFF0, s18  }
0x6c: {  	[tilespmem:s21], [sflag:$0x1] =	stream.linear.gather [hbm4b:s1+s30], $0x80, $0x38;
	[tilespmem:$0x10680] =	vst v63  }
0x6d: {  	s22 =	sadd.s32 $0x8B80, s16;
	s23 =	sadd.s32 s3, s2  }
0x6e: {  	[tilespmem:s22], [sflag:$0x1] =	stream.linear.gather [hbm4b:s23+s30], $0x80, $0x38;
	[tilespmem:$0x10680] =	vst v63  }
0x6f: {  	v4 =	vld.idx.msk [tilespmem:v4+s30+$0x0], $0xffff  }
0x70: {  	v5 =	vld.idx.msk [tilespmem:v5+s30+$0x0], $0xffff;
	_ =	sdelay $0x4  }
0x71: {  	v4 =	vadd.s32 $0xF4240, v4;
	v5 =	vshll.u32 v5, $0x4  }
0x72: {  	v4 =	vshll.u32 v4, $0x4;
	(v2sf) =	vpush v5, $0x0  }
0x73: {  	p0 =	sne.s32 s14, $0x1E000;
	s24 =	smov.u32 s14;
	(v2sf) =	vpush v4, $0x0  }
0x74: {  	s14 =	sadd.s32 $0x2000, s14;
	s15 =	sadd.s32 $0x10, s15;
	s16 =	sshra.s32 s20, $0x2;
	(v2sf) =	vpush v5, $0x1  }
0x75: {  	s20 =	smov.u32 s24;
	s5 =	sadd.s32 $0x8580, s16;
	s25 =	sadd.s32 $0x8A00, s16  }
0x76: {  	s10 =	sadd.s32 $0x8500, s16;
	s17 =	sadd.s32 $0xA80, s16;
	s8 =	sadd.s32 $0x580, s16;
	(v2sf) =	vpush v4, $0x1  }
0x77: {  	s18 =	sadd.s32 $0x8A80, s16;
	s24 =	sadd.s32 $0x480, s16;
	s7 =	sadd.s32 $0x600, s16  }
0x78: {  	s26 =	sadd.s32 $0x980, s16;
	s4 =	sadd.s32 $0x8680, s16;
	s28 =	sadd.s32 $0x8980, s16;
	(v2sf) =	vpush v5, $0x2  }
0x79: {  	s11 =	sadd.s32 $0x700, s16;
	s31 =	sadd.s32 $0x8780, s16;
	[dreg:$0x3] =	wrdreg s25  }
0x7a: {  	s29 =	sadd.s32 $0xA00, s16;
	s6 =	sadd.s32 $0x680, s16;
	[dreg:$0x9] =	wrdreg s26;
	(v2sf) =	vpush v4, $0x2  }
0x7b: {  	s9 =	sadd.s32 $0x8700, s16;
	s12 =	sadd.s32 $0x900, s16;
	[dreg:$0x7] =	wrdreg s28  }
0x7c: {  	s0 =	sadd.s32 $0x800, s16;
	s13 =	sadd.s32 $0x8480, s16;
	[dreg:$0x5] =	wrdreg s29;
	(v2sf) =	vpush v5, $0x3  }
0x7d: {  	s2 =	sadd.s32 $0x500, s16;
	[dreg:$0xd] =	wrdreg s12;
	s19 =	sadd.s32 $0x880, s16  }
0x7e: {  	s29 =	sadd.s32 $0x8800, s16;
	[dreg:$0x11] =	wrdreg s19;
	s1 =	sadd.s32 $0x8880, s16;
	(v2sf) =	vpush v4, $0x3  }
0x7f: {  	s19 =	sadd.s32 $0x8B00, s16;
	s21 =	sadd.s32 $0x8900, s16;
	[dreg:$0xf] =	wrdreg s1  }
0x80: {  	s1 =	sadd.s32 $0x780, s16;
	[dreg:$0xb] =	wrdreg s21;
	s21 =	sadd.s32 $0xB00, s16;
	(v2sf) =	vpush v5, $0x4  }
0x81: {  	s22 =	sadd.s32 $0x8400, s16;
	s23 =	sadd.s32 $0x400, s16;
	s12 =	spop (v2sf)  }
0x82: {  	s25 =	sand.u32 $0x1FFFFFF0, s12;
	s12 =	sadd.s32 $0x8600, s16;
	s26 =	spop (v2sf);
	(v2sf) =	vpush v4, $0x4  }
0x83: {  	s25 =	sadd.s32 s3, s25;
	s26 =	sand.u32 $0x1FFFFFF0, s26;
	s28 =	spop (v2sf)  }
0x84: {  	(v2sf) =	vpush v5, $0x5;
	[tilespmem:s23], [sflag:$0x1] =	stream.linear.gather [hbm4b:s25+s30], $0x80, $0x38;
	[tilespmem:$0x10680] =	vst v63  }
0x85: {  	s25 =	sadd.s32 s3, s26;
	s26 =	sand.u32 $0x1FFFFFF0, s28;
	s28 =	spop (v2sf)  }
0x86: {  	(v2sf) =	vpush v4, $0x5;
	[tilespmem:s22], [sflag:$0x1] =	stream.linear.gather [hbm4b:s25+s30], $0x80, $0x38;
	[tilespmem:$0x10680] =	vst v63  }
0x87: {  	s25 =	sadd.s32 s3, s26;
	s26 =	sand.u32 $0x1FFFFFF0, s28;
	s28 =	spop (v2sf)  }
0x88: {  	(v2sf) =	vpush v5, $0x6;
	[tilespmem:s24], [sflag:$0x1] =	stream.linear.gather [hbm4b:s25+s30], $0x80, $0x38;
	[tilespmem:$0x10680] =	vst v63  }
0x89: {  	s24 =	sadd.s32 s3, s26;
	s26 =	sand.u32 $0x1FFFFFF0, s28;
	s28 =	spop (v2sf)  }
0x8a: {  	(v2sf) =	vpush v4, $0x6;
	[tilespmem:s13], [sflag:$0x1] =	stream.linear.gather [hbm4b:s24+s30], $0x80, $0x38;
	[tilespmem:$0x10680] =	vst v63  }
0x8b: {  	s25 =	sadd.s32 s3, s26;
	s26 =	sand.u32 $0x1FFFFFF0, s28;
	s28 =	spop (v2sf)  }
0x8c: {  	(v2sf) =	vpush v5, $0x7;
	[tilespmem:s2], [sflag:$0x1] =	stream.linear.gather [hbm4b:s25+s30], $0x80, $0x38;
	[tilespmem:$0x10680] =	vst v63  }
0x8d: {  	s22 =	sadd.s32 s3, s26;
	s23 =	sand.u32 $0x1FFFFFF0, s28;
	s24 =	spop (v2sf)  }
0x8e: {  	(v2sf) =	vpush v4, $0x7;
	[tilespmem:s10], [sflag:$0x1] =	stream.linear.gather [hbm4b:s22+s30], $0x80, $0x38;
	[tilespmem:$0x10680] =	vst v63  }
0x8f: {  	s26 =	sand.u32 $0x1FFFFFF0, s24;
	s28 =	spop (v2sf);
	s25 =	sadd.s32 s3, s23  }
0x90: {  	(v2sf) =	vpush v5, $0x8;
	[tilespmem:s8], [sflag:$0x1] =	stream.linear.gather [hbm4b:s25+s30], $0x80, $0x38;
	[tilespmem:$0x10680] =	vst v63  }
0x91: {  	s23 =	sand.u32 $0x1FFFFFF0, s28;
	s22 =	sadd.s32 s3, s26;
	s24 =	spop (v2sf)  }
0x92: {  	(v2sf) =	vpush v4, $0x8;
	[tilespmem:s5], [sflag:$0x1] =	stream.linear.gather [hbm4b:s22+s30], $0x80, $0x38;
	[tilespmem:$0x10680] =	vst v63  }
0x93: {  	s25 =	sadd.s32 s3, s23;
	s26 =	sand.u32 $0x1FFFFFF0, s24;
	s28 =	spop (v2sf)  }
0x94: {  	[tilespmem:s7], [sflag:$0x1] =	stream.linear.gather [hbm4b:s25+s30], $0x80, $0x38;
	[tilespmem:$0x10680] =	vst v63  }
0x95: {  	(v2sf) =	vpush v5, $0x9;
	s10 =	sand.u32 $0x1FFFFFF0, s28;
	s13 =	spop (v2sf);
	s7 =	sadd.s32 s3, s26  }
0x96: {  	(v2sf) =	vpush v4, $0x9;
	[tilespmem:s12], [sflag:$0x1] =	stream.linear.gather [hbm4b:s7+s30], $0x80, $0x38;
	[tilespmem:$0x10680] =	vst v63  }
0x97: {  	s22 =	sadd.s32 s3, s10;
	s23 =	sand.u32 $0x1FFFFFF0, s13;
	s24 =	spop (v2sf)  }
0x98: {  	(v2sf) =	vpush v5, $0xA;
	[tilespmem:s6], [sflag:$0x1] =	stream.linear.gather [hbm4b:s22+s30], $0x80, $0x38;
	[tilespmem:$0x10680] =	vst v63  }
0x99: {  	s25 =	sadd.s32 s3, s23;
	s26 =	sand.u32 $0x1FFFFFF0, s24;
	s28 =	spop (v2sf)  }
0x9a: {  	[tilespmem:s4], [sflag:$0x1] =	stream.linear.gather [hbm4b:s25+s30], $0x80, $0x38;
	[tilespmem:$0x10680] =	vst v63  }
0x9b: {  	s7 =	sadd.s32 s3, s26;
	s8 =	sand.u32 $0x1FFFFFF0, s28;
	s10 =	spop (v2sf)  }
0x9c: {  	(v2sf) =	vpush v4, $0xA;
	[tilespmem:s11], [sflag:$0x1] =	stream.linear.gather [hbm4b:s7+s30], $0x80, $0x38;
	[tilespmem:$0x10680] =	vst v63  }
0x9d: {  	s12 =	sand.u32 $0x1FFFFFF0, s10;
	s13 =	spop (v2sf);
	s11 =	sadd.s32 s3, s8  }
0x9e: {  	(v2sf) =	vpush v5, $0xB;
	[tilespmem:s9], [sflag:$0x1] =	stream.linear.gather [hbm4b:s11+s30], $0x80, $0x38;
	[tilespmem:$0x10680] =	vst v63  }
0x9f: {  	s22 =	sadd.s32 s3, s12;
	s23 =	sand.u32 $0x1FFFFFF0, s13;
	s24 =	spop (v2sf)  }
0xa0: {  	(v2sf) =	vpush v4, $0xB;
	[tilespmem:s1], [sflag:$0x1] =	stream.linear.gather [hbm4b:s22+s30], $0x80, $0x38;
	[tilespmem:$0x10680] =	vst v63  }
0xa1: {  	s13 =	rddreg [dreg:$0x11];
	s26 =	sand.u32 $0x1FFFFFF0, s24;
	s28 =	spop (v2sf)  }
0xa2: {  	(v2sf) =	vpush v5, $0xC;
	s25 =	sadd.s32 s3, s23;
	s2 =	sadd.s32 s3, s26;
	s5 =	sand.u32 $0x1FFFFFF0, s28  }
0xa3: {  	[tilespmem:s31], [sflag:$0x1] =	stream.linear.gather [hbm4b:s25+s30], $0x80, $0x38;
	[tilespmem:$0x10680] =	vst v63  }
0xa4: {  	s6 =	spop (v2sf);
	s7 =	sadd.s32 s3, s5;
	s25 =	rddreg [dreg:$0xf]  }
0xa5: {  	s8 =	sand.u32 $0x1FFFFFF0, s6;
	s9 =	spop (v2sf);
	s31 =	rddreg [dreg:$0xd]  }
0xa6: {  	(v2sf) =	vpush v4, $0xC;
	[tilespmem:s0], [sflag:$0x1] =	stream.linear.gather [hbm4b:s2+s30], $0x80, $0x38;
	[tilespmem:$0x10680] =	vst v63  }
0xa7: {  	(v2sf) =	vpush v5, $0xD;
	s10 =	sadd.s32 s3, s8;
	s11 =	sand.u32 $0x1FFFFFF0, s9;
	s12 =	spop (v2sf)  }
0xa8: {  	[tilespmem:s29], [sflag:$0x1] =	stream.linear.gather [hbm4b:s7+s30], $0x80, $0x38;
	[tilespmem:$0x10680] =	vst v63  }
0xa9: {  	(v2sf) =	vpush v4, $0xD;
	s22 =	sadd.s32 s3, s11;
	s11 =	rddreg [dreg:$0x9];
	s23 =	sand.u32 $0x1FFFFFF0, s12  }
0xaa: {  	[tilespmem:s13], [sflag:$0x1] =	stream.linear.gather [hbm4b:s10+s30], $0x80, $0x38;
	[tilespmem:$0x10680] =	vst v63  }
0xab: {  	s24 =	spop (v2sf);
	s26 =	sadd.s32 s3, s23;
	s7 =	rddreg [dreg:$0xb]  }
0xac: {  	[tilespmem:s25], [sflag:$0x1] =	stream.linear.gather [hbm4b:s22+s30], $0x80, $0x38;
	[tilespmem:$0x10680] =	vst v63  }
0xad: {  	s23 =	rddreg [dreg:$0x7];
	s28 =	sand.u32 $0x1FFFFFF0, s24;
	s29 =	spop (v2sf)  }
0xae: {  	[tilespmem:s31], [sflag:$0x1] =	stream.linear.gather [hbm4b:s26+s30], $0x80, $0x38;
	[tilespmem:$0x10680] =	vst v63  }
0xaf: {  	s4 =	sadd.s32 s3, s28;
	s5 =	sand.u32 $0x1FFFFFF0, s29;
	s6 =	spop (v2sf)  }
0xb0: {  	[tilespmem:s7], [sflag:$0x1] =	stream.linear.gather [hbm4b:s4+s30], $0x80, $0x38;
	[tilespmem:$0x10680] =	vst v63  }
0xb1: {  	s8 =	sadd.s32 s3, s5;
	s9 =	sand.u32 $0x1FFFFFF0, s6;
	s10 =	spop (v2sf)  }
0xb2: {  	[tilespmem:s11], [sflag:$0x1] =	stream.linear.gather [hbm4b:s8+s30], $0x80, $0x38;
	[tilespmem:$0x10680] =	vst v63  }
0xb3: {  	(v2sf) =	vpush v5, $0xE;
	s28 =	rddreg [dreg:$0x5];
	s12 =	sadd.s32 s3, s9;
	s13 =	sand.u32 $0x1FFFFFF0, s10  }
0xb4: {  	(v2sf) =	vpush v4, $0xE;
	[tilespmem:s23], [sflag:$0x1] =	stream.linear.gather [hbm4b:s12+s30], $0x80, $0x38;
	[tilespmem:$0x10680] =	vst v63  }
.Ltmp0:
0xb5: {  	(v2sf) =	vpush v5, $0xF;
	s24 =	sadd.s32 s3, s13;
	s22 =	spop (v2sf);
	(pc) =	sbr.rel @p0 .LBB2_2-.Ltmp0, $4  }
0xb6: {  	(v2sf) =	vpush v4, $0xF;
	v4 =	vmov s15;
	s31 =	rddreg [dreg:$0x3];
	s25 =	sand.u32 $0x1FFFFFF0, s22;
	s26 =	spop (v2sf)  }
0xb7: {  	v4 =	vshll.u32 v4, $0x1;
	[tilespmem:s28], [sflag:$0x1] =	stream.linear.gather [hbm4b:s24+s30], $0x80, $0x38;
	[tilespmem:$0x10680] =	vst v63  }
0xb8: {  	v5 =	vor.u32 v0, v4;
	s29 =	sadd.s32 s3, s25;
	s1 =	sand.u32 $0x1FFFFFF0, s26;
	s0 =	spop (v2sf)  }
0xb9: {  	v4 =	vor.u32 $0x1, v5;
	[tilespmem:s31], [sflag:$0x1] =	stream.linear.gather [hbm4b:s29+s30], $0x80, $0x38;
	[tilespmem:$0x10680] =	vst v63  }
0xba: {  	_ =	sdelay $0x3  }
0xbb: {  	s1 =	sadd.s32 s3, s1;
	s0 =	sand.u32 $0x1FFFFFF0, s0  }
0xbc: {  	[tilespmem:s17], [sflag:$0x1] =	stream.linear.gather [hbm4b:s1+s30], $0x80, $0x38;
	[tilespmem:$0x10680] =	vst v63  }
0xbd: {  	s0 =	sadd.s32 s3, s0  }
0xbe: {  	[tilespmem:s18], [sflag:$0x1] =	stream.linear.gather [hbm4b:s0+s30], $0x80, $0x38;
	[tilespmem:$0x10680] =	vst v63  }
0xbf: {  	s18 =	spop (v2sf)  }
0xc0: {  	s0 =	sand.u32 $0x1FFFFFF0, s18  }
0xc1: {  	s0 =	sadd.s32 s3, s0  }
0xc2: {  	[tilespmem:s21], [sflag:$0x1] =	stream.linear.gather [hbm4b:s0+s30], $0x80, $0x38;
	[tilespmem:$0x10680] =	vst v63  }
0xc3: {  	s21 =	spop (v2sf)  }
0xc4: {  	s0 =	sand.u32 $0x1FFFFFF0, s21  }
0xc5: {  	s22 =	spop (v2sf);
	s0 =	sadd.s32 s3, s0  }
0xc6: {  	[tilespmem:s19], [sflag:$0x1] =	stream.linear.gather [hbm4b:s0+s30], $0x80, $0x38;
	[tilespmem:$0x10680] =	vst v63  }
0xc7: {  	s0 =	sand.u32 $0x1FFFFFF0, s22  }
0xc8: {  	s23 =	sadd.s32 $0xB80, s16;
	s24 =	spop (v2sf);
	s0 =	sadd.s32 s3, s0  }
0xc9: {  	[tilespmem:s23], [sflag:$0x1] =	stream.linear.gather [hbm4b:s0+s30], $0x80, $0x38;
	[tilespmem:$0x10680] =	vst v63  }
0xca: {  	s0 =	sand.u32 $0x1FFFFFF0, s24  }
0xcb: {  	s25 =	sadd.s32 $0x8B80, s16;
	s0 =	sadd.s32 s3, s0  }
0xcc: {  	[tilespmem:s25], [sflag:$0x1] =	stream.linear.gather [hbm4b:s0+s30], $0x80, $0x38;
	[tilespmem:$0x10680] =	vst v63  }
0xcd: {  	v4 =	vld.idx.msk [tilespmem:v4+s30+$0x0], $0xffff  }
0xce: {  	v5 =	vld.idx.msk [tilespmem:v5+s30+$0x0], $0xffff;
	_ =	sdelay $0x4  }
0xcf: {  	v4 =	vadd.s32 $0xF4240, v4;
	v5 =	vshll.u32 v5, $0x4  }
0xd0: {  	v4 =	vshll.u32 v4, $0x4;
	(v2sf) =	vpush v5, $0x0  }
0xd1: {  	(v2sf) =	vpush v4, $0x0  }
0xd2: {  	(v2sf) =	vpush v5, $0x1;
	_ =	sdelay $0x1  }
0xd3: {  	(v2sf) =	vpush v4, $0x1  }
0xd4: {  	(v2sf) =	vpush v5, $0x2;
	_ =	sdelay $0x3  }
0xd5: {  	(v2sf) =	vpush v4, $0x2;
	_ =	sdelay $0x1  }
0xd6: {  	(v2sf) =	vpush v5, $0x3  }
0xd7: {  	s13 =	sshra.s32 s20, $0x2  }
0xd8: {  	s2 =	sadd.s32 $0x400, s13;
	s29 =	sadd.s32 $0x8400, s13;
	s6 =	sadd.s32 $0x480, s13  }
0xd9: {  	s7 =	sadd.s32 $0x8480, s13;
	s11 =	sadd.s32 $0x500, s13;
	s12 =	sadd.s32 $0x8500, s13  }
0xda: {  	s17 =	sadd.s32 $0x580, s13;
	s18 =	sadd.s32 $0x8580, s13;
	s26 =	spop (v2sf);
	(v2sf) =	vpush v4, $0x3  }
0xdb: {  	s22 =	sadd.s32 $0x600, s13;
	s0 =	sand.u32 $0x1FFFFFF0, s26;
	s28 =	spop (v2sf)  }
0xdc: {  	s23 =	sadd.s32 $0x8600, s13;
	(v2sf) =	vpush v5, $0x4;
	s0 =	sadd.s32 s3, s0;
	s31 =	spop (v2sf)  }
0xdd: {  	[tilespmem:s2], [sflag:$0x1] =	stream.linear.gather [hbm4b:s0+s30], $0x80, $0x38;
	[tilespmem:$0x10680] =	vst v63  }
0xde: {  	s1 =	sand.u32 $0x1FFFFFF0, s28;
	s28 =	sadd.s32 $0x680, s13;
	s5 =	spop (v2sf)  }
0xdf: {  	(v2sf) =	vpush v4, $0x4;
	s1 =	sadd.s32 s3, s1;
	s4 =	sand.u32 $0x1FFFFFF0, s31;
	s8 =	spop (v2sf)  }
0xe0: {  	(v2sf) =	vpush v5, $0x5;
	[tilespmem:s29], [sflag:$0x1] =	stream.linear.gather [hbm4b:s1+s30], $0x80, $0x38;
	[tilespmem:$0x10680] =	vst v63  }
0xe1: {  	s0 =	sadd.s32 s3, s4;
	(v2sf) =	vpush v4, $0x5;
	s1 =	sand.u32 $0x1FFFFFF0, s5;
	s9 =	sand.u32 $0x1FFFFFF0, s8  }
0xe2: {  	[tilespmem:s6], [sflag:$0x1] =	stream.linear.gather [hbm4b:s0+s30], $0x80, $0x38;
	[tilespmem:$0x10680] =	vst v63  }
0xe3: {  	s10 =	spop (v2sf);
	(v2sf) =	vpush v5, $0x6;
	s29 =	sadd.s32 $0x8680, s13;
	s1 =	sadd.s32 s3, s1  }
0xe4: {  	[tilespmem:s7], [sflag:$0x1] =	stream.linear.gather [hbm4b:s1+s30], $0x80, $0x38;
	[tilespmem:$0x10680] =	vst v63  }
0xe5: {  	s14 =	spop (v2sf);
	(v2sf) =	vpush v4, $0x6;
	s0 =	sadd.s32 s3, s9;
	s1 =	sand.u32 $0x1FFFFFF0, s10  }
0xe6: {  	[tilespmem:s11], [sflag:$0x1] =	stream.linear.gather [hbm4b:s0+s30], $0x80, $0x38;
	[tilespmem:$0x10680] =	vst v63  }
0xe7: {  	s15 =	sand.u32 $0x1FFFFFF0, s14;
	s6 =	sadd.s32 $0x700, s13;
	s1 =	sadd.s32 s3, s1  }
0xe8: {  	[tilespmem:s12], [sflag:$0x1] =	stream.linear.gather [hbm4b:s1+s30], $0x80, $0x38;
	[tilespmem:$0x10680] =	vst v63  }
0xe9: {  	s7 =	sadd.s32 $0x8700, s13;
	s0 =	sadd.s32 s3, s15;
	s16 =	spop (v2sf)  }
0xea: {  	[tilespmem:s17], [sflag:$0x1] =	stream.linear.gather [hbm4b:s0+s30], $0x80, $0x38;
	[tilespmem:$0x10680] =	vst v63  }
0xeb: {  	s11 =	sadd.s32 $0x780, s13;
	(v2sf) =	vpush v5, $0x7;
	s1 =	sand.u32 $0x1FFFFFF0, s16;
	s19 =	spop (v2sf)  }
0xec: {  	s12 =	sadd.s32 $0x8780, s13;
	s1 =	sadd.s32 s3, s1;
	s20 =	sand.u32 $0x1FFFFFF0, s19  }
0xed: {  	(v2sf) =	vpush v4, $0x7;
	[tilespmem:s18], [sflag:$0x1] =	stream.linear.gather [hbm4b:s1+s30], $0x80, $0x38;
	[tilespmem:$0x10680] =	vst v63  }
0xee: {  	s17 =	sadd.s32 $0x800, s13;
	s21 =	spop (v2sf);
	(v2sf) =	vpush v5, $0x8;
	s0 =	sadd.s32 s3, s20  }
0xef: {  	s1 =	sand.u32 $0x1FFFFFF0, s21;
	s24 =	spop (v2sf);
	s18 =	sadd.s32 $0x8800, s13  }
0xf0: {  	(v2sf) =	vpush v4, $0x8;
	s1 =	sadd.s32 s3, s1;
	s25 =	sand.u32 $0x1FFFFFF0, s24;
	s26 =	spop (v2sf)  }
0xf1: {  	[tilespmem:s22], [sflag:$0x1] =	stream.linear.gather [hbm4b:s0+s30], $0x80, $0x38;
	[tilespmem:$0x10680] =	vst v63  }
0xf2: {  	(v2sf) =	vpush v5, $0x9;
	s0 =	sadd.s32 s3, s25;
	s31 =	spop (v2sf);
	s22 =	sadd.s32 $0x880, s13  }
0xf3: {  	[tilespmem:s23], [sflag:$0x1] =	stream.linear.gather [hbm4b:s1+s30], $0x80, $0x38;
	[tilespmem:$0x10680] =	vst v63  }
0xf4: {  	(v2sf) =	vpush v4, $0x9;
	s4 =	sand.u32 $0x1FFFFFF0, s31;
	s5 =	spop (v2sf);
	s1 =	sand.u32 $0x1FFFFFF0, s26  }
0xf5: {  	[tilespmem:s28], [sflag:$0x1] =	stream.linear.gather [hbm4b:s0+s30], $0x80, $0x38;
	[tilespmem:$0x10680] =	vst v63  }
0xf6: {  	(v2sf) =	vpush v5, $0xA;
	s23 =	sadd.s32 $0x8880, s13;
	s1 =	sadd.s32 s3, s1;
	s0 =	sadd.s32 s3, s4  }
0xf7: {  	[tilespmem:s29], [sflag:$0x1] =	stream.linear.gather [hbm4b:s1+s30], $0x80, $0x38;
	[tilespmem:$0x10680] =	vst v63  }
0xf8: {  	s28 =	sadd.s32 $0x900, s13;
	s1 =	sand.u32 $0x1FFFFFF0, s5;
	s29 =	sadd.s32 $0x8900, s13  }
0xf9: {  	[tilespmem:s6], [sflag:$0x1] =	stream.linear.gather [hbm4b:s0+s30], $0x80, $0x38;
	[tilespmem:$0x10680] =	vst v63  }
0xfa: {  	s5 =	sadd.s32 $0x980, s13;
	s1 =	sadd.s32 s3, s1;
	s8 =	spop (v2sf);
	(v2sf) =	vpush v4, $0xA  }
0xfb: {  	[tilespmem:s7], [sflag:$0x1] =	stream.linear.gather [hbm4b:s1+s30], $0x80, $0x38;
	[tilespmem:$0x10680] =	vst v63  }
0xfc: {  	s6 =	sadd.s32 $0x8980, s13;
	s9 =	sand.u32 $0x1FFFFFF0, s8;
	s10 =	spop (v2sf);
	(v2sf) =	vpush v5, $0xB  }
0xfd: {  	s0 =	sadd.s32 s3, s9;
	s1 =	sand.u32 $0x1FFFFFF0, s10;
	s14 =	spop (v2sf);
	(v2sf) =	vpush v4, $0xB  }
0xfe: {  	[tilespmem:s11], [sflag:$0x1] =	stream.linear.gather [hbm4b:s0+s30], $0x80, $0x38;
	[tilespmem:$0x10680] =	vst v63  }
0xff: {  	s1 =	sadd.s32 s3, s1;
	s15 =	sand.u32 $0x1FFFFFF0, s14;
	s16 =	spop (v2sf);
	(v2sf) =	vpush v5, $0xC  }
0x100: {  	[tilespmem:s12], [sflag:$0x1] =	stream.linear.gather [hbm4b:s1+s30], $0x80, $0x38;
	[tilespmem:$0x10680] =	vst v63  }
0x101: {  	s0 =	sadd.s32 s3, s15;
	s19 =	spop (v2sf);
	(v2sf) =	vpush v4, $0xC;
	s1 =	sand.u32 $0x1FFFFFF0, s16  }
0x102: {  	[tilespmem:s17], [sflag:$0x1] =	stream.linear.gather [hbm4b:s0+s30], $0x80, $0x38;
	[tilespmem:$0x10680] =	vst v63  }
0x103: {  	s20 =	sand.u32 $0x1FFFFFF0, s19;
	s21 =	spop (v2sf);
	(v2sf) =	vpush v5, $0xD;
	s1 =	sadd.s32 s3, s1  }
0x104: {  	[tilespmem:s18], [sflag:$0x1] =	stream.linear.gather [hbm4b:s1+s30], $0x80, $0x38;
	[tilespmem:$0x10680] =	vst v63  }
0x105: {  	s24 =	spop (v2sf);
	(v2sf) =	vpush v4, $0xD;
	s0 =	sadd.s32 s3, s20;
	s1 =	sand.u32 $0x1FFFFFF0, s21  }
0x106: {  	[tilespmem:s22], [sflag:$0x1] =	stream.linear.gather [hbm4b:s0+s30], $0x80, $0x38;
	[tilespmem:$0x10680] =	vst v63  }
0x107: {  	s10 =	sadd.s32 $0xA00, s13;
	s25 =	sand.u32 $0x1FFFFFF0, s24;
	s1 =	sadd.s32 s3, s1  }
0x108: {  	[tilespmem:s23], [sflag:$0x1] =	stream.linear.gather [hbm4b:s1+s30], $0x80, $0x38;
	[tilespmem:$0x10680] =	vst v63  }
0x109: {  	s11 =	sadd.s32 $0x8A00, s13;
	s0 =	sadd.s32 s3, s25;
	s26 =	spop (v2sf);
	(v2sf) =	vpush v5, $0xE  }
0x10a: {  	[tilespmem:s28], [sflag:$0x1] =	stream.linear.gather [hbm4b:s0+s30], $0x80, $0x38;
	[tilespmem:$0x10680] =	vst v63  }
0x10b: {  	s16 =	sadd.s32 $0xA80, s13;
	s1 =	sand.u32 $0x1FFFFFF0, s26;
	s31 =	spop (v2sf);
	(v2sf) =	vpush v4, $0xE  }
0x10c: {  	s1 =	sadd.s32 s3, s1;
	s2 =	sand.u32 $0x1FFFFFF0, s31;
	s4 =	spop (v2sf);
	(v2sf) =	vpush v5, $0xF  }
0x10d: {  	[tilespmem:s29], [sflag:$0x1] =	stream.linear.gather [hbm4b:s1+s30], $0x80, $0x38;
	[tilespmem:$0x10680] =	vst v63  }
0x10e: {  	s0 =	sadd.s32 s3, s2;
	s1 =	sand.u32 $0x1FFFFFF0, s4;
	s7 =	spop (v2sf);
	(v2sf) =	vpush v4, $0xF  }
0x10f: {  	[tilespmem:s5], [sflag:$0x1] =	stream.linear.gather [hbm4b:s0+s30], $0x80, $0x38;
	[tilespmem:$0x10680] =	vst v63  }
0x110: {  	s1 =	sadd.s32 s3, s1;
	s8 =	sand.u32 $0x1FFFFFF0, s7;
	s9 =	spop (v2sf)  }
0x111: {  	[tilespmem:s6], [sflag:$0x1] =	stream.linear.gather [hbm4b:s1+s30], $0x80, $0x38;
	[tilespmem:$0x10680] =	vst v63  }
0x112: {  	s0 =	sadd.s32 s3, s8;
	s12 =	spop (v2sf);
	s1 =	sand.u32 $0x1FFFFFF0, s9  }
0x113: {  	[tilespmem:s10], [sflag:$0x1] =	stream.linear.gather [hbm4b:s0+s30], $0x80, $0x38;
	[tilespmem:$0x10680] =	vst v63  }
0x114: {  	s14 =	sand.u32 $0x1FFFFFF0, s12;
	s15 =	spop (v2sf);
	s1 =	sadd.s32 s3, s1  }
0x115: {  	[tilespmem:s11], [sflag:$0x1] =	stream.linear.gather [hbm4b:s1+s30], $0x80, $0x38;
	[tilespmem:$0x10680] =	vst v63  }
0x116: {  	s17 =	sadd.s32 $0x8A80, s13;
	s0 =	sadd.s32 s3, s14;
	s1 =	sand.u32 $0x1FFFFFF0, s15  }
0x117: {  	[tilespmem:s16], [sflag:$0x1] =	stream.linear.gather [hbm4b:s0+s30], $0x80, $0x38;
	[tilespmem:$0x10680] =	vst v63  }
0x118: {  	s21 =	sadd.s32 $0xB00, s13;
	s1 =	sadd.s32 s3, s1;
	s18 =	spop (v2sf)  }
0x119: {  	[tilespmem:s17], [sflag:$0x1] =	stream.linear.gather [hbm4b:s1+s30], $0x80, $0x38;
	[tilespmem:$0x10680] =	vst v63  }
0x11a: {  	s22 =	sadd.s32 $0x8B00, s13;
	s19 =	sand.u32 $0x1FFFFFF0, s18;
	s20 =	spop (v2sf)  }
0x11b: {  	s0 =	sadd.s32 s3, s19;
	s1 =	sand.u32 $0x1FFFFFF0, s20;
	s23 =	spop (v2sf)  }
0x11c: {  	[tilespmem:s21], [sflag:$0x1] =	stream.linear.gather [hbm4b:s0+s30], $0x80, $0x38;
	[tilespmem:$0x10680] =	vst v63  }
0x11d: {  	s1 =	sadd.s32 s3, s1;
	s24 =	sand.u32 $0x1FFFFFF0, s23;
	s25 =	spop (v2sf)  }
0x11e: {  	[tilespmem:s22], [sflag:$0x1] =	stream.linear.gather [hbm4b:s1+s30], $0x80, $0x38;
	[tilespmem:$0x10680] =	vst v63  }
0x11f: {  	s26 =	sadd.s32 $0xB80, s13;
	s0 =	sadd.s32 s3, s24;
	s1 =	sand.u32 $0x1FFFFFF0, s25  }
0x120: {  	[tilespmem:s26], [sflag:$0x1] =	stream.linear.gather [hbm4b:s0+s30], $0x80, $0x38;
	[tilespmem:$0x10680] =	vst v63  }
0x121: {  	s28 =	sadd.s32 $0x8B80, s13;
	s29 =	simm.s32 $0x1;
	s1 =	sadd.s32 s3, s1  }
0x122: {  	[tilespmem:s28], [sflag:$0x1] =	stream.linear.gather [hbm4b:s1+s30], $0x80, $0x38;
	[tilespmem:$0x10680] =	vst v63  }
0x123: {  	_ =	swait.ge [sflag:s29], $0x8000  }
0x124: {  	[sflag:s29] =	ssyncset.done $0x0  }
0x125: {  	[sflag:s29] =	ssyncadd.s32 $0xFFFF8000  }
0x126: {  	_ =	swait.ge [sflag:s29], $0x8000  }
0x127: {  	[sflag:s29] =	ssyncset.done $0x0  }
0x128: {  	s31 =	simm.s32 $0x0;
	[sflag:s29] =	ssyncadd.s32 $0xFFFF8000  }
0x129: {  	v6 =	vld [tilespmem:s31+$0xB00]  }
0x12a: {  	v7 =	vld [tilespmem:s31+$0x8B00]  }
0x12b: {  	v8 =	vld [tilespmem:s31+$0xB10]  }
0x12c: {  	v9 =	vld [tilespmem:s31+$0x8B10]  }
0x12d: {  	v10 =	vld [tilespmem:s31+$0xA00]  }
0x12e: {  	v11 =	vld [tilespmem:s31+$0x8A00]  }
0x12f: {  	v12 =	vld [tilespmem:s31+$0xA10]  }
0x130: {  	v13 =	vld [tilespmem:s31+$0x8A10]  }
0x131: {  	v14 =	vld [tilespmem:s31+$0x980]  }
0x132: {  	v15 =	vld [tilespmem:s31+$0x8980]  }
0x133: {  	v16 =	vld [tilespmem:s31+$0x990]  }
0x134: {  	v17 =	vld [tilespmem:s31+$0x8990]  }
0x135: {  	v18 =	vld [tilespmem:s31+$0x900]  }
0x136: {  	v19 =	vld [tilespmem:s31+$0x880]  }
0x137: {  	v20 =	vld [tilespmem:s31+$0x8880]  }
0x138: {  	v21 =	vld [tilespmem:s31+$0x890]  }
0x139: {  	v22 =	vld [tilespmem:s31+$0x8890]  }
0x13a: {  	v23 =	vld [tilespmem:s31+$0x800]  }
0x13b: {  	v24 =	vld [tilespmem:s31+$0x8800]  }
0x13c: {  	v25 =	vld [tilespmem:s31+$0x810]  }
0x13d: {  	v26 =	vld [tilespmem:s31+$0x8810]  }
0x13e: {  	v27 =	vld [tilespmem:s31+$0x780]  }
0x13f: {  	v28 =	vld [tilespmem:s31+$0x700]  }
0x140: {  	v29 =	vld [tilespmem:s31+$0x8700]  }
0x141: {  	v30 =	vld [tilespmem:s31+$0x710]  }
0x142: {  	v31 =	vld [tilespmem:s31+$0x8710]  }
0x143: {  	v32 =	vld [tilespmem:s31+$0x680]  }
0x144: {  	v33 =	vld [tilespmem:s31+$0x8680]  }
0x145: {  	v34 =	vld [tilespmem:s31+$0x690]  }
0x146: {  	v35 =	vld [tilespmem:s31+$0x8690]  }
0x147: {  	v36 =	vld [tilespmem:s31+$0x600]  }
0x148: {  	v37 =	vld [tilespmem:s31+$0x580]  }
0x149: {  	v40 =	vld [tilespmem:s31+$0x8400];
	v6 =	vmul.f32 v7, v6;
	v7 =	vmul.f32 v9, v8  }
0x14a: {  	v42 =	vld [tilespmem:s31+$0x400];
	v9 =	vmul.f32 v11, v10;
	v10 =	vmul.f32 v13, v12  }
0x14b: {  	v44 =	vld [tilespmem:s31+$0x410];
	v12 =	vmul.f32 v15, v14;
	v14 =	vmul.f32 v17, v16  }
0x14c: {  	v46 =	vld [tilespmem:s31+$0x8410];
	v16 =	vmul.f32 v20, v19;
	v19 =	vmul.f32 v22, v21  }
0x14d: {  	v8 =	vld [tilespmem:s31+$0x8580];
	v21 =	vmul.f32 v24, v23;
	v23 =	vmul.f32 v26, v25  }
0x14e: {  	v11 =	vld [tilespmem:s31+$0x590];
	v41 =	vmul.f32 v29, v28;
	v43 =	vmul.f32 v31, v30  }
0x14f: {  	v13 =	vld [tilespmem:s31+$0x8590];
	v45 =	vmul.f32 v33, v32;
	v47 =	vmul.f32 v35, v34  }
0x150: {  	v15 =	vld [tilespmem:s31+$0x500];
	v6 =	vmul.f32 v6, v2;
	v7 =	vmul.f32 v7, v1  }
0x151: {  	v17 =	vld [tilespmem:s31+$0x8500];
	v9 =	vmul.f32 v9, v2;
	v10 =	vmul.f32 v10, v1  }
0x152: {  	v20 =	vld [tilespmem:s31+$0x510];
	v12 =	vmul.f32 v12, v2;
	v14 =	vmul.f32 v14, v1  }
0x153: {  	v22 =	vld [tilespmem:s31+$0x8510];
	v16 =	vmul.f32 v16, v2;
	v19 =	vmul.f32 v19, v1  }
0x154: {  	v48 =	vld [tilespmem:s31+$0x480];
	v21 =	vmul.f32 v21, v2;
	v23 =	vmul.f32 v23, v1  }
0x155: {  	v49 =	vld [tilespmem:s31+$0x8480];
	v25 =	vmul.f32 v41, v2;
	v6 =	vadd.f32 v7, v6;
	v7 =	vmul.f32 v43, v1  }
0x156: {  	v9 =	vadd.f32 v10, v9;
	v10 =	vmul.f32 v45, v2;
	v11 =	vmul.f32 v13, v11;
	v13 =	vld [tilespmem:s31+$0x490]  }
0x157: {  	v8 =	vmul.f32 v8, v37;
	v15 =	vmul.f32 v17, v15;
	v17 =	vld [tilespmem:s31+$0x8490]  }
0x158: {  	(xrf2) =	vadd.scan.msk.f32 $0xffff, v6;
	v6 =	vadd.f32 v14, v12;
	v12 =	vmul.f32 v47, v1;
	v14 =	vmul.f32 v22, v20;
	v20 =	vld [tilespmem:s31+$0x8600]  }
0x159: {  	(xrf2) =	vadd.scan.msk.f32 $0xffff, v9;
	v9 =	vadd.f32 v19, v16;
	v8 =	vmul.f32 v8, v2;
	v11 =	vmul.f32 v11, v1;
	v16 =	vld [tilespmem:s31+$0x610]  }
0x15a: {  	v15 =	vmul.f32 v15, v2;
	v19 =	vld [tilespmem:s31+$0x8610];
	(xrf2) =	vadd.scan.msk.f32 $0xffff, v6;
	v6 =	vadd.f32 v23, v21;
	v14 =	vmul.f32 v14, v1  }
0x15b: {  	v7 =	vadd.f32 v7, v25;
	v22 =	vld [tilespmem:s31+$0x8780];
	v21 =	vmul.f32 v46, v44;
	(xrf2) =	vadd.scan.msk.f32 $0xffff, v9;
	v9 =	vmul.f32 v40, v42  }
0x15c: {  	(xrf2) =	vadd.scan.msk.f32 $0xffff, v6;
	v6 =	vadd.f32 v12, v10;
	v10 =	vmul.f32 v49, v48;
	v12 =	vmul.f32 v17, v13;
	v13 =	vld [tilespmem:s31+$0x790]  }
0x15d: {  	(xrf2) =	vadd.scan.msk.f32 $0xffff, v7;
	v7 =	vadd.f32 v11, v8;
	v8 =	vmul.f32 v9, v2;
	v9 =	vmul.f32 v21, v1;
	v11 =	vld [tilespmem:s31+$0x8790]  }
0x15e: {  	(xrf2) =	vadd.scan.msk.f32 $0xffff, v6;
	v6 =	vadd.f32 v14, v15;
	v10 =	vmul.f32 v10, v2;
	v12 =	vmul.f32 v12, v1;
	v14 =	vld [tilespmem:s31+$0x8900]  }
0x15f: {  	v15 =	vld [tilespmem:s31+$0x910];
	(xrf2) =	vadd.scan.msk.f32 $0xffff, v7;
	v7 =	vadd.f32 v9, v8;
	v8 =	vmul.f32 v20, v36;
	v9 =	vmul.f32 v19, v16  }
0x160: {  	(xrf2) =	vadd.scan.msk.f32 $0xffff, v6;
	v6 =	vadd.f32 v12, v10;
	v10 =	vld [tilespmem:s31+$0x8910]  }
0x161: {  	(xrf2) =	vadd.scan.msk.f32 $0xffff, v7;
	v7 =	vmul.f32 v8, v2;
	v8 =	vmul.f32 v9, v1  }
0x162: {  	v16 =	vmul.f32 v22, v27  }
0x163: {  	v12, _, _ =	vpop (xrf2);
	v11 =	vmul.f32 v11, v13;
	(xrf2) =	vadd.scan.msk.f32 $0xffff, v6;
	v7 =	vadd.f32 v8, v7  }
0x164: {  	v5 =	vld [tilespmem:s31+$0xA80];
	v16 =	vmul.f32 v16, v2;
	v14 =	vmul.f32 v14, v18;
	v6, _, _ =	vpop (xrf2)  }
0x165: {  	v9 =	vld [tilespmem:s31+$0x8A80];
	v11 =	vmul.f32 v11, v1;
	v17, _, _ =	vpop (xrf2);
	v10 =	vmul.f32 v10, v15  }
0x166: {  	v13 =	vld [tilespmem:s31+$0xA90];
	v20, _, _ =	vpop (xrf2)  }
0x167: {  	v8 =	vld [tilespmem:s31+$0x8A90];
	(xrf2) =	vadd.scan.msk.f32 $0xffff, v7;
	v14 =	vmul.f32 v14, v2;
	v11 =	vadd.f32 v11, v16;
	v7, _, _ =	vpop (xrf2);
	v10 =	vmul.f32 v10, v1  }
0x168: {  	v16, _, _ =	vpop (xrf2)  }
0x169: {  	v21, _, _ =	vpop (xrf2);
	v10 =	vadd.f32 v10, v14  }
0x16a: {  	v4 =	vld [tilespmem:s31+$0xB80];
	v5 =	vmul.f32 v9, v5;
	v9, _, _ =	vpop (xrf2)  }
0x16b: {  	v19 =	vld [tilespmem:s31+$0x8B80];
	(xrf2) =	vadd.scan.msk.f32 $0xffff, v11;
	v11, _, _ =	vpop (xrf2)  }
0x16c: {  	v18 =	vld [tilespmem:s31+$0x8B90];
	v8 =	vmul.f32 v8, v13;
	v13, _, _ =	vpop (xrf2)  }
0x16d: {  	v15 =	vld [tilespmem:s31+$0xB90];
	v5 =	vmul.f32 v5, v2;
	(xrf2) =	vadd.scan.msk.f32 $0xffff, v10;
	v10, _, _ =	vpop (xrf2)  }
0x16e: {  	v8 =	vmul.f32 v8, v1;
	v10 =	vbroadcast v10, $0xF;
	_ =	sdelay $0x1  }
0x16f: {  	v4 =	vmul.f32 v19, v4;
	v5 =	vadd.f32 v8, v5;
	v13 =	vbroadcast v13, $0xF;
	_ =	sdelay $0x1  }
0x170: {  	v4 =	vmul.f32 v4, v2;
	v8 =	vmul.f32 v18, v15;
	(xrf2) =	vadd.scan.msk.f32 $0xffff, v5;
	v5 =	vsel vm0, v13, v10;
	v10, _, _ =	vpop (xrf2)  }
0x171: {  	v11 =	vbroadcast v11, $0xF;
	v10 =	vbroadcast v10, $0xF  }
0x172: {  	v9 =	vbroadcast v9, $0xF;
	v8 =	vmul.f32 v8, v1  }
0x173: {  	v5 =	vsel vm1, v5, v11  }
0x174: {  	v4 =	vadd.f32 v8, v4;
	v8 =	vbroadcast v21, $0xF;
	v5 =	vsel vm2, v5, v9  }
0x175: {  	v9 =	vbroadcast v16, $0xF;
	v5 =	vsel vm3, v5, v10;
	v10, _, _ =	vpop (xrf2)  }
0x176: {  	(xrf2) =	vadd.scan.msk.f32 $0xffff, v4;
	v4 =	vsel vm4, v5, v8;
	v5 =	vbroadcast v10, $0xF  }
0x177: {  	v7 =	vbroadcast v7, $0xF;
	v4 =	vsel vm5, v4, v9  }
0x178: {  	v8, _, _ =	vpop (xrf2);
	v4 =	vsel vm6, v4, v5  }
0x179: {  	v4 =	vsel vm7, v4, v7;
	v7 =	vbroadcast v8, $0xF  }
0x17a: {  	v5 =	vbroadcast v20, $0xF;
	_ =	sdelay $0x1  }
0x17b: {  	v4 =	vsel vm8, v4, v5;
	v5 =	vbroadcast v17, $0xF  }
0x17c: {  	v4 =	vsel vm9, v4, v7;
	v7, _, _ =	vpop (xrf2)  }
0x17d: {  	v6 =	vbroadcast v6, $0xF;
	v4 =	vsel vm10, v4, v5;
	v5 =	vbroadcast v7, $0xF;
	_ =	sdelay $0x1  }
0x17e: {  	v4 =	vsel vm11, v4, v6;
	v6 =	vbroadcast v12, $0xF  }
0x17f: {  	v4 =	vsel vm12, v4, v5  }
0x180: {  	v3 =	vbroadcast v3, $0x8;
	v4 =	vsel vm13, v4, v6;
	v5, _, _ =	vpop (xrf2)  }
0x181: {  	v4 =	vsel vm14, v4, v5  }
0x182: {  	v4 =	vadd.f32 v4, v3;
	_ =	sdelay $0x1  }
0x183: {  	s14 =	simm.s32 $0x10400;
	v4 =	vmax.f32 v4, $0.0e+00  }
0x184: {  	s15 =	simm.s32 $0x800;
	[tilespmem:s14+$0x0] =	vst v4  }
0x185: {  	v4 =	vld [tilespmem:s15+$0xB80]  }
0x186: {  	v7 =	vld [tilespmem:s15+$0xB00]  }
0x187: {  	v8 =	vld [tilespmem:s15+$0x8B00]  }
0x188: {  	v10 =	vld [tilespmem:s15+$0xB10]  }
0x189: {  	v11 =	vld [tilespmem:s15+$0x8B10]  }
0x18a: {  	v5 =	vld [tilespmem:s15+$0xA80]  }
0x18b: {  	v12 =	vld [tilespmem:s15+$0xA00]  }
0x18c: {  	v13 =	vld [tilespmem:s15+$0x8A00]  }
0x18d: {  	v14 =	vld [tilespmem:s15+$0xA10]  }
0x18e: {  	v15 =	vld [tilespmem:s15+$0x8A10]  }
0x18f: {  	v16 =	vld [tilespmem:s15+$0x980]  }
0x190: {  	v17 =	vld [tilespmem:s15+$0x8980]  }
0x191: {  	v18 =	vld [tilespmem:s15+$0x990]  }
0x192: {  	v19 =	vld [tilespmem:s15+$0x8990]  }
0x193: {  	v6 =	vld [tilespmem:s15+$0x900]  }
0x194: {  	v20 =	vld [tilespmem:s15+$0x880]  }
0x195: {  	v21 =	vld [tilespmem:s15+$0x8880]  }
0x196: {  	v22 =	vld [tilespmem:s15+$0x890]  }
0x197: {  	v23 =	vld [tilespmem:s15+$0x8890]  }
0x198: {  	v50 =	vld [tilespmem:s15+$0x800]  }
0x199: {  	v51 =	vld [tilespmem:s15+$0x8800]  }
0x19a: {  	v52 =	vld [tilespmem:s15+$0x810]  }
0x19b: {  	v53 =	vld [tilespmem:s15+$0x8810]  }
0x19c: {  	v9 =	vld [tilespmem:s15+$0x780]  }
0x19d: {  	v54 =	vld [tilespmem:s15+$0x700]  }
0x19e: {  	v55 =	vld [tilespmem:s15+$0x8700];
	v7 =	vmul.f32 v8, v7;
	v10 =	vmul.f32 v11, v10  }
0x19f: {  	v56 =	vld [tilespmem:s15+$0x710];
	v11 =	vmul.f32 v13, v12;
	v12 =	vmul.f32 v15, v14  }
0x1a0: {  	v57 =	vld [tilespmem:s15+$0x680];
	v7 =	vmul.f32 v7, v2;
	v10 =	vmul.f32 v10, v1  }
0x1a1: {  	v58 =	vld [tilespmem:s15+$0x510];
	v15 =	vmul.f32 v17, v16;
	v16 =	vmul.f32 v19, v18  }
0x1a2: {  	v60 =	vld [tilespmem:s15+$0x8510];
	v18 =	vmul.f32 v11, v2;
	v12 =	vmul.f32 v12, v1;
	v7 =	vadd.f32 v10, v7  }
0x1a3: {  	v8 =	vld [tilespmem:s15+$0x8710];
	v10 =	vmul.f32 v15, v2;
	v15 =	vmul.f32 v16, v1  }
0x1a4: {  	v13 =	vld [tilespmem:s15+$0x8680];
	v12 =	vadd.f32 v12, v18;
	(xrf2) =	vadd.scan.msk.f32 $0xffff, v7  }
0x1a5: {  	v14 =	vld [tilespmem:s15+$0x690];
	v16 =	vmul.f32 v23, v22;
	v7 =	vadd.f32 v15, v10;
	v15 =	vmul.f32 v21, v20  }
0x1a6: {  	v17 =	vld [tilespmem:s15+$0x8690];
	(xrf2) =	vadd.scan.msk.f32 $0xffff, v12  }
0x1a7: {  	v19 =	vld [tilespmem:s15+$0x580];
	(xrf2) =	vadd.scan.msk.f32 $0xffff, v7;
	v7 =	vmul.f32 v15, v2;
	v15 =	vmul.f32 v16, v1  }
0x1a8: {  	v11 =	vld [tilespmem:s15+$0x600];
	v21 =	vmul.f32 v53, v52;
	v12 =	vmul.f32 v51, v50  }
0x1a9: {  	v18 =	vld [tilespmem:s15+$0x8580];
	v7 =	vadd.f32 v15, v7  }
0x1aa: {  	v10 =	vld [tilespmem:s15+$0x590];
	v21 =	vmul.f32 v21, v1;
	v16 =	vmul.f32 v12, v2  }
0x1ab: {  	v59 =	vmul.f32 v55, v54;
	v8 =	vmul.f32 v8, v56;
	v20 =	vld [tilespmem:s15+$0x8590];
	(xrf2) =	vadd.scan.msk.f32 $0xffff, v7  }
0x1ac: {  	v22 =	vld [tilespmem:s15+$0x500];
	v61 =	vmul.f32 v13, v57;
	v17 =	vmul.f32 v17, v14;
	v21 =	vadd.f32 v21, v16  }
0x1ad: {  	v23 =	vld [tilespmem:s15+$0x8500];
	v8 =	vmul.f32 v8, v1;
	v15 =	vmul.f32 v59, v2  }
0x1ae: {  	v13 =	vld [tilespmem:s15+$0x400];
	v7, _, _ =	vpop (xrf2);
	(xrf2) =	vadd.scan.msk.f32 $0xffff, v21  }
0x1af: {  	v14 =	vld [tilespmem:s15+$0x410];
	v62 =	vmul.f32 v61, v2;
	v17 =	vmul.f32 v17, v1;
	v63 =	vadd.f32 v8, v15  }
0x1b0: {  	v12 =	vld [tilespmem:s15+$0x8400];
	v10 =	vmul.f32 v20, v10  }
0x1b1: {  	v18 =	vmul.f32 v18, v19;
	v25 =	vadd.f32 v17, v62;
	v17 =	vld [tilespmem:s15+$0x8480];
	v8, _, _ =	vpop (xrf2);
	(xrf2) =	vadd.scan.msk.f32 $0xffff, v63  }
0x1b2: {  	v16 =	vld [tilespmem:s15+$0x8410]  }
0x1b3: {  	v19 =	vmul.f32 v18, v2;
	v18 =	vld [tilespmem:s15+$0x490];
	v20 =	vmul.f32 v10, v1  }
0x1b4: {  	s16 =	simm.s32 $0x4000;
	s26 =	simm.s32 $0x2000;
	v22 =	vmul.f32 v23, v22;
	v15 =	vld [tilespmem:s15+$0x480];
	v21 =	vmul.f32 v60, v58;
	v10, _, _ =	vpop (xrf2);
	(xrf2) =	vadd.scan.msk.f32 $0xffff, v25  }
.LBB2_4:
0x1b5: {  	p0 =	sne.s32 s16, $0x1E000;
	v23 =	vld [tilespmem:s15+$0x8490];
	v19 =	vadd.f32 v20, v19;
	v20, _, _ =	vpop (xrf2)  }
0x1b6: {  	v22 =	vmul.f32 v22, v2;
	v25 =	vmul.f32 v21, v1;
	v24 =	vld [tilespmem:s15+$0x8600]  }
0x1b7: {  	v12 =	vmul.f32 v12, v13;
	v13 =	vmul.f32 v16, v14;
	v14 =	vld [tilespmem:s15+$0x610];
	(xrf2) =	vadd.scan.msk.f32 $0xffff, v19  }
0x1b8: {  	v25 =	vadd.f32 v25, v22;
	v19 =	vld [tilespmem:s15+$0x8610];
	v21, _, _ =	vpop (xrf2)  }
0x1b9: {  	v12 =	vmul.f32 v12, v2;
	v13 =	vmul.f32 v13, v1;
	v22 =	vld [tilespmem:s15+$0x8780]  }
0x1ba: {  	v15 =	vmul.f32 v17, v15;
	v17 =	vmul.f32 v23, v18;
	v18 =	vld [tilespmem:s15+$0x790];
	(xrf2) =	vadd.scan.msk.f32 $0xffff, v25  }
0x1bb: {  	v12 =	vadd.f32 v13, v12;
	v13 =	vld [tilespmem:s15+$0x8790];
	v16, _, _ =	vpop (xrf2)  }
0x1bc: {  	v15 =	vmul.f32 v15, v2;
	v25 =	vmul.f32 v17, v1;
	v23 =	vld [tilespmem:s15+$0x8900]  }
0x1bd: {  	v11 =	vmul.f32 v24, v11;
	v14 =	vmul.f32 v19, v14;
	v19 =	vld [tilespmem:s15+$0x910];
	(xrf2) =	vadd.scan.msk.f32 $0xffff, v12  }
0x1be: {  	v12 =	vadd.f32 v25, v15;
	v15 =	vld [tilespmem:s15+$0x8910];
	v17, _, _ =	vpop (xrf2)  }
0x1bf: {  	v11 =	vmul.f32 v11, v2;
	v25 =	vmul.f32 v14, v1;
	v24 =	vld [tilespmem:s15+$0x8A80]  }
0x1c0: {  	v9 =	vmul.f32 v22, v9;
	v13 =	vmul.f32 v13, v18;
	v18 =	vld [tilespmem:s15+$0xA90];
	(xrf2) =	vadd.scan.msk.f32 $0xffff, v12  }
0x1c1: {  	v11 =	vadd.f32 v25, v11;
	v12 =	vld [tilespmem:s15+$0x8A90];
	v14, _, _ =	vpop (xrf2)  }
0x1c2: {  	v9 =	vmul.f32 v9, v2;
	v25 =	vmul.f32 v13, v1;
	v22 =	vld [tilespmem:s15+$0x8B80]  }
0x1c3: {  	v6 =	vmul.f32 v23, v6;
	v15 =	vmul.f32 v15, v19;
	(xrf2) =	vadd.scan.msk.f32 $0xffff, v11  }
0x1c4: {  	v23 =	vadd.f32 v25, v9;
	v11 =	vld [tilespmem:s15+$0xB90];
	v13, _, _ =	vpop (xrf2)  }
0x1c5: {  	v6 =	vmul.f32 v6, v2;
	v15 =	vmul.f32 v15, v1;
	v19 =	vld [tilespmem:s15+$0x8B90]  }
0x1c6: {  	v5 =	vmul.f32 v24, v5;
	v12 =	vmul.f32 v12, v18;
	(xrf2) =	vadd.scan.msk.f32 $0xffff, v23  }
0x1c7: {  	v6 =	vadd.f32 v15, v6;
	v4 =	vmul.f32 v22, v4;
	v9, _, _ =	vpop (xrf2)  }
0x1c8: {  	v5 =	vmul.f32 v5, v2;
	v12 =	vmul.f32 v12, v1  }
0x1c9: {  	(xrf2) =	vadd.scan.msk.f32 $0xffff, v6  }
0x1ca: {  	v4 =	vmul.f32 v4, v2;
	v5 =	vadd.f32 v12, v5;
	v6 =	vmul.f32 v19, v11;
	v11, _, _ =	vpop (xrf2)  }
0x1cb: {  	v9 =	vbroadcast v9, $0xF;
	v15 =	vbroadcast v11, $0xF  }
0x1cc: {  	v12 =	vbroadcast v13, $0xF;
	v6 =	vmul.f32 v6, v1;
	(xrf2) =	vadd.scan.msk.f32 $0xffff, v5  }
0x1cd: {  	v5 =	vsel vm0, v9, v15;
	v9 =	vbroadcast v14, $0xF;
	v11, _, _ =	vpop (xrf2)  }
0x1ce: {  	v5 =	vsel vm1, v5, v12;
	v12 =	vbroadcast v11, $0xF;
	v4 =	vadd.f32 v6, v4  }
0x1cf: {  	v6 =	vbroadcast v17, $0xF;
	v5 =	vsel vm2, v5, v9  }
0x1d0: {  	v5 =	vsel vm3, v5, v12;
	v12 =	vbroadcast v16, $0xF;
	v11, _, _ =	vpop (xrf2);
	(xrf2) =	vadd.scan.msk.f32 $0xffff, v4  }
0x1d1: {  	v4 =	vsel vm4, v5, v6;
	v5 =	vbroadcast v11, $0xF  }
0x1d2: {  	v6 =	vbroadcast v21, $0xF;
	v4 =	vsel vm5, v4, v12  }
0x1d3: {  	v4 =	vsel vm6, v4, v5;
	v5 =	vbroadcast v20, $0xF;
	v9, _, _ =	vpop (xrf2)  }
0x1d4: {  	v4 =	vsel vm7, v4, v6;
	v6 =	vbroadcast v9, $0xF  }
0x1d5: {  	v4 =	vsel vm8, v4, v5;
	v5 =	vbroadcast v10, $0xF  }
0x1d6: {  	v4 =	vsel vm9, v4, v6;
	v6 =	vbroadcast v8, $0xF;
	v8, _, _ =	vpop (xrf2)  }
0x1d7: {  	v4 =	vsel vm10, v4, v5;
	v8 =	vbroadcast v8, $0xF  }
0x1d8: {  	v4 =	vsel vm11, v4, v6;
	v6 =	vbroadcast v7, $0xF  }
0x1d9: {  	v4 =	vsel vm12, v4, v8  }
0x1da: {  	v4 =	vsel vm13, v4, v6;
	v5, _, _ =	vpop (xrf2)  }
0x1db: {  	v4 =	vsel vm14, v4, v5  }
0x1dc: {  	v4 =	vadd.f32 v4, v3;
	_ =	sdelay $0x1  }
0x1dd: {  	s14 =	sadd.s32 $0x10, s14;
	v4 =	vmax.f32 v4, $0.0e+00  }
0x1de: {  	s15 =	sshra.s32 s16, $0x2;
	[tilespmem:s14+$0x0] =	vst v4  }
0x1df: {  	v4 =	vld [tilespmem:s15+$0xB80]  }
0x1e0: {  	v7 =	vld [tilespmem:s15+$0xB00]  }
0x1e1: {  	v8 =	vld [tilespmem:s15+$0x8B00]  }
0x1e2: {  	v10 =	vld [tilespmem:s15+$0xB10]  }
0x1e3: {  	v11 =	vld [tilespmem:s15+$0x8B10]  }
0x1e4: {  	v5 =	vld [tilespmem:s15+$0xA80]  }
0x1e5: {  	v12 =	vld [tilespmem:s15+$0xA00]  }
0x1e6: {  	v13 =	vld [tilespmem:s15+$0x8A00]  }
0x1e7: {  	v14 =	vld [tilespmem:s15+$0xA10]  }
0x1e8: {  	v15 =	vld [tilespmem:s15+$0x8A10]  }
0x1e9: {  	v16 =	vld [tilespmem:s15+$0x980]  }
0x1ea: {  	v17 =	vld [tilespmem:s15+$0x8980]  }
0x1eb: {  	v18 =	vld [tilespmem:s15+$0x990]  }
0x1ec: {  	v19 =	vld [tilespmem:s15+$0x8990]  }
0x1ed: {  	v6 =	vld [tilespmem:s15+$0x900]  }
0x1ee: {  	v20 =	vld [tilespmem:s15+$0x880]  }
0x1ef: {  	v21 =	vld [tilespmem:s15+$0x8880]  }
0x1f0: {  	v22 =	vld [tilespmem:s15+$0x890]  }
0x1f1: {  	v23 =	vld [tilespmem:s15+$0x8890]  }
0x1f2: {  	v24 =	vld [tilespmem:s15+$0x800]  }
0x1f3: {  	v25 =	vld [tilespmem:s15+$0x8800]  }
0x1f4: {  	v26 =	vld [tilespmem:s15+$0x810]  }
0x1f5: {  	v27 =	vld [tilespmem:s15+$0x8810]  }
0x1f6: {  	v7 =	vmul.f32 v8, v7;
	v8 =	vmul.f32 v11, v10;
	v9 =	vld [tilespmem:s15+$0x780]  }
0x1f7: {  	v10 =	vld [tilespmem:s15+$0x700]  }
0x1f8: {  	v7 =	vmul.f32 v7, v2;
	v8 =	vmul.f32 v8, v1;
	v28 =	vld [tilespmem:s15+$0x8700]  }
0x1f9: {  	v11 =	vmul.f32 v13, v12;
	v12 =	vmul.f32 v15, v14;
	v29 =	vld [tilespmem:s15+$0x710]  }
0x1fa: {  	v7 =	vadd.f32 v8, v7;
	v13 =	vld [tilespmem:s15+$0x8710]  }
0x1fb: {  	v11 =	vmul.f32 v11, v2;
	v12 =	vmul.f32 v12, v1;
	v8 =	vld [tilespmem:s15+$0x680]  }
0x1fc: {  	v15 =	vmul.f32 v17, v16;
	v16 =	vmul.f32 v19, v18;
	v14 =	vld [tilespmem:s15+$0x8680];
	(xrf2) =	vadd.scan.msk.f32 $0xffff, v7  }
0x1fd: {  	v7 =	vadd.f32 v12, v11;
	v17 =	vld [tilespmem:s15+$0x690]  }
0x1fe: {  	v12 =	vmul.f32 v15, v2;
	v15 =	vmul.f32 v16, v1;
	v18 =	vld [tilespmem:s15+$0x8690]  }
0x1ff: {  	v19 =	vmul.f32 v23, v22;
	v16 =	vmul.f32 v21, v20;
	v11 =	vld [tilespmem:s15+$0x600];
	(xrf2) =	vadd.scan.msk.f32 $0xffff, v7  }
0x200: {  	v7 =	vadd.f32 v15, v12;
	v20 =	vld [tilespmem:s15+$0x580]  }
0x201: {  	v12 =	vmul.f32 v16, v2;
	v16 =	vmul.f32 v19, v1;
	v15 =	vld [tilespmem:s15+$0x8580]  }
0x202: {  	v22 =	vmul.f32 v27, v26;
	v21 =	vmul.f32 v25, v24;
	v19 =	vld [tilespmem:s15+$0x590];
	(xrf2) =	vadd.scan.msk.f32 $0xffff, v7  }
0x203: {  	v26 =	vadd.f32 v16, v12;
	v23 =	vld [tilespmem:s15+$0x8590]  }
0x204: {  	v12 =	vmul.f32 v21, v2;
	v16 =	vmul.f32 v22, v1;
	v24 =	vld [tilespmem:s15+$0x500]  }
0x205: {  	v10 =	vmul.f32 v28, v10;
	v13 =	vmul.f32 v13, v29;
	v21 =	vld [tilespmem:s15+$0x8500];
	(xrf2) =	vadd.scan.msk.f32 $0xffff, v26  }
0x206: {  	v16 =	vadd.f32 v16, v12;
	v25 =	vld [tilespmem:s15+$0x510];
	v7, _, _ =	vpop (xrf2)  }
0x207: {  	v10 =	vmul.f32 v10, v2;
	v22 =	vmul.f32 v13, v1;
	v26 =	vld [tilespmem:s15+$0x8510]  }
0x208: {  	v27 =	vmul.f32 v14, v8;
	v17 =	vmul.f32 v18, v17;
	v12 =	vld [tilespmem:s15+$0x8400];
	(xrf2) =	vadd.scan.msk.f32 $0xffff, v16  }
0x209: {  	v28 =	vadd.f32 v22, v10;
	v13 =	vld [tilespmem:s15+$0x400];
	v8, _, _ =	vpop (xrf2)  }
.Ltmp1:
0x20a: {  	v18 =	vmul.f32 v27, v2;
	v17 =	vmul.f32 v17, v1;
	v14 =	vld [tilespmem:s15+$0x410];
	(pc) =	sbr.rel @p0 .LBB2_4-.Ltmp1, $4  }
0x20b: {  	v20 =	vmul.f32 v15, v20;
	v22 =	vmul.f32 v23, v19;
	v16 =	vld [tilespmem:s15+$0x8410];
	(xrf2) =	vadd.scan.msk.f32 $0xffff, v28  }
0x20c: {  	v23 =	vadd.f32 v17, v18;
	v15 =	vld [tilespmem:s15+$0x480];
	v10, _, _ =	vpop (xrf2)  }
0x20d: {  	v19 =	vmul.f32 v20, v2;
	v20 =	vmul.f32 v22, v1;
	v17 =	vld [tilespmem:s15+$0x8480]  }
0x20e: {  	s16 =	sadd.s32 $0x2000, s16;
	v22 =	vmul.f32 v21, v24;
	v21 =	vmul.f32 v26, v25;
	v18 =	vld [tilespmem:s15+$0x490];
	(xrf2) =	vadd.scan.msk.f32 $0xffff, v23  }
0x20f: {  	v23 =	vld [tilespmem:s15+$0x8490]  }
0x210: {  	v24 =	vld [tilespmem:s15+$0x8600]  }
0x211: {  	v25 =	vld [tilespmem:s15+$0x610]  }
0x212: {  	v12 =	vmul.f32 v12, v13;
	v33 =	vld [tilespmem:s15+$0x8610];
	v32 =	vmul.f32 v16, v14  }
0x213: {  	v35 =	vld [tilespmem:s15+$0x8780];
	v34 =	vmul.f32 v22, v2;
	v21 =	vmul.f32 v21, v1  }
0x214: {  	v36 =	vld [tilespmem:s15+$0x790];
	v15 =	vmul.f32 v17, v15;
	v18 =	vmul.f32 v23, v18  }
0x215: {  	v19 =	vadd.f32 v20, v19;
	v37 =	vld [tilespmem:s15+$0x8790];
	v12 =	vmul.f32 v12, v2;
	v13 =	vmul.f32 v32, v1  }
0x216: {  	v38 =	vld [tilespmem:s15+$0x8900];
	v16 =	vadd.f32 v21, v34;
	v15 =	vmul.f32 v15, v2;
	v18 =	vmul.f32 v18, v1  }
0x217: {  	v40 =	vld [tilespmem:s15+$0x910];
	(xrf2) =	vadd.scan.msk.f32 $0xffff, v19;
	v12 =	vadd.f32 v13, v12;
	v11 =	vmul.f32 v24, v11;
	v39 =	vmul.f32 v33, v25  }
0x218: {  	v41 =	vld [tilespmem:s15+$0x8910];
	(xrf2) =	vadd.scan.msk.f32 $0xffff, v16;
	v15 =	vadd.f32 v18, v15  }
0x219: {  	(xrf2) =	vadd.scan.msk.f32 $0xffff, v12;
	v11 =	vmul.f32 v11, v2;
	v42 =	vmul.f32 v39, v1  }
0x21a: {  	v43 =	vld [tilespmem:s15+$0x8A80];
	v9 =	vmul.f32 v35, v9;
	v44 =	vmul.f32 v37, v36;
	(xrf2) =	vadd.scan.msk.f32 $0xffff, v15  }
0x21b: {  	v45 =	vld [tilespmem:s15+$0xA90];
	v11 =	vadd.f32 v42, v11  }
0x21c: {  	v46 =	vld [tilespmem:s15+$0x8A90];
	v9 =	vmul.f32 v9, v2;
	v47 =	vmul.f32 v44, v1  }
0x21d: {  	v48 =	vld [tilespmem:s15+$0x8B80];
	v49, _, _ =	vpop (xrf2);
	v6 =	vmul.f32 v38, v6;
	v14 =	vmul.f32 v41, v40;
	(xrf2) =	vadd.scan.msk.f32 $0xffff, v11  }
0x21e: {  	v51 =	vld [tilespmem:s15+$0xB90];
	v50, _, _ =	vpop (xrf2);
	v9 =	vadd.f32 v47, v9  }
0x21f: {  	v53 =	vld [tilespmem:s15+$0x8B90];
	v52, _, _ =	vpop (xrf2);
	v6 =	vmul.f32 v6, v2;
	v14 =	vmul.f32 v14, v1  }
0x220: {  	v54, _, _ =	vpop (xrf2);
	(xrf2) =	vadd.scan.msk.f32 $0xffff, v9  }
0x221: {  	v5 =	vmul.f32 v43, v5;
	v12 =	vmul.f32 v46, v45;
	v6 =	vadd.f32 v14, v6;
	v55, _, _ =	vpop (xrf2)  }
0x222: {  	v56, _, _ =	vpop (xrf2)  }
0x223: {  	v5 =	vmul.f32 v5, v2;
	v12 =	vmul.f32 v12, v1;
	(xrf2) =	vadd.scan.msk.f32 $0xffff, v6;
	v57, _, _ =	vpop (xrf2)  }
0x224: {  	v4 =	vmul.f32 v48, v4;
	v6 =	vmul.f32 v53, v51;
	v58, _, _ =	vpop (xrf2)  }
0x225: {  	v5 =	vadd.f32 v12, v5;
	v14 =	vbroadcast v57, $0xF;
	v12 =	vbroadcast v58, $0xF  }
0x226: {  	v4 =	vmul.f32 v4, v2;
	v13 =	vbroadcast v56, $0xF  }
0x227: {  	v9 =	vbroadcast v55, $0xF;
	(xrf2) =	vadd.scan.msk.f32 $0xffff, v5;
	v6 =	vmul.f32 v6, v1;
	v59, _, _ =	vpop (xrf2);
	v5 =	vsel vm0, v14, v12  }
0x228: {  	v12 =	vbroadcast v59, $0xF;
	v5 =	vsel vm1, v5, v13  }
0x229: {  	v4 =	vadd.f32 v6, v4;
	v6 =	vbroadcast v54, $0xF;
	v5 =	vsel vm2, v5, v9  }
0x22a: {  	v60 =	vbroadcast v52, $0xF;
	v61, _, _ =	vpop (xrf2);
	v5 =	vsel vm3, v5, v12  }
0x22b: {  	(xrf2) =	vadd.scan.msk.f32 $0xffff, v4;
	v4 =	vsel vm4, v5, v6;
	v5 =	vbroadcast v61, $0xF  }
0x22c: {  	v6 =	vbroadcast v50, $0xF;
	v4 =	vsel vm5, v4, v60  }
0x22d: {  	v62, _, _ =	vpop (xrf2);
	v4 =	vsel vm6, v4, v5;
	v5 =	vbroadcast v49, $0xF  }
0x22e: {  	v4 =	vsel vm7, v4, v6;
	v6 =	vbroadcast v62, $0xF  }
0x22f: {  	v4 =	vsel vm8, v4, v5;
	v5 =	vbroadcast v10, $0xF  }
0x230: {  	v4 =	vsel vm9, v4, v6;
	v6 =	vbroadcast v8, $0xF  }
0x231: {  	v4 =	vsel vm10, v4, v5  }
0x232: {  	v63, _, _ =	vpop (xrf2);
	v4 =	vsel vm11, v4, v6;
	v6 =	vbroadcast v7, $0xF  }
0x233: {  	s0 =	simm.s32 $0x100;
	v5 =	vbroadcast v63, $0xF  }
0x234: {  	v7 =	vmov s0  }
0x235: {  	v4 =	vsel vm12, v4, v5;
	v5 =	vshll.u32 v7, $0x1  }
0x236: {  	v4 =	vsel vm13, v4, v6;
	v5 =	vor.u32 v0, v5;
	v6, _, _ =	vpop (xrf2)  }
0x237: {  	v4 =	vsel vm14, v4, v6;
	v6 =	vor.u32 $0x1, v5  }
0x238: {  	v4 =	vadd.f32 v4, v3;
	_ =	sdelay $0x1  }
0x239: {  	s20 =	sadd.s32 $0x10, s14;
	v4 =	vmax.f32 v4, $0.0e+00  }
0x23a: {  	[tilespmem:s20+$0x0] =	vst v4  }
0x23b: {  	v4 =	vld.idx.msk [tilespmem:v6+s30+$0x0], $0xffff  }
0x23c: {  	v5 =	vld.idx.msk [tilespmem:v5+s30+$0x0], $0xffff;
	_ =	sdelay $0x4  }
0x23d: {  	v4 =	vadd.s32 $0xF4240, v4;
	v5 =	vshll.u32 v5, $0x4  }
0x23e: {  	v4 =	vshll.u32 v4, $0x4;
	(v2sf) =	vpush v5, $0x0  }
0x23f: {  	(v2sf) =	vpush v4, $0x0  }
0x240: {  	(v2sf) =	vpush v5, $0x1;
	_ =	sdelay $0x1  }
0x241: {  	(v2sf) =	vpush v4, $0x1  }
0x242: {  	(v2sf) =	vpush v5, $0x2;
	_ =	sdelay $0x1  }
0x243: {  	(v2sf) =	vpush v4, $0x2  }
0x244: {  	(v2sf) =	vpush v5, $0x3;
	_ =	sdelay $0x1  }
0x245: {  	(v2sf) =	vpush v4, $0x3;
	_ =	sdelay $0x1  }
0x246: {  	s14 =	simm.s32 $0x4000;
	s16 =	simm.s32 $0x0;
	s25 =	simm.s32 $0x110  }
0x247: {  	s21 =	simm.s32 $0x8400;
	s1 =	simm.s32 $0x8580;
	s4 =	simm.s32 $0x400  }
0x248: {  	s22 =	simm.s32 $0x8500;
	s28 =	simm.s32 $0x480;
	s31 =	simm.s32 $0x8480  }
0x249: {  	s8 =	simm.s32 $0x500;
	s11 =	simm.s32 $0x580;
	s2 =	spop (v2sf)  }
0x24a: {  	s13 =	simm.s32 $0x600;
	(v2sf) =	vpush v5, $0x4;
	s2 =	sand.u32 $0x1FFFFFF0, s2;
	s5 =	spop (v2sf)  }
0x24b: {  	s0 =	simm.s32 $0x980;
	s2 =	sadd.s32 s3, s2;
	s6 =	spop (v2sf)  }
0x24c: {  	(v2sf) =	vpush v4, $0x4;
	[tilespmem:s4], [sflag:$0x1] =	stream.linear.gather [hbm4b:s2+s30], $0x80, $0x38;
	[tilespmem:$0x10680] =	vst v63  }
0x24d: {  	s20 =	simm.s32 $0x8680;
	s5 =	sand.u32 $0x1FFFFFF0, s5;
	s29 =	spop (v2sf)  }
0x24e: {  	(v2sf) =	vpush v5, $0x5;
	s23 =	sadd.s32 s3, s5;
	s24 =	sand.u32 $0x1FFFFFF0, s6;
	s6 =	spop (v2sf)  }
0x24f: {  	[tilespmem:s21], [sflag:$0x1] =	stream.linear.gather [hbm4b:s23+s30], $0x80, $0x38;
	[tilespmem:$0x10680] =	vst v63  }
0x250: {  	(v2sf) =	vpush v4, $0x5;
	s5 =	sadd.s32 s3, s24;
	s4 =	sand.u32 $0x1FFFFFF0, s29;
	s7 =	spop (v2sf)  }
0x251: {  	s4 =	sadd.s32 s3, s4;
	s10 =	sand.u32 $0x1FFFFFF0, s7;
	s12 =	spop (v2sf)  }
0x252: {  	(v2sf) =	vpush v5, $0x6;
	[tilespmem:s28], [sflag:$0x1] =	stream.linear.gather [hbm4b:s5+s30], $0x80, $0x38;
	[tilespmem:$0x10680] =	vst v63  }
0x253: {  	s7 =	simm.s32 $0x700;
	s5 =	sand.u32 $0x1FFFFFF0, s6;
	s15 =	spop (v2sf)  }
0x254: {  	(v2sf) =	vpush v4, $0x6;
	[tilespmem:s31], [sflag:$0x1] =	stream.linear.gather [hbm4b:s4+s30], $0x80, $0x38;
	[tilespmem:$0x10680] =	vst v63  }
0x255: {  	s28 =	simm.s32 $0x680;
	s9 =	sadd.s32 s3, s5;
	s4 =	sand.u32 $0x1FFFFFF0, s12  }
0x256: {  	(v2sf) =	vpush v5, $0x7;
	[tilespmem:s8], [sflag:$0x1] =	stream.linear.gather [hbm4b:s9+s30], $0x80, $0x38;
	[tilespmem:$0x10680] =	vst v63  }
0x257: {  	s5 =	sadd.s32 s3, s10;
	s10 =	simm.s32 $0x8700;
	s4 =	sadd.s32 s3, s4  }
0x258: {  	[tilespmem:s22], [sflag:$0x1] =	stream.linear.gather [hbm4b:s5+s30], $0x80, $0x38;
	[tilespmem:$0x10680] =	vst v63  }
0x259: {  	s5 =	sand.u32 $0x1FFFFFF0, s15;
	s22 =	simm.s32 $0x8600;
	s17 =	spop (v2sf)  }
0x25a: {  	[tilespmem:s11], [sflag:$0x1] =	stream.linear.gather [hbm4b:s4+s30], $0x80, $0x38;
	(v2sf) =	vpush v4, $0x7;
	[tilespmem:$0x10680] =	vst v63  }
0x25b: {  	s18 =	sadd.s32 s3, s5;
	s19 =	sand.u32 $0x1FFFFFF0, s17;
	s21 =	spop (v2sf)  }
0x25c: {  	(v2sf) =	vpush v5, $0x8;
	[tilespmem:s1], [sflag:$0x1] =	stream.linear.gather [hbm4b:s18+s30], $0x80, $0x38;
	[tilespmem:$0x10680] =	vst v63  }
0x25d: {  	s5 =	sadd.s32 s3, s19;
	(v2sf) =	vpush v4, $0x8;
	s1 =	sand.u32 $0x1FFFFFF0, s21;
	s23 =	spop (v2sf)  }
0x25e: {  	[tilespmem:s13], [sflag:$0x1] =	stream.linear.gather [hbm4b:s5+s30], $0x80, $0x38;
	[tilespmem:$0x10680] =	vst v63  }
0x25f: {  	s1 =	sadd.s32 s3, s1;
	s24 =	spop (v2sf);
	(v2sf) =	vpush v5, $0x9;
	s5 =	sand.u32 $0x1FFFFFF0, s23  }
0x260: {  	(v2sf) =	vpush v4, $0x9;
	[tilespmem:s22], [sflag:$0x1] =	stream.linear.gather [hbm4b:s1+s30], $0x80, $0x38;
	[tilespmem:$0x10680] =	vst v63  }
0x261: {  	s31 =	sand.u32 $0x1FFFFFF0, s24;
	s6 =	spop (v2sf);
	s29 =	sadd.s32 s3, s5  }
0x262: {  	(v2sf) =	vpush v5, $0xA;
	[tilespmem:s28], [sflag:$0x1] =	stream.linear.gather [hbm4b:s29+s30], $0x80, $0x38;
	[tilespmem:$0x10680] =	vst v63  }
0x263: {  	s5 =	sadd.s32 s3, s31;
	s2 =	sand.u32 $0x1FFFFFF0, s6;
	s8 =	spop (v2sf)  }
0x264: {  	[tilespmem:s20], [sflag:$0x1] =	stream.linear.gather [hbm4b:s5+s30], $0x80, $0x38;
	[tilespmem:$0x10680] =	vst v63  }
0x265: {  	s2 =	sadd.s32 s3, s2;
	s9 =	spop (v2sf);
	s5 =	sand.u32 $0x1FFFFFF0, s8  }
0x266: {  	(v2sf) =	vpush v4, $0xA;
	[tilespmem:s7], [sflag:$0x1] =	stream.linear.gather [hbm4b:s2+s30], $0x80, $0x38;
	[tilespmem:$0x10680] =	vst v63  }
0x267: {  	s17 =	simm.s32 $0x8780;
	s12 =	sand.u32 $0x1FFFFFF0, s9;
	s11 =	sadd.s32 s3, s5  }
0x268: {  	[tilespmem:s10], [sflag:$0x1] =	stream.linear.gather [hbm4b:s11+s30], $0x80, $0x38;
	[tilespmem:$0x10680] =	vst v63  }
0x269: {  	s13 =	simm.s32 $0x780;
	s5 =	sadd.s32 s3, s12;
	s15 =	spop (v2sf)  }
0x26a: {  	(v2sf) =	vpush v5, $0xB;
	[tilespmem:s13], [sflag:$0x1] =	stream.linear.gather [hbm4b:s5+s30], $0x80, $0x38;
	[tilespmem:$0x10680] =	vst v63  }
0x26b: {  	s23 =	simm.s32 $0x8800;
	s4 =	sand.u32 $0x1FFFFFF0, s15;
	s18 =	spop (v2sf)  }
0x26c: {  	s28 =	simm.s32 $0x880;
	(v2sf) =	vpush v4, $0xB;
	s4 =	sadd.s32 s3, s4;
	s19 =	spop (v2sf)  }
0x26d: {  	[tilespmem:s17], [sflag:$0x1] =	stream.linear.gather [hbm4b:s4+s30], $0x80, $0x38;
	[tilespmem:$0x10680] =	vst v63  }
0x26e: {  	s20 =	simm.s32 $0x800;
	s5 =	sand.u32 $0x1FFFFFF0, s18;
	s24 =	spop (v2sf)  }
0x26f: {  	(v2sf) =	vpush v5, $0xC;
	s21 =	sadd.s32 s3, s5;
	s22 =	sand.u32 $0x1FFFFFF0, s19;
	s29 =	spop (v2sf)  }
0x270: {  	(v2sf) =	vpush v4, $0xC;
	[tilespmem:s20], [sflag:$0x1] =	stream.linear.gather [hbm4b:s21+s30], $0x80, $0x38;
	[tilespmem:$0x10680] =	vst v63  }
0x271: {  	s5 =	sadd.s32 s3, s22;
	s4 =	sand.u32 $0x1FFFFFF0, s24;
	s31 =	spop (v2sf)  }
0x272: {  	[tilespmem:s23], [sflag:$0x1] =	stream.linear.gather [hbm4b:s5+s30], $0x80, $0x38;
	[tilespmem:$0x10680] =	vst v63  }
0x273: {  	(v2sf) =	vpush v5, $0xD;
	s4 =	sadd.s32 s3, s4;
	s8 =	sand.u32 $0x1FFFFFF0, s31;
	s5 =	sand.u32 $0x1FFFFFF0, s29  }
0x274: {  	[tilespmem:s28], [sflag:$0x1] =	stream.linear.gather [hbm4b:s4+s30], $0x80, $0x38;
	[tilespmem:$0x10680] =	vst v63  }
0x275: {  	(v2sf) =	vpush v4, $0xD;
	s10 =	spop (v2sf);
	s7 =	sadd.s32 s3, s5;
	s4 =	simm.s32 $0x8880  }
0x276: {  	[tilespmem:s4], [sflag:$0x1] =	stream.linear.gather [hbm4b:s7+s30], $0x80, $0x38;
	[tilespmem:$0x10680] =	vst v63  }
0x277: {  	s9 =	simm.s32 $0x900;
	s5 =	sadd.s32 s3, s8;
	s4 =	sand.u32 $0x1FFFFFF0, s10  }
0x278: {  	[tilespmem:s9], [sflag:$0x1] =	stream.linear.gather [hbm4b:s5+s30], $0x80, $0x38;
	[tilespmem:$0x10680] =	vst v63  }
0x279: {  	s11 =	simm.s32 $0x8900;
	s4 =	sadd.s32 s3, s4;
	s12 =	spop (v2sf)  }
0x27a: {  	[tilespmem:s11], [sflag:$0x1] =	stream.linear.gather [hbm4b:s4+s30], $0x80, $0x38;
	[tilespmem:$0x10680] =	vst v63  }
0x27b: {  	s1 =	simm.s32 $0x8980;
	s5 =	sand.u32 $0x1FFFFFF0, s12;
	s13 =	spop (v2sf)  }
0x27c: {  	s22 =	simm.s32 $0xA00;
	s15 =	sadd.s32 s3, s5;
	s17 =	sand.u32 $0x1FFFFFF0, s13  }
0x27d: {  	[tilespmem:s0], [sflag:$0x1] =	stream.linear.gather [hbm4b:s15+s30], $0x80, $0x38;
	[tilespmem:$0x10680] =	vst v63  }
0x27e: {  	s28 =	simm.s32 $0x8A00;
	s18 =	spop (v2sf);
	s19 =	sadd.s32 s3, s17  }
0x27f: {  	(v2sf) =	vpush v5, $0xE;
	s20 =	sand.u32 $0x1FFFFFF0, s18;
	s21 =	spop (v2sf);
	s17 =	simm.s32 $0xA80  }
0x280: {  	(v2sf) =	vpush v4, $0xE;
	s18 =	simm.s32 $0x8A80;
	s23 =	sadd.s32 s3, s20;
	s24 =	sand.u32 $0x1FFFFFF0, s21  }
0x281: {  	(v2sf) =	vpush v5, $0xF;
	[tilespmem:s1], [sflag:$0x1] =	stream.linear.gather [hbm4b:s19+s30], $0x80, $0x38;
	[tilespmem:$0x10680] =	vst v63  }
0x282: {  	v6 =	vmov s25;
	s31 =	spop (v2sf);
	s21 =	simm.s32 $0xB00;
	s29 =	sadd.s32 s3, s24  }
0x283: {  	v6 =	vshll.u32 v6, $0x1;
	(v2sf) =	vpush v4, $0xF;
	[tilespmem:s22], [sflag:$0x1] =	stream.linear.gather [hbm4b:s23+s30], $0x80, $0x38;
	[tilespmem:$0x10680] =	vst v63  }
0x284: {  	v5 =	vor.u32 v0, v6;
	s19 =	simm.s32 $0x8B00;
	s1 =	sand.u32 $0x1FFFFFF0, s31;
	s0 =	spop (v2sf)  }
0x285: {  	v4 =	vor.u32 $0x1, v5;
	[tilespmem:s28], [sflag:$0x1] =	stream.linear.gather [hbm4b:s29+s30], $0x80, $0x38;
	[tilespmem:$0x10680] =	vst v63  }
.LBB2_6:
0x286: {  	_ =	sdelay $0x3  }
0x287: {  	s1 =	sadd.s32 s3, s1;
	s0 =	sand.u32 $0x1FFFFFF0, s0  }
0x288: {  	[tilespmem:s17], [sflag:$0x1] =	stream.linear.gather [hbm4b:s1+s30], $0x80, $0x38;
	[tilespmem:$0x10680] =	vst v63  }
0x289: {  	s0 =	sadd.s32 s3, s0  }
0x28a: {  	[tilespmem:s18], [sflag:$0x1] =	stream.linear.gather [hbm4b:s0+s30], $0x80, $0x38;
	[tilespmem:$0x10680] =	vst v63  }
0x28b: {  	s2 =	spop (v2sf)  }
0x28c: {  	s29 =	sand.u32 $0x1FFFFFF0, s2;
	s31 =	spop (v2sf)  }
0x28d: {  	s1 =	sadd.s32 s3, s29;
	s4 =	sand.u32 $0x1FFFFFF0, s31;
	s5 =	spop (v2sf)  }
0x28e: {  	[tilespmem:s21], [sflag:$0x1] =	stream.linear.gather [hbm4b:s1+s30], $0x80, $0x38;
	[tilespmem:$0x10680] =	vst v63  }
0x28f: {  	s6 =	sadd.s32 s3, s4;
	s7 =	sand.u32 $0x1FFFFFF0, s5;
	s8 =	spop (v2sf)  }
0x290: {  	[tilespmem:s19], [sflag:$0x1] =	stream.linear.gather [hbm4b:s6+s30], $0x80, $0x38;
	[tilespmem:$0x10680] =	vst v63  }
0x291: {  	s9 =	sadd.s32 $0xB80, s16;
	s1 =	sadd.s32 s3, s7;
	s2 =	sand.u32 $0x1FFFFFF0, s8  }
0x292: {  	[tilespmem:s9], [sflag:$0x1] =	stream.linear.gather [hbm4b:s1+s30], $0x80, $0x38;
	[tilespmem:$0x10680] =	vst v63  }
0x293: {  	s10 =	sadd.s32 $0x8B80, s16;
	s11 =	sadd.s32 s3, s2  }
0x294: {  	[tilespmem:s10], [sflag:$0x1] =	stream.linear.gather [hbm4b:s11+s30], $0x80, $0x38;
	[tilespmem:$0x10680] =	vst v63  }
0x295: {  	v5 =	vld.idx.msk [tilespmem:v5+s30+$0x0], $0xffff  }
0x296: {  	v4 =	vld.idx.msk [tilespmem:v4+s30+$0x0], $0xffff;
	_ =	sdelay $0x3  }
0x297: {  	v5 =	vshll.u32 v5, $0x4  }
0x298: {  	v4 =	vadd.s32 $0xF4240, v4;
	(v2sf) =	vpush v5, $0x0  }
0x299: {  	s16 =	sshra.s32 s26, $0x2;
	v4 =	vshll.u32 v4, $0x4  }
0x29a: {  	p0 =	sne.s32 s14, $0x1E000;
	s12 =	smov.u32 s14;
	s13 =	sadd.s32 $0x8A00, s16;
	(v2sf) =	vpush v4, $0x0  }
0x29b: {  	s14 =	sadd.s32 $0x2000, s14;
	s15 =	sadd.s32 $0x980, s16;
	[dreg:$0x4] =	wrdreg s13  }
0x29c: {  	s25 =	sadd.s32 $0x10, s25;
	s22 =	sadd.s32 $0x8880, s16;
	[dreg:$0xa] =	wrdreg s15;
	(v2sf) =	vpush v5, $0x1  }
0x29d: {  	s26 =	smov.u32 s12;
	s12 =	sadd.s32 $0x900, s16;
	[dreg:$0x10] =	wrdreg s22;
	(v2sf) =	vpush v4, $0x1  }
0x29e: {  	s17 =	sadd.s32 $0xA80, s16;
	s23 =	sadd.s32 $0x880, s16;
	[dreg:$0xe] =	wrdreg s12  }
0x29f: {  	s20 =	sadd.s32 $0x500, s16;
	s24 =	sadd.s32 $0x8900, s16;
	[dreg:$0x12] =	wrdreg s23;
	(v2sf) =	vpush v5, $0x2  }
0x2a0: {  	s28 =	sadd.s32 $0x8800, s16;
	s13 =	sadd.s32 $0x8480, s16;
	[dreg:$0xc] =	wrdreg s24  }
0x2a1: {  	s22 =	sadd.s32 $0x800, s16;
	s12 =	sadd.s32 $0x8600, s16;
	s18 =	sadd.s32 $0x8A80, s16;
	(v2sf) =	vpush v4, $0x2  }
0x2a2: {  	s0 =	sadd.s32 $0x480, s16;
	s29 =	sadd.s32 $0x8400, s16;
	s31 =	sadd.s32 $0x8780, s16  }
0x2a3: {  	s5 =	sadd.s32 $0x8580, s16;
	s4 =	sadd.s32 $0x8680, s16;
	s21 =	sadd.s32 $0xA00, s16;
	(v2sf) =	vpush v5, $0x3  }
0x2a4: {  	s8 =	sadd.s32 $0x580, s16;
	s7 =	sadd.s32 $0x600, s16;
	[dreg:$0x6] =	wrdreg s21  }
0x2a5: {  	s21 =	sadd.s32 $0xB00, s16;
	s2 =	simm.s32 $0x0;
	s19 =	sadd.s32 $0x8980, s16;
	(v2sf) =	vpush v4, $0x3  }
0x2a6: {  	s6 =	sadd.s32 $0x680, s16;
	[dreg:$0x8] =	wrdreg s19;
	s19 =	sadd.s32 $0x8B00, s16  }
0x2a7: {  	s9 =	sadd.s32 $0x8700, s16;
	s1 =	sadd.s32 $0x780, s16;
	(v2sf) =	vpush v5, $0x4;
	s15 =	spop (v2sf)  }
0x2a8: {  	s10 =	sadd.s32 $0x8500, s16;
	s11 =	sadd.s32 $0x700, s16;
	s15 =	sand.u32 $0x1FFFFFF0, s15  }
0x2a9: {  	s30 =	sadd.s32 $0x400, s16;
	s23 =	spop (v2sf);
	(v2sf) =	vpush v4, $0x4;
	s15 =	sadd.s32 s3, s15  }
0x2aa: {  	[tilespmem:s30], [sflag:$0x1] =	stream.linear.gather [hbm4b:s15+s2], $0x80, $0x38;
	[tilespmem:$0x10680] =	vst v63  }
0x2ab: {  	s23 =	sand.u32 $0x1FFFFFF0, s23;
	s24 =	spop (v2sf);
	(v2sf) =	vpush v5, $0x5;
	s30 =	simm.s32 $0x0  }
0x2ac: {  	s23 =	sadd.s32 s3, s23;
	s24 =	sand.u32 $0x1FFFFFF0, s24;
	s2 =	spop (v2sf)  }
0x2ad: {  	(v2sf) =	vpush v4, $0x5;
	[tilespmem:s29], [sflag:$0x1] =	stream.linear.gather [hbm4b:s23+s30], $0x80, $0x38;
	[tilespmem:$0x10680] =	vst v63  }
0x2ae: {  	s23 =	sadd.s32 s3, s24;
	s29 =	sand.u32 $0x1FFFFFF0, s2;
	s2 =	spop (v2sf)  }
0x2af: {  	(v2sf) =	vpush v5, $0x6;
	[tilespmem:s0], [sflag:$0x1] =	stream.linear.gather [hbm4b:s23+s30], $0x80, $0x38;
	[tilespmem:$0x10680] =	vst v63  }
0x2b0: {  	s23 =	sadd.s32 s3, s29;
	s29 =	sand.u32 $0x1FFFFFF0, s2;
	s2 =	spop (v2sf)  }
0x2b1: {  	(v2sf) =	vpush v4, $0x6;
	[tilespmem:s13], [sflag:$0x1] =	stream.linear.gather [hbm4b:s23+s30], $0x80, $0x38;
	[tilespmem:$0x10680] =	vst v63  }
0x2b2: {  	s24 =	sadd.s32 s3, s29;
	s29 =	sand.u32 $0x1FFFFFF0, s2;
	s2 =	spop (v2sf)  }
0x2b3: {  	(v2sf) =	vpush v5, $0x7;
	[tilespmem:s20], [sflag:$0x1] =	stream.linear.gather [hbm4b:s24+s30], $0x80, $0x38;
	[tilespmem:$0x10680] =	vst v63  }
0x2b4: {  	s13 =	sadd.s32 s3, s29;
	s23 =	spop (v2sf);
	s20 =	sand.u32 $0x1FFFFFF0, s2  }
0x2b5: {  	(v2sf) =	vpush v4, $0x7;
	[tilespmem:s10], [sflag:$0x1] =	stream.linear.gather [hbm4b:s13+s30], $0x80, $0x38;
	[tilespmem:$0x10680] =	vst v63  }
0x2b6: {  	s29 =	sand.u32 $0x1FFFFFF0, s23;
	s2 =	spop (v2sf);
	s24 =	sadd.s32 s3, s20  }
0x2b7: {  	(v2sf) =	vpush v5, $0x8;
	[tilespmem:s8], [sflag:$0x1] =	stream.linear.gather [hbm4b:s24+s30], $0x80, $0x38;
	[tilespmem:$0x10680] =	vst v63  }
0x2b8: {  	s15 =	sadd.s32 s3, s29;
	s20 =	sand.u32 $0x1FFFFFF0, s2;
	s23 =	spop (v2sf)  }
0x2b9: {  	(v2sf) =	vpush v4, $0x8;
	[tilespmem:s5], [sflag:$0x1] =	stream.linear.gather [hbm4b:s15+s30], $0x80, $0x38;
	[tilespmem:$0x10680] =	vst v63  }
0x2ba: {  	s24 =	sadd.s32 s3, s20;
	s29 =	sand.u32 $0x1FFFFFF0, s23;
	s2 =	spop (v2sf)  }
0x2bb: {  	[tilespmem:s7], [sflag:$0x1] =	stream.linear.gather [hbm4b:s24+s30], $0x80, $0x38;
	[tilespmem:$0x10680] =	vst v63  }
0x2bc: {  	(v2sf) =	vpush v5, $0x9;
	s10 =	sand.u32 $0x1FFFFFF0, s2;
	s13 =	spop (v2sf);
	s7 =	sadd.s32 s3, s29  }
0x2bd: {  	(v2sf) =	vpush v4, $0x9;
	[tilespmem:s12], [sflag:$0x1] =	stream.linear.gather [hbm4b:s7+s30], $0x80, $0x38;
	[tilespmem:$0x10680] =	vst v63  }
0x2be: {  	s15 =	sadd.s32 s3, s10;
	s20 =	sand.u32 $0x1FFFFFF0, s13;
	s23 =	spop (v2sf)  }
0x2bf: {  	(v2sf) =	vpush v5, $0xA;
	[tilespmem:s6], [sflag:$0x1] =	stream.linear.gather [hbm4b:s15+s30], $0x80, $0x38;
	[tilespmem:$0x10680] =	vst v63  }
0x2c0: {  	s24 =	sadd.s32 s3, s20;
	s29 =	sand.u32 $0x1FFFFFF0, s23;
	s2 =	spop (v2sf)  }
0x2c1: {  	[tilespmem:s4], [sflag:$0x1] =	stream.linear.gather [hbm4b:s24+s30], $0x80, $0x38;
	[tilespmem:$0x10680] =	vst v63  }
0x2c2: {  	s5 =	sadd.s32 s3, s29;
	s7 =	sand.u32 $0x1FFFFFF0, s2;
	s8 =	spop (v2sf)  }
0x2c3: {  	(v2sf) =	vpush v4, $0xA;
	[tilespmem:s11], [sflag:$0x1] =	stream.linear.gather [hbm4b:s5+s30], $0x80, $0x38;
	[tilespmem:$0x10680] =	vst v63  }
0x2c4: {  	s10 =	sadd.s32 s3, s7;
	s12 =	spop (v2sf);
	s11 =	sand.u32 $0x1FFFFFF0, s8  }
0x2c5: {  	(v2sf) =	vpush v5, $0xB;
	[tilespmem:s9], [sflag:$0x1] =	stream.linear.gather [hbm4b:s10+s30], $0x80, $0x38;
	[tilespmem:$0x10680] =	vst v63  }
0x2c6: {  	s15 =	sand.u32 $0x1FFFFFF0, s12;
	s20 =	spop (v2sf);
	s13 =	sadd.s32 s3, s11  }
0x2c7: {  	(v2sf) =	vpush v4, $0xB;
	[tilespmem:s1], [sflag:$0x1] =	stream.linear.gather [hbm4b:s13+s30], $0x80, $0x38;
	[tilespmem:$0x10680] =	vst v63  }
0x2c8: {  	s23 =	sadd.s32 s3, s15;
	s24 =	sand.u32 $0x1FFFFFF0, s20;
	s29 =	spop (v2sf)  }
0x2c9: {  	(v2sf) =	vpush v5, $0xC;
	s2 =	sadd.s32 s3, s24;
	s13 =	rddreg [dreg:$0x12];
	s5 =	sand.u32 $0x1FFFFFF0, s29  }
0x2ca: {  	[tilespmem:s31], [sflag:$0x1] =	stream.linear.gather [hbm4b:s23+s30], $0x80, $0x38;
	[tilespmem:$0x10680] =	vst v63  }
0x2cb: {  	s6 =	spop (v2sf);
	s7 =	sadd.s32 s3, s5;
	s23 =	rddreg [dreg:$0x10]  }
0x2cc: {  	s8 =	sand.u32 $0x1FFFFFF0, s6;
	s9 =	spop (v2sf);
	s31 =	rddreg [dreg:$0xe]  }
0x2cd: {  	(v2sf) =	vpush v4, $0xC;
	[tilespmem:s22], [sflag:$0x1] =	stream.linear.gather [hbm4b:s2+s30], $0x80, $0x38;
	[tilespmem:$0x10680] =	vst v63  }
0x2ce: {  	(v2sf) =	vpush v5, $0xD;
	s10 =	sadd.s32 s3, s8;
	s11 =	sand.u32 $0x1FFFFFF0, s9;
	s12 =	spop (v2sf)  }
0x2cf: {  	[tilespmem:s28], [sflag:$0x1] =	stream.linear.gather [hbm4b:s7+s30], $0x80, $0x38;
	[tilespmem:$0x10680] =	vst v63  }
0x2d0: {  	(v2sf) =	vpush v4, $0xD;
	s15 =	sadd.s32 s3, s11;
	s11 =	rddreg [dreg:$0xa];
	s20 =	sand.u32 $0x1FFFFFF0, s12  }
0x2d1: {  	[tilespmem:s13], [sflag:$0x1] =	stream.linear.gather [hbm4b:s10+s30], $0x80, $0x38;
	[tilespmem:$0x10680] =	vst v63  }
0x2d2: {  	s22 =	spop (v2sf);
	s24 =	sadd.s32 s3, s20;
	s7 =	rddreg [dreg:$0xc]  }
0x2d3: {  	[tilespmem:s23], [sflag:$0x1] =	stream.linear.gather [hbm4b:s15+s30], $0x80, $0x38;
	[tilespmem:$0x10680] =	vst v63  }
0x2d4: {  	s20 =	rddreg [dreg:$0x8];
	s28 =	sand.u32 $0x1FFFFFF0, s22;
	s29 =	spop (v2sf)  }
0x2d5: {  	[tilespmem:s31], [sflag:$0x1] =	stream.linear.gather [hbm4b:s24+s30], $0x80, $0x38;
	[tilespmem:$0x10680] =	vst v63  }
0x2d6: {  	s4 =	sadd.s32 s3, s28;
	s5 =	sand.u32 $0x1FFFFFF0, s29;
	s6 =	spop (v2sf)  }
0x2d7: {  	[tilespmem:s7], [sflag:$0x1] =	stream.linear.gather [hbm4b:s4+s30], $0x80, $0x38;
	[tilespmem:$0x10680] =	vst v63  }
0x2d8: {  	s8 =	sadd.s32 s3, s5;
	s9 =	sand.u32 $0x1FFFFFF0, s6;
	s10 =	spop (v2sf)  }
0x2d9: {  	[tilespmem:s11], [sflag:$0x1] =	stream.linear.gather [hbm4b:s8+s30], $0x80, $0x38;
	[tilespmem:$0x10680] =	vst v63  }
0x2da: {  	(v2sf) =	vpush v5, $0xE;
	s28 =	rddreg [dreg:$0x6];
	s12 =	sadd.s32 s3, s9;
	s13 =	sand.u32 $0x1FFFFFF0, s10  }
0x2db: {  	(v2sf) =	vpush v4, $0xE;
	[tilespmem:s20], [sflag:$0x1] =	stream.linear.gather [hbm4b:s12+s30], $0x80, $0x38;
	[tilespmem:$0x10680] =	vst v63  }
.Ltmp2:
0x2dc: {  	(v2sf) =	vpush v5, $0xF;
	s22 =	sadd.s32 s3, s13;
	s15 =	spop (v2sf);
	(pc) =	sbr.rel @p0 .LBB2_6-.Ltmp2, $4  }
0x2dd: {  	(v2sf) =	vpush v4, $0xF;
	v4 =	vmov s25;
	s31 =	rddreg [dreg:$0x4];
	s23 =	sand.u32 $0x1FFFFFF0, s15;
	s24 =	spop (v2sf)  }
0x2de: {  	v4 =	vshll.u32 v4, $0x1;
	[tilespmem:s28], [sflag:$0x1] =	stream.linear.gather [hbm4b:s22+s30], $0x80, $0x38;
	[tilespmem:$0x10680] =	vst v63  }
0x2df: {  	v5 =	vor.u32 v0, v4;
	s29 =	sadd.s32 s3, s23;
	s1 =	sand.u32 $0x1FFFFFF0, s24;
	s0 =	spop (v2sf)  }
0x2e0: {  	v4 =	vor.u32 $0x1, v5;
	[tilespmem:s31], [sflag:$0x1] =	stream.linear.gather [hbm4b:s29+s30], $0x80, $0x38;
	[tilespmem:$0x10680] =	vst v63  }
0x2e1: {  	_ =	sdelay $0x3  }
0x2e2: {  	s1 =	sadd.s32 s3, s1;
	s0 =	sand.u32 $0x1FFFFFF0, s0  }
0x2e3: {  	[tilespmem:s17], [sflag:$0x1] =	stream.linear.gather [hbm4b:s1+s30], $0x80, $0x38;
	[tilespmem:$0x10680] =	vst v63  }
0x2e4: {  	s0 =	sadd.s32 s3, s0  }
0x2e5: {  	[tilespmem:s18], [sflag:$0x1] =	stream.linear.gather [hbm4b:s0+s30], $0x80, $0x38;
	[tilespmem:$0x10680] =	vst v63  }
0x2e6: {  	s18 =	spop (v2sf)  }
0x2e7: {  	s0 =	sand.u32 $0x1FFFFFF0, s18  }
0x2e8: {  	s20 =	spop (v2sf);
	s0 =	sadd.s32 s3, s0  }
0x2e9: {  	[tilespmem:s21], [sflag:$0x1] =	stream.linear.gather [hbm4b:s0+s30], $0x80, $0x38;
	[tilespmem:$0x10680] =	vst v63  }
0x2ea: {  	s0 =	sand.u32 $0x1FFFFFF0, s20  }
0x2eb: {  	s21 =	spop (v2sf);
	s0 =	sadd.s32 s3, s0  }
0x2ec: {  	[tilespmem:s19], [sflag:$0x1] =	stream.linear.gather [hbm4b:s0+s30], $0x80, $0x38;
	[tilespmem:$0x10680] =	vst v63  }
0x2ed: {  	s0 =	sand.u32 $0x1FFFFFF0, s21  }
0x2ee: {  	s22 =	sadd.s32 $0xB80, s16;
	s23 =	spop (v2sf);
	s0 =	sadd.s32 s3, s0  }
0x2ef: {  	[tilespmem:s22], [sflag:$0x1] =	stream.linear.gather [hbm4b:s0+s30], $0x80, $0x38;
	[tilespmem:$0x10680] =	vst v63  }
0x2f0: {  	s0 =	sand.u32 $0x1FFFFFF0, s23  }
0x2f1: {  	s24 =	sadd.s32 $0x8B80, s16;
	s0 =	sadd.s32 s3, s0  }
0x2f2: {  	[tilespmem:s24], [sflag:$0x1] =	stream.linear.gather [hbm4b:s0+s30], $0x80, $0x38;
	[tilespmem:$0x10680] =	vst v63  }
0x2f3: {  	v4 =	vld.idx.msk [tilespmem:v4+s30+$0x0], $0xffff  }
0x2f4: {  	v5 =	vld.idx.msk [tilespmem:v5+s30+$0x0], $0xffff;
	_ =	sdelay $0x4  }
0x2f5: {  	v4 =	vadd.s32 $0xF4240, v4;
	v5 =	vshll.u32 v5, $0x4  }
0x2f6: {  	v4 =	vshll.u32 v4, $0x4;
	(v2sf) =	vpush v5, $0x0  }
0x2f7: {  	(v2sf) =	vpush v4, $0x0  }
0x2f8: {  	(v2sf) =	vpush v5, $0x1;
	_ =	sdelay $0x1  }
0x2f9: {  	(v2sf) =	vpush v4, $0x1  }
0x2fa: {  	(v2sf) =	vpush v5, $0x2;
	_ =	sdelay $0x3  }
0x2fb: {  	(v2sf) =	vpush v4, $0x2;
	_ =	sdelay $0x1  }
0x2fc: {  	(v2sf) =	vpush v5, $0x3  }
0x2fd: {  	s13 =	sshra.s32 s26, $0x2  }
0x2fe: {  	s2 =	sadd.s32 $0x400, s13;
	s29 =	sadd.s32 $0x8400, s13;
	s6 =	sadd.s32 $0x480, s13  }
0x2ff: {  	s7 =	sadd.s32 $0x8480, s13;
	s11 =	sadd.s32 $0x500, s13;
	s12 =	sadd.s32 $0x8500, s13  }
0x300: {  	s17 =	sadd.s32 $0x580, s13;
	s18 =	sadd.s32 $0x8580, s13;
	s25 =	spop (v2sf);
	(v2sf) =	vpush v4, $0x3  }
0x301: {  	s22 =	sadd.s32 $0x600, s13;
	s0 =	sand.u32 $0x1FFFFFF0, s25;
	s28 =	spop (v2sf)  }
0x302: {  	s23 =	sadd.s32 $0x8600, s13;
	(v2sf) =	vpush v5, $0x4;
	s0 =	sadd.s32 s3, s0;
	s31 =	spop (v2sf)  }
0x303: {  	[tilespmem:s2], [sflag:$0x1] =	stream.linear.gather [hbm4b:s0+s30], $0x80, $0x38;
	[tilespmem:$0x10680] =	vst v63  }
0x304: {  	s1 =	sand.u32 $0x1FFFFFF0, s28;
	s28 =	sadd.s32 $0x680, s13;
	s5 =	spop (v2sf)  }
0x305: {  	(v2sf) =	vpush v4, $0x4;
	s1 =	sadd.s32 s3, s1;
	s4 =	sand.u32 $0x1FFFFFF0, s31;
	s8 =	spop (v2sf)  }
0x306: {  	(v2sf) =	vpush v5, $0x5;
	[tilespmem:s29], [sflag:$0x1] =	stream.linear.gather [hbm4b:s1+s30], $0x80, $0x38;
	[tilespmem:$0x10680] =	vst v63  }
0x307: {  	s0 =	sadd.s32 s3, s4;
	(v2sf) =	vpush v4, $0x5;
	s1 =	sand.u32 $0x1FFFFFF0, s5;
	s9 =	sand.u32 $0x1FFFFFF0, s8  }
0x308: {  	[tilespmem:s6], [sflag:$0x1] =	stream.linear.gather [hbm4b:s0+s30], $0x80, $0x38;
	[tilespmem:$0x10680] =	vst v63  }
0x309: {  	s10 =	spop (v2sf);
	(v2sf) =	vpush v5, $0x6;
	s29 =	sadd.s32 $0x8680, s13;
	s1 =	sadd.s32 s3, s1  }
0x30a: {  	[tilespmem:s7], [sflag:$0x1] =	stream.linear.gather [hbm4b:s1+s30], $0x80, $0x38;
	[tilespmem:$0x10680] =	vst v63  }
0x30b: {  	s14 =	spop (v2sf);
	(v2sf) =	vpush v4, $0x6;
	s0 =	sadd.s32 s3, s9;
	s1 =	sand.u32 $0x1FFFFFF0, s10  }
0x30c: {  	[tilespmem:s11], [sflag:$0x1] =	stream.linear.gather [hbm4b:s0+s30], $0x80, $0x38;
	[tilespmem:$0x10680] =	vst v63  }
0x30d: {  	s15 =	sand.u32 $0x1FFFFFF0, s14;
	s6 =	sadd.s32 $0x700, s13;
	s1 =	sadd.s32 s3, s1  }
0x30e: {  	[tilespmem:s12], [sflag:$0x1] =	stream.linear.gather [hbm4b:s1+s30], $0x80, $0x38;
	[tilespmem:$0x10680] =	vst v63  }
0x30f: {  	s7 =	sadd.s32 $0x8700, s13;
	s0 =	sadd.s32 s3, s15;
	s16 =	spop (v2sf)  }
0x310: {  	[tilespmem:s17], [sflag:$0x1] =	stream.linear.gather [hbm4b:s0+s30], $0x80, $0x38;
	[tilespmem:$0x10680] =	vst v63  }
0x311: {  	s11 =	sadd.s32 $0x780, s13;
	(v2sf) =	vpush v5, $0x7;
	s1 =	sand.u32 $0x1FFFFFF0, s16;
	s19 =	spop (v2sf)  }
0x312: {  	s12 =	sadd.s32 $0x8780, s13;
	s1 =	sadd.s32 s3, s1;
	s20 =	sand.u32 $0x1FFFFFF0, s19  }
0x313: {  	(v2sf) =	vpush v4, $0x7;
	[tilespmem:s18], [sflag:$0x1] =	stream.linear.gather [hbm4b:s1+s30], $0x80, $0x38;
	[tilespmem:$0x10680] =	vst v63  }
0x314: {  	s17 =	sadd.s32 $0x800, s13;
	s21 =	spop (v2sf);
	(v2sf) =	vpush v5, $0x8;
	s0 =	sadd.s32 s3, s20  }
0x315: {  	s1 =	sand.u32 $0x1FFFFFF0, s21;
	s24 =	spop (v2sf);
	s18 =	sadd.s32 $0x8800, s13  }
0x316: {  	(v2sf) =	vpush v4, $0x8;
	s1 =	sadd.s32 s3, s1;
	s25 =	sand.u32 $0x1FFFFFF0, s24;
	s26 =	spop (v2sf)  }
0x317: {  	[tilespmem:s22], [sflag:$0x1] =	stream.linear.gather [hbm4b:s0+s30], $0x80, $0x38;
	[tilespmem:$0x10680] =	vst v63  }
0x318: {  	(v2sf) =	vpush v5, $0x9;
	s0 =	sadd.s32 s3, s25;
	s31 =	spop (v2sf);
	s22 =	sadd.s32 $0x880, s13  }
0x319: {  	[tilespmem:s23], [sflag:$0x1] =	stream.linear.gather [hbm4b:s1+s30], $0x80, $0x38;
	[tilespmem:$0x10680] =	vst v63  }
0x31a: {  	(v2sf) =	vpush v4, $0x9;
	s4 =	sand.u32 $0x1FFFFFF0, s31;
	s5 =	spop (v2sf);
	s1 =	sand.u32 $0x1FFFFFF0, s26  }
0x31b: {  	[tilespmem:s28], [sflag:$0x1] =	stream.linear.gather [hbm4b:s0+s30], $0x80, $0x38;
	[tilespmem:$0x10680] =	vst v63  }
0x31c: {  	(v2sf) =	vpush v5, $0xA;
	s23 =	sadd.s32 $0x8880, s13;
	s1 =	sadd.s32 s3, s1;
	s0 =	sadd.s32 s3, s4  }
0x31d: {  	[tilespmem:s29], [sflag:$0x1] =	stream.linear.gather [hbm4b:s1+s30], $0x80, $0x38;
	[tilespmem:$0x10680] =	vst v63  }
0x31e: {  	s28 =	sadd.s32 $0x900, s13;
	s1 =	sand.u32 $0x1FFFFFF0, s5;
	s29 =	sadd.s32 $0x8900, s13  }
0x31f: {  	[tilespmem:s6], [sflag:$0x1] =	stream.linear.gather [hbm4b:s0+s30], $0x80, $0x38;
	[tilespmem:$0x10680] =	vst v63  }
0x320: {  	s1 =	sadd.s32 s3, s1;
	s6 =	sadd.s32 $0x980, s13;
	s8 =	spop (v2sf);
	(v2sf) =	vpush v4, $0xA  }
0x321: {  	[tilespmem:s7], [sflag:$0x1] =	stream.linear.gather [hbm4b:s1+s30], $0x80, $0x38;
	[tilespmem:$0x10680] =	vst v63  }
0x322: {  	s7 =	sadd.s32 $0x8980, s13;
	s9 =	sand.u32 $0x1FFFFFF0, s8;
	s10 =	spop (v2sf);
	(v2sf) =	vpush v5, $0xB  }
0x323: {  	s0 =	sadd.s32 s3, s9;
	s1 =	sand.u32 $0x1FFFFFF0, s10;
	s14 =	spop (v2sf);
	(v2sf) =	vpush v4, $0xB  }
0x324: {  	[tilespmem:s11], [sflag:$0x1] =	stream.linear.gather [hbm4b:s0+s30], $0x80, $0x38;
	[tilespmem:$0x10680] =	vst v63  }
0x325: {  	s1 =	sadd.s32 s3, s1;
	s15 =	sand.u32 $0x1FFFFFF0, s14;
	s16 =	spop (v2sf);
	(v2sf) =	vpush v5, $0xC  }
0x326: {  	[tilespmem:s12], [sflag:$0x1] =	stream.linear.gather [hbm4b:s1+s30], $0x80, $0x38;
	[tilespmem:$0x10680] =	vst v63  }
0x327: {  	s0 =	sadd.s32 s3, s15;
	s19 =	spop (v2sf);
	(v2sf) =	vpush v4, $0xC;
	s1 =	sand.u32 $0x1FFFFFF0, s16  }
0x328: {  	[tilespmem:s17], [sflag:$0x1] =	stream.linear.gather [hbm4b:s0+s30], $0x80, $0x38;
	[tilespmem:$0x10680] =	vst v63  }
0x329: {  	s20 =	sand.u32 $0x1FFFFFF0, s19;
	s21 =	spop (v2sf);
	(v2sf) =	vpush v5, $0xD;
	s1 =	sadd.s32 s3, s1  }
0x32a: {  	[tilespmem:s18], [sflag:$0x1] =	stream.linear.gather [hbm4b:s1+s30], $0x80, $0x38;
	[tilespmem:$0x10680] =	vst v63  }
0x32b: {  	s24 =	spop (v2sf);
	(v2sf) =	vpush v4, $0xD;
	s0 =	sadd.s32 s3, s20;
	s1 =	sand.u32 $0x1FFFFFF0, s21  }
0x32c: {  	[tilespmem:s22], [sflag:$0x1] =	stream.linear.gather [hbm4b:s0+s30], $0x80, $0x38;
	[tilespmem:$0x10680] =	vst v63  }
0x32d: {  	s11 =	sadd.s32 $0xA00, s13;
	s25 =	sand.u32 $0x1FFFFFF0, s24;
	s1 =	sadd.s32 s3, s1  }
0x32e: {  	[tilespmem:s23], [sflag:$0x1] =	stream.linear.gather [hbm4b:s1+s30], $0x80, $0x38;
	[tilespmem:$0x10680] =	vst v63  }
0x32f: {  	s12 =	sadd.s32 $0x8A00, s13;
	s0 =	sadd.s32 s3, s25;
	s26 =	spop (v2sf);
	(v2sf) =	vpush v5, $0xE  }
0x330: {  	[tilespmem:s28], [sflag:$0x1] =	stream.linear.gather [hbm4b:s0+s30], $0x80, $0x38;
	[tilespmem:$0x10680] =	vst v63  }
0x331: {  	s17 =	sadd.s32 $0xA80, s13;
	s1 =	sand.u32 $0x1FFFFFF0, s26;
	s31 =	spop (v2sf);
	(v2sf) =	vpush v4, $0xE  }
0x332: {  	s1 =	sadd.s32 s3, s1;
	s4 =	sand.u32 $0x1FFFFFF0, s31;
	s5 =	spop (v2sf);
	(v2sf) =	vpush v5, $0xF  }
0x333: {  	[tilespmem:s29], [sflag:$0x1] =	stream.linear.gather [hbm4b:s1+s30], $0x80, $0x38;
	[tilespmem:$0x10680] =	vst v63  }
0x334: {  	s0 =	sadd.s32 s3, s4;
	s1 =	sand.u32 $0x1FFFFFF0, s5;
	s8 =	spop (v2sf);
	(v2sf) =	vpush v4, $0xF  }
0x335: {  	[tilespmem:s6], [sflag:$0x1] =	stream.linear.gather [hbm4b:s0+s30], $0x80, $0x38;
	[tilespmem:$0x10680] =	vst v63  }
0x336: {  	s1 =	sadd.s32 s3, s1;
	s9 =	sand.u32 $0x1FFFFFF0, s8;
	s10 =	spop (v2sf)  }
0x337: {  	[tilespmem:s7], [sflag:$0x1] =	stream.linear.gather [hbm4b:s1+s30], $0x80, $0x38;
	[tilespmem:$0x10680] =	vst v63  }
0x338: {  	s0 =	sadd.s32 s3, s9;
	s14 =	spop (v2sf);
	s1 =	sand.u32 $0x1FFFFFF0, s10  }
0x339: {  	[tilespmem:s11], [sflag:$0x1] =	stream.linear.gather [hbm4b:s0+s30], $0x80, $0x38;
	[tilespmem:$0x10680] =	vst v63  }
0x33a: {  	s15 =	sand.u32 $0x1FFFFFF0, s14;
	s16 =	spop (v2sf);
	s1 =	sadd.s32 s3, s1  }
0x33b: {  	[tilespmem:s12], [sflag:$0x1] =	stream.linear.gather [hbm4b:s1+s30], $0x80, $0x38;
	[tilespmem:$0x10680] =	vst v63  }
0x33c: {  	s18 =	sadd.s32 $0x8A80, s13;
	s0 =	sadd.s32 s3, s15;
	s1 =	sand.u32 $0x1FFFFFF0, s16  }
0x33d: {  	[tilespmem:s17], [sflag:$0x1] =	stream.linear.gather [hbm4b:s0+s30], $0x80, $0x38;
	[tilespmem:$0x10680] =	vst v63  }
0x33e: {  	s22 =	sadd.s32 $0xB00, s13;
	s1 =	sadd.s32 s3, s1;
	s19 =	spop (v2sf)  }
0x33f: {  	[tilespmem:s18], [sflag:$0x1] =	stream.linear.gather [hbm4b:s1+s30], $0x80, $0x38;
	[tilespmem:$0x10680] =	vst v63  }
0x340: {  	s23 =	sadd.s32 $0x8B00, s13;
	s20 =	sand.u32 $0x1FFFFFF0, s19;
	s21 =	spop (v2sf)  }
0x341: {  	s0 =	sadd.s32 s3, s20;
	s1 =	sand.u32 $0x1FFFFFF0, s21;
	s24 =	spop (v2sf)  }
0x342: {  	[tilespmem:s22], [sflag:$0x1] =	stream.linear.gather [hbm4b:s0+s30], $0x80, $0x38;
	[tilespmem:$0x10680] =	vst v63  }
0x343: {  	s1 =	sadd.s32 s3, s1;
	s25 =	sand.u32 $0x1FFFFFF0, s24;
	s26 =	spop (v2sf)  }
0x344: {  	[tilespmem:s23], [sflag:$0x1] =	stream.linear.gather [hbm4b:s1+s30], $0x80, $0x38;
	[tilespmem:$0x10680] =	vst v63  }
0x345: {  	s28 =	sadd.s32 $0xB80, s13;
	s0 =	sadd.s32 s3, s25;
	s1 =	sand.u32 $0x1FFFFFF0, s26  }
0x346: {  	[tilespmem:s28], [sflag:$0x1] =	stream.linear.gather [hbm4b:s0+s30], $0x80, $0x38;
	[tilespmem:$0x10680] =	vst v63  }
0x347: {  	s31 =	simm.s32 $0x1;
	s29 =	sadd.s32 $0x8B80, s13;
	s1 =	sadd.s32 s3, s1  }
0x348: {  	[tilespmem:s29], [sflag:$0x1] =	stream.linear.gather [hbm4b:s1+s30], $0x80, $0x38;
	[tilespmem:$0x10680] =	vst v63  }
0x349: {  	_ =	swait.ge [sflag:s31], $0x8000  }
0x34a: {  	[sflag:s31] =	ssyncset.done $0x0  }
0x34b: {  	[sflag:s31] =	ssyncadd.s32 $0xFFFF8000  }
0x34c: {  	_ =	swait.ge [sflag:s31], $0x8000  }
0x34d: {  	[sflag:s31] =	ssyncset.done $0x0  }
0x34e: {  	s14 =	simm.s32 $0x800;
	[sflag:s31] =	ssyncadd.s32 $0xFFFF8000  }
0x34f: {  	v4 =	vld [tilespmem:s14+$0x380]  }
0x350: {  	s13 =	simm.s32 $0x8800;
	v7 =	vld [tilespmem:s14+$0x300]  }
0x351: {  	v8 =	vld [tilespmem:s13+$0x300]  }
0x352: {  	v10 =	vld [tilespmem:s14+$0x310]  }
0x353: {  	v11 =	vld [tilespmem:s13+$0x310]  }
0x354: {  	v5 =	vld [tilespmem:s14+$0x280]  }
0x355: {  	v12 =	vld [tilespmem:s14+$0x200]  }
0x356: {  	v13 =	vld [tilespmem:s13+$0x200]  }
0x357: {  	v14 =	vld [tilespmem:s14+$0x210]  }
0x358: {  	v15 =	vld [tilespmem:s13+$0x210]  }
0x359: {  	v16 =	vld [tilespmem:s14+$0x180]  }
0x35a: {  	v17 =	vld [tilespmem:s13+$0x180]  }
0x35b: {  	v18 =	vld [tilespmem:s14+$0x190]  }
0x35c: {  	v19 =	vld [tilespmem:s13+$0x190]  }
0x35d: {  	v6 =	vld [tilespmem:s14+$0x100]  }
0x35e: {  	v20 =	vld [tilespmem:s14+$0x80]  }
0x35f: {  	v21 =	vld [tilespmem:s13+$0x80]  }
0x360: {  	v22 =	vld [tilespmem:s14+$0x90]  }
0x361: {  	v23 =	vld [tilespmem:s13+$0x90]  }
0x362: {  	v24 =	vld [tilespmem:s14+$0x0]  }
0x363: {  	v25 =	vld [tilespmem:s13+$0x0]  }
0x364: {  	v26 =	vld [tilespmem:s14+$0x10]  }
0x365: {  	v27 =	vld [tilespmem:s13+$0x10]  }
0x366: {  	v9 =	vld [tilespmem:s14+$0xFFFFFF80]  }
0x367: {  	v28 =	vld [tilespmem:s14+$0xFFFFFF00]  }
0x368: {  	v29 =	vld [tilespmem:s13+$0xFFFFFF00];
	v7 =	vmul.f32 v8, v7;
	v8 =	vmul.f32 v11, v10  }
0x369: {  	v30 =	vld [tilespmem:s14+$0xFFFFFF10];
	v11 =	vmul.f32 v13, v12  }
0x36a: {  	v59 =	vld [tilespmem:s13+$0xFFFFFD10];
	v7 =	vmul.f32 v7, v2;
	v8 =	vmul.f32 v8, v1  }
0x36b: {  	v10 =	vld [tilespmem:s13+$0xFFFFFF10];
	v12 =	vmul.f32 v15, v14;
	v13 =	vmul.f32 v17, v16  }
0x36c: {  	v14 =	vld [tilespmem:s14+$0xFFFFFE80];
	v16 =	vmul.f32 v19, v18;
	v18 =	vmul.f32 v21, v20;
	v7 =	vadd.f32 v8, v7  }
0x36d: {  	v15 =	vld [tilespmem:s13+$0xFFFFFE80];
	v11 =	vmul.f32 v11, v2;
	v20 =	vmul.f32 v12, v1  }
0x36e: {  	v17 =	vld [tilespmem:s14+$0xFFFFFE90];
	v21 =	vmul.f32 v23, v22;
	(xrf2) =	vadd.scan.msk.f32 $0xffff, v7  }
0x36f: {  	v19 =	vld [tilespmem:s13+$0xFFFFFE90];
	v8 =	vmul.f32 v13, v2;
	v13 =	vmul.f32 v16, v1;
	v11 =	vadd.f32 v20, v11  }
0x370: {  	v22 =	vld [tilespmem:s14+$0xFFFFFD00];
	v18 =	vmul.f32 v18, v2;
	v21 =	vmul.f32 v21, v1  }
0x371: {  	v23 =	vld [tilespmem:s13+$0xFFFFFD00];
	v7 =	vadd.f32 v13, v8;
	(xrf2) =	vadd.scan.msk.f32 $0xffff, v11  }
0x372: {  	v12 =	vld [tilespmem:s14+$0xFFFFFE00];
	v13 =	vadd.f32 v21, v18;
	v18 =	vmul.f32 v25, v24;
	v21 =	vmul.f32 v27, v26  }
0x373: {  	v8 =	vld [tilespmem:s14+$0xFFFFFD90]  }
0x374: {  	v11 =	vld [tilespmem:s13+$0xFFFFFD90];
	(xrf2) =	vadd.scan.msk.f32 $0xffff, v7;
	v7 =	vmul.f32 v18, v2;
	v18 =	vmul.f32 v21, v1  }
0x375: {  	v58 =	vmul.f32 v29, v28;
	v16 =	vld [tilespmem:s14+$0xFFFFFD80];
	v10 =	vmul.f32 v10, v30;
	(xrf2) =	vadd.scan.msk.f32 $0xffff, v13  }
0x376: {  	v20 =	vld [tilespmem:s13+$0xFFFFFD80];
	v60 =	vmul.f32 v15, v14;
	v17 =	vmul.f32 v19, v17;
	v18 =	vadd.f32 v18, v7  }
0x377: {  	v19 =	vmul.f32 v58, v2;
	v14 =	vld [tilespmem:s14+$0xFFFFFC00];
	v10 =	vmul.f32 v10, v1  }
0x378: {  	v15 =	vld [tilespmem:s14+$0xFFFFFC10];
	v7, _, _ =	vpop (xrf2);
	(xrf2) =	vadd.scan.msk.f32 $0xffff, v18  }
0x379: {  	v21 =	vld [tilespmem:s14+$0xFFFFFD10];
	v10 =	vadd.f32 v10, v19;
	v11 =	vmul.f32 v11, v8  }
0x37a: {  	v61 =	vmul.f32 v60, v2;
	v62 =	vmul.f32 v17, v1;
	v17 =	vld [tilespmem:s13+$0xFFFFFC10]  }
0x37b: {  	v13 =	vld [tilespmem:s13+$0xFFFFFC00];
	v20 =	vmul.f32 v20, v16;
	v11 =	vmul.f32 v11, v1;
	v8, _, _ =	vpop (xrf2);
	(xrf2) =	vadd.scan.msk.f32 $0xffff, v10  }
0x37c: {  	v16 =	vld [tilespmem:s14+$0xFFFFFC80];
	v24 =	vadd.f32 v62, v61  }
0x37d: {  	v19 =	vld [tilespmem:s14+$0xFFFFFC90];
	v63 =	vmul.f32 v20, v2  }
0x37e: {  	v23 =	vmul.f32 v23, v22;
	v20 =	vld [tilespmem:s13+$0xFFFFFC90];
	v22 =	vmul.f32 v59, v21;
	v10, _, _ =	vpop (xrf2);
	(xrf2) =	vadd.scan.msk.f32 $0xffff, v24  }
0x37f: {  	s15 =	simm.s32 $0x0;
	s16 =	simm.s32 $0x10;
	v18 =	vld [tilespmem:s13+$0xFFFFFC80];
	v21 =	vadd.f32 v11, v63;
	v11, _, _ =	vpop (xrf2)  }
.LBB2_8:
0x380: {  	p0 =	sne.s32 s16, $0xF0;
	v23 =	vmul.f32 v23, v2;
	v25 =	vmul.f32 v22, v1;
	v24 =	vld [tilespmem:s13+$0xFFFFFE00]  }
0x381: {  	v13 =	vmul.f32 v13, v14;
	v14 =	vmul.f32 v17, v15;
	v15 =	vld [tilespmem:s14+$0xFFFFFE10];
	(xrf2) =	vadd.scan.msk.f32 $0xffff, v21  }
0x382: {  	v25 =	vadd.f32 v25, v23;
	v21 =	vld [tilespmem:s13+$0xFFFFFE10];
	v22, _, _ =	vpop (xrf2)  }
0x383: {  	v13 =	vmul.f32 v13, v2;
	v14 =	vmul.f32 v14, v1;
	v23 =	vld [tilespmem:s13+$0xFFFFFF80]  }
0x384: {  	v16 =	vmul.f32 v18, v16;
	v18 =	vmul.f32 v20, v19;
	v19 =	vld [tilespmem:s14+$0xFFFFFF90];
	(xrf2) =	vadd.scan.msk.f32 $0xffff, v25  }
0x385: {  	v13 =	vadd.f32 v14, v13;
	v14 =	vld [tilespmem:s13+$0xFFFFFF90];
	v17, _, _ =	vpop (xrf2)  }
0x386: {  	v16 =	vmul.f32 v16, v2;
	v25 =	vmul.f32 v18, v1;
	v20 =	vld [tilespmem:s13+$0x100]  }
0x387: {  	v12 =	vmul.f32 v24, v12;
	v15 =	vmul.f32 v21, v15;
	v21 =	vld [tilespmem:s14+$0x110];
	(xrf2) =	vadd.scan.msk.f32 $0xffff, v13  }
0x388: {  	v13 =	vadd.f32 v25, v16;
	v16 =	vld [tilespmem:s13+$0x110];
	v18, _, _ =	vpop (xrf2)  }
0x389: {  	v12 =	vmul.f32 v12, v2;
	v25 =	vmul.f32 v15, v1;
	v24 =	vld [tilespmem:s13+$0x280]  }
0x38a: {  	v9 =	vmul.f32 v23, v9;
	v14 =	vmul.f32 v14, v19;
	v19 =	vld [tilespmem:s14+$0x290];
	(xrf2) =	vadd.scan.msk.f32 $0xffff, v13  }
0x38b: {  	v12 =	vadd.f32 v25, v12;
	v13 =	vld [tilespmem:s13+$0x290];
	v15, _, _ =	vpop (xrf2)  }
0x38c: {  	v9 =	vmul.f32 v9, v2;
	v25 =	vmul.f32 v14, v1;
	v23 =	vld [tilespmem:s13+$0x380]  }
0x38d: {  	v6 =	vmul.f32 v20, v6;
	v16 =	vmul.f32 v16, v21;
	(xrf2) =	vadd.scan.msk.f32 $0xffff, v12  }
0x38e: {  	v21 =	vadd.f32 v25, v9;
	v12 =	vld [tilespmem:s14+$0x390];
	v14, _, _ =	vpop (xrf2)  }
0x38f: {  	v6 =	vmul.f32 v6, v2;
	v16 =	vmul.f32 v16, v1;
	v20 =	vld [tilespmem:s13+$0x390]  }
0x390: {  	v5 =	vmul.f32 v24, v5;
	v13 =	vmul.f32 v13, v19;
	(xrf2) =	vadd.scan.msk.f32 $0xffff, v21  }
0x391: {  	v6 =	vadd.f32 v16, v6;
	v4 =	vmul.f32 v23, v4;
	v9, _, _ =	vpop (xrf2)  }
0x392: {  	v5 =	vmul.f32 v5, v2;
	v13 =	vmul.f32 v13, v1  }
0x393: {  	(xrf2) =	vadd.scan.msk.f32 $0xffff, v6  }
0x394: {  	v4 =	vmul.f32 v4, v2;
	v5 =	vadd.f32 v13, v5;
	v6 =	vmul.f32 v20, v12;
	v12, _, _ =	vpop (xrf2)  }
0x395: {  	v9 =	vbroadcast v9, $0xF;
	v16 =	vbroadcast v12, $0xF  }
0x396: {  	v13 =	vbroadcast v14, $0xF;
	v6 =	vmul.f32 v6, v1;
	(xrf2) =	vadd.scan.msk.f32 $0xffff, v5  }
0x397: {  	v5 =	vsel vm0, v9, v16;
	v9 =	vbroadcast v15, $0xF;
	v12, _, _ =	vpop (xrf2)  }
0x398: {  	v5 =	vsel vm1, v5, v13;
	v13 =	vbroadcast v12, $0xF;
	v4 =	vadd.f32 v6, v4  }
0x399: {  	v6 =	vbroadcast v18, $0xF;
	v5 =	vsel vm2, v5, v9  }
0x39a: {  	v5 =	vsel vm3, v5, v13;
	v13 =	vbroadcast v17, $0xF;
	v12, _, _ =	vpop (xrf2);
	(xrf2) =	vadd.scan.msk.f32 $0xffff, v4  }
0x39b: {  	v4 =	vsel vm4, v5, v6;
	v5 =	vbroadcast v12, $0xF  }
0x39c: {  	v6 =	vbroadcast v22, $0xF;
	v4 =	vsel vm5, v4, v13  }
0x39d: {  	v4 =	vsel vm6, v4, v5;
	v5 =	vbroadcast v11, $0xF;
	v9, _, _ =	vpop (xrf2)  }
0x39e: {  	v4 =	vsel vm7, v4, v6;
	v6 =	vbroadcast v9, $0xF  }
0x39f: {  	v4 =	vsel vm8, v4, v5;
	v5 =	vbroadcast v10, $0xF  }
0x3a0: {  	v4 =	vsel vm9, v4, v6;
	v6 =	vbroadcast v8, $0xF;
	v8, _, _ =	vpop (xrf2)  }
0x3a1: {  	v4 =	vsel vm10, v4, v5;
	v8 =	vbroadcast v8, $0xF  }
0x3a2: {  	v4 =	vsel vm11, v4, v6;
	v6 =	vbroadcast v7, $0xF  }
0x3a3: {  	v4 =	vsel vm12, v4, v8  }
0x3a4: {  	v4 =	vsel vm13, v4, v6;
	v5, _, _ =	vpop (xrf2)  }
0x3a5: {  	v4 =	vsel vm14, v4, v5  }
0x3a6: {  	v4 =	vadd.f32 v4, v3;
	_ =	sdelay $0x1  }
0x3a7: {  	s0 =	sand.u32 $0xF0, s15;
	s15 =	smov.u32 s16;
	v4 =	vmax.f32 v4, $0.0e+00  }
0x3a8: {  	s14 =	sadd.s32 $0x800, s14;
	[tilespmem:s0+$0x10500] =	vst v4  }
0x3a9: {  	v4 =	vld [tilespmem:s14+$0x380]  }
0x3aa: {  	s13 =	sadd.s32 $0x800, s13;
	v7 =	vld [tilespmem:s14+$0x300]  }
0x3ab: {  	v8 =	vld [tilespmem:s13+$0x300]  }
0x3ac: {  	v10 =	vld [tilespmem:s14+$0x310]  }
0x3ad: {  	v11 =	vld [tilespmem:s13+$0x310]  }
0x3ae: {  	v5 =	vld [tilespmem:s14+$0x280]  }
0x3af: {  	v12 =	vld [tilespmem:s14+$0x200]  }
0x3b0: {  	v13 =	vld [tilespmem:s13+$0x200]  }
0x3b1: {  	v14 =	vld [tilespmem:s14+$0x210]  }
0x3b2: {  	v15 =	vld [tilespmem:s13+$0x210]  }
0x3b3: {  	v16 =	vld [tilespmem:s14+$0x180]  }
0x3b4: {  	v17 =	vld [tilespmem:s13+$0x180]  }
0x3b5: {  	v18 =	vld [tilespmem:s14+$0x190]  }
0x3b6: {  	v19 =	vld [tilespmem:s13+$0x190]  }
0x3b7: {  	v6 =	vld [tilespmem:s14+$0x100]  }
0x3b8: {  	v20 =	vld [tilespmem:s14+$0x80]  }
0x3b9: {  	v21 =	vld [tilespmem:s13+$0x80]  }
0x3ba: {  	v22 =	vld [tilespmem:s14+$0x90]  }
0x3bb: {  	v23 =	vld [tilespmem:s13+$0x90]  }
0x3bc: {  	v24 =	vld [tilespmem:s14+$0x0]  }
0x3bd: {  	v25 =	vld [tilespmem:s13+$0x0]  }
0x3be: {  	v26 =	vld [tilespmem:s14+$0x10]  }
0x3bf: {  	v27 =	vld [tilespmem:s13+$0x10]  }
0x3c0: {  	v7 =	vmul.f32 v8, v7;
	v8 =	vmul.f32 v11, v10;
	v9 =	vld [tilespmem:s14+$0xFFFFFF80]  }
0x3c1: {  	v10 =	vld [tilespmem:s14+$0xFFFFFF00]  }
0x3c2: {  	v7 =	vmul.f32 v7, v2;
	v8 =	vmul.f32 v8, v1;
	v11 =	vld [tilespmem:s13+$0xFFFFFF00]  }
0x3c3: {  	v12 =	vmul.f32 v13, v12;
	v13 =	vmul.f32 v15, v14;
	v28 =	vld [tilespmem:s14+$0xFFFFFF10]  }
0x3c4: {  	v7 =	vadd.f32 v8, v7;
	v14 =	vld [tilespmem:s13+$0xFFFFFF10]  }
0x3c5: {  	v12 =	vmul.f32 v12, v2;
	v13 =	vmul.f32 v13, v1;
	v8 =	vld [tilespmem:s14+$0xFFFFFE80]  }
0x3c6: {  	v16 =	vmul.f32 v17, v16;
	v17 =	vmul.f32 v19, v18;
	v15 =	vld [tilespmem:s13+$0xFFFFFE80];
	(xrf2) =	vadd.scan.msk.f32 $0xffff, v7  }
0x3c7: {  	v7 =	vadd.f32 v13, v12;
	v18 =	vld [tilespmem:s14+$0xFFFFFE90]  }
0x3c8: {  	v13 =	vmul.f32 v16, v2;
	v16 =	vmul.f32 v17, v1;
	v19 =	vld [tilespmem:s13+$0xFFFFFE90]  }
0x3c9: {  	v17 =	vmul.f32 v21, v20;
	v20 =	vmul.f32 v23, v22;
	v12 =	vld [tilespmem:s14+$0xFFFFFE00];
	(xrf2) =	vadd.scan.msk.f32 $0xffff, v7  }
0x3ca: {  	v7 =	vadd.f32 v16, v13;
	v21 =	vld [tilespmem:s14+$0xFFFFFD80]  }
0x3cb: {  	v13 =	vmul.f32 v17, v2;
	v17 =	vmul.f32 v20, v1;
	v16 =	vld [tilespmem:s13+$0xFFFFFD80]  }
0x3cc: {  	v22 =	vmul.f32 v25, v24;
	v23 =	vmul.f32 v27, v26;
	v20 =	vld [tilespmem:s14+$0xFFFFFD90];
	(xrf2) =	vadd.scan.msk.f32 $0xffff, v7  }
0x3cd: {  	v27 =	vadd.f32 v17, v13;
	v24 =	vld [tilespmem:s13+$0xFFFFFD90]  }
0x3ce: {  	v13 =	vmul.f32 v22, v2;
	v17 =	vmul.f32 v23, v1;
	v25 =	vld [tilespmem:s14+$0xFFFFFD00]  }
0x3cf: {  	v10 =	vmul.f32 v11, v10;
	v11 =	vmul.f32 v14, v28;
	v22 =	vld [tilespmem:s13+$0xFFFFFD00];
	(xrf2) =	vadd.scan.msk.f32 $0xffff, v27  }
0x3d0: {  	v14 =	vadd.f32 v17, v13;
	v26 =	vld [tilespmem:s14+$0xFFFFFD10];
	v7, _, _ =	vpop (xrf2)  }
0x3d1: {  	v10 =	vmul.f32 v10, v2;
	v11 =	vmul.f32 v11, v1;
	v27 =	vld [tilespmem:s13+$0xFFFFFD10]  }
0x3d2: {  	v17 =	vmul.f32 v15, v8;
	v18 =	vmul.f32 v19, v18;
	v13 =	vld [tilespmem:s13+$0xFFFFFC00];
	(xrf2) =	vadd.scan.msk.f32 $0xffff, v14  }
0x3d3: {  	v23 =	vadd.f32 v11, v10;
	v14 =	vld [tilespmem:s14+$0xFFFFFC00];
	v8, _, _ =	vpop (xrf2)  }
0x3d4: {  	v11 =	vmul.f32 v17, v2;
	v18 =	vmul.f32 v18, v1;
	v15 =	vld [tilespmem:s14+$0xFFFFFC10]  }
.Ltmp3:
0x3d5: {  	v19 =	vmul.f32 v16, v21;
	v20 =	vmul.f32 v24, v20;
	v17 =	vld [tilespmem:s13+$0xFFFFFC10];
	(xrf2) =	vadd.scan.msk.f32 $0xffff, v23;
	(pc) =	sbr.rel @p0 .LBB2_8-.Ltmp3, $4  }
0x3d6: {  	v28 =	vadd.f32 v18, v11;
	v16 =	vld [tilespmem:s14+$0xFFFFFC80];
	v10, _, _ =	vpop (xrf2)  }
0x3d7: {  	v21 =	vmul.f32 v19, v2;
	v24 =	vmul.f32 v20, v1;
	v18 =	vld [tilespmem:s13+$0xFFFFFC80]  }
0x3d8: {  	v23 =	vmul.f32 v22, v25;
	v22 =	vmul.f32 v27, v26;
	v19 =	vld [tilespmem:s14+$0xFFFFFC90];
	(xrf2) =	vadd.scan.msk.f32 $0xffff, v28  }
0x3d9: {  	s16 =	sadd.s32 $0x10, s16;
	v21 =	vadd.f32 v24, v21;
	v20 =	vld [tilespmem:s13+$0xFFFFFC90];
	v11, _, _ =	vpop (xrf2)  }
0x3da: {  	v24 =	vld [tilespmem:s13+$0xFFFFFE00]  }
0x3db: {  	v25 =	vld [tilespmem:s14+$0xFFFFFE10]  }
0x3dc: {  	v23 =	vmul.f32 v23, v2;
	v13 =	vmul.f32 v13, v14;
	v26 =	vld [tilespmem:s13+$0xFFFFFE10]  }
0x3dd: {  	v22 =	vmul.f32 v22, v1;
	v15 =	vmul.f32 v17, v15;
	v27 =	vld [tilespmem:s13+$0xFFFFFF80]  }
0x3de: {  	v29 =	vld [tilespmem:s14+$0xFFFFFF90];
	v16 =	vmul.f32 v18, v16;
	v28 =	vmul.f32 v20, v19  }
0x3df: {  	v30 =	vld [tilespmem:s13+$0xFFFFFF90];
	v13 =	vmul.f32 v13, v2;
	v15 =	vmul.f32 v15, v1  }
0x3e0: {  	v31 =	vld [tilespmem:s13+$0x100];
	v22 =	vadd.f32 v22, v23;
	v16 =	vmul.f32 v16, v2;
	v18 =	vmul.f32 v28, v1  }
0x3e1: {  	v32 =	vld [tilespmem:s14+$0x110];
	(xrf2) =	vadd.scan.msk.f32 $0xffff, v21;
	v13 =	vadd.f32 v15, v13;
	v12 =	vmul.f32 v24, v12;
	v14 =	vmul.f32 v26, v25  }
0x3e2: {  	v33 =	vld [tilespmem:s13+$0x110];
	(xrf2) =	vadd.scan.msk.f32 $0xffff, v22;
	v16 =	vadd.f32 v18, v16  }
0x3e3: {  	v35 =	vld [tilespmem:s13+$0x280];
	(xrf2) =	vadd.scan.msk.f32 $0xffff, v13;
	v12 =	vmul.f32 v12, v2;
	v34 =	vmul.f32 v14, v1  }
0x3e4: {  	v37 =	vld [tilespmem:s14+$0x290];
	v9 =	vmul.f32 v27, v9;
	v36 =	vmul.f32 v30, v29;
	(xrf2) =	vadd.scan.msk.f32 $0xffff, v16  }
0x3e5: {  	v38 =	vld [tilespmem:s13+$0x290];
	v12 =	vadd.f32 v34, v12  }
0x3e6: {  	v9 =	vmul.f32 v9, v2;
	v39 =	vmul.f32 v36, v1  }
0x3e7: {  	v40 =	vld [tilespmem:s13+$0x380];
	v6 =	vmul.f32 v31, v6;
	v15 =	vmul.f32 v33, v32;
	(xrf2) =	vadd.scan.msk.f32 $0xffff, v12  }
0x3e8: {  	v42 =	vld [tilespmem:s14+$0x390];
	v41, _, _ =	vpop (xrf2);
	v9 =	vadd.f32 v39, v9  }
0x3e9: {  	v44 =	vld [tilespmem:s13+$0x390];
	v43, _, _ =	vpop (xrf2);
	v6 =	vmul.f32 v6, v2;
	v15 =	vmul.f32 v15, v1  }
0x3ea: {  	v5 =	vmul.f32 v35, v5;
	v13 =	vmul.f32 v38, v37;
	v45, _, _ =	vpop (xrf2);
	(xrf2) =	vadd.scan.msk.f32 $0xffff, v9  }
0x3eb: {  	v6 =	vadd.f32 v15, v6;
	v46, _, _ =	vpop (xrf2)  }
0x3ec: {  	v5 =	vmul.f32 v5, v2;
	v13 =	vmul.f32 v13, v1;
	v47, _, _ =	vpop (xrf2)  }
0x3ed: {  	(xrf2) =	vadd.scan.msk.f32 $0xffff, v6;
	v48, _, _ =	vpop (xrf2)  }
0x3ee: {  	v4 =	vmul.f32 v40, v4;
	v49 =	vmul.f32 v44, v42;
	v5 =	vadd.f32 v13, v5;
	v50, _, _ =	vpop (xrf2)  }
0x3ef: {  	v51 =	vbroadcast v48, $0xF;
	v6 =	vbroadcast v50, $0xF  }
0x3f0: {  	v2 =	vmul.f32 v4, v2;
	(xrf2) =	vadd.scan.msk.f32 $0xffff, v5;
	v14 =	vbroadcast v47, $0xF  }
0x3f1: {  	v1 =	vmul.f32 v49, v1;
	v53 =	vbroadcast v46, $0xF;
	v54, _, _ =	vpop (xrf2);
	v52 =	vsel vm0, v51, v6  }
0x3f2: {  	v6 =	vbroadcast v54, $0xF;
	v4 =	vsel vm1, v52, v14  }
0x3f3: {  	v55 =	vbroadcast v45, $0xF;
	v1 =	vadd.f32 v1, v2;
	v2 =	vsel vm2, v4, v53  }
0x3f4: {  	v56 =	vbroadcast v43, $0xF;
	v57, _, _ =	vpop (xrf2);
	v2 =	vsel vm3, v2, v6  }
0x3f5: {  	(xrf2) =	vadd.scan.msk.f32 $0xffff, v1;
	v1 =	vsel vm4, v2, v55;
	v2 =	vbroadcast v57, $0xF  }
0x3f6: {  	v58 =	vbroadcast v41, $0xF;
	v1 =	vsel vm5, v1, v56  }
0x3f7: {  	v59, _, _ =	vpop (xrf2);
	v1 =	vsel vm6, v1, v2;
	v2 =	vbroadcast v11, $0xF  }
0x3f8: {  	v60 =	vbroadcast v59, $0xF;
	v1 =	vsel vm7, v1, v58  }
0x3f9: {  	v1 =	vsel vm8, v1, v2;
	v2 =	vbroadcast v10, $0xF  }
0x3fa: {  	v62, _, _ =	vpop (xrf2);
	v1 =	vsel vm9, v1, v60  }
0x3fb: {  	v61 =	vbroadcast v8, $0xF;
	v1 =	vsel vm10, v1, v2;
	v2 =	vbroadcast v62, $0xF;
	_ =	sdelay $0x1  }
0x3fc: {  	v63 =	vbroadcast v7, $0xF;
	v1 =	vsel vm11, v1, v61  }
0x3fd: {  	v1 =	vsel vm12, v1, v2  }
0x3fe: {  	v1 =	vsel vm13, v1, v63;
	v2, _, _ =	vpop (xrf2)  }
0x3ff: {  	v1 =	vsel vm14, v1, v2  }
0x400: {  	v1 =	vadd.f32 v1, v3;
	_ =	sdelay $0x1  }
0x401: {  	s0 =	sand.u32 $0xF0, s15;
	v1 =	vmax.f32 v1, $0.0e+00  }
0x402: {  	s29 =	rddreg [dreg:$0x15];
	s1 =	simm.s32 $0x10400;
	[tilespmem:s0+$0x10500] =	vst v1  }
0x403: {  	[hbm4b:s29+s30] =	stream.linear.scatter [tilespmem:s1], [sflag:$0x2], $0x200, $0x38;
	[tilespmem:$0x10680] =	vst v63  }
0x404: {  	s1 =	simm.s32 $0x2  }
0x405: {  	_ =	swait.ge [sflag:s1], $0x200  }
0x406: {  	s2 =	rddreg [dreg:$0x17]  }
0x407: {  	s31 =	rddreg [dreg:$0x16];
	s2 =	sadd.s32 $0x1, s2  }
0x408: {  	p0 =	sne.s32 s2, s31  }
.Ltmp4:
0x409: {  	_ = 	snop;
	(pc) =	sbr.rel @p0 .LBB2_1-.Ltmp4, $3  }
0x40a: {  	_ =	sdelay $0x1  }
0x40b: {  	[sflag:s1] =	ssyncset.done $0x0  }
0x40c: {  	[sflag:s1] =	ssyncadd.s32 $0xFFFFFE00  }
0x40d: {  	_ =	sfence.sel $0x180000  }
0x40e: {  	[bflag:$0x0] =	sbarrier.arrive $0xFFFF  }
0x40f: {  	_ =	strace $0x90000047  }
0x410: {  	s0 =	stileid.u32;
	[bflag:$0x2] =	sbarrier.arrive $0xFFFF  }
0x411: {  	p0 =	sne.s32 s0, $0x0;
	s0 =	rddreg [dreg:$0x2]  }
0x412: {  	s0 =	sadd.s32 @!p0 $0x100000, s0  }
0x413: {  	[sflag:s0] =	ssyncadd.tile.s32 @!p0 $0x1;
	_ =	shalt  }
.Lfunc_end2:
_tile_overlayer_lowered:
.L_overlay_start_2:
0x414: {  	(tag) =	ssettag $0x2  }
0x415: {  	s0 =	rddreg [dreg:$0x0];
	s2 =	stileid.u32  }
0x416: {  	s1 =	rddreg [dreg:$0x1];
	p0 =	sne.s32 s2, $0x0  }
0x417: {  	s3 =	rddreg [dreg:$0x2];
	[bflag:$0x3] =	sbarrier.arrive $0xFFFF;
	s2 =	simm.s32 @!p0 $0x1C02  }
0x418: {  	[timem:s3], [sflag:s2] =	dma.local @!p0 [hbm:s0], s1  }
0x419: {  	s0 =	simm.s32 @!p0 $0x2  }
0x41a: {  	_ =	swait.ge @!p0 [sflag:s0], s1  }
0x41b: {  	s1 =	ssub.s32 @!p0 $0x0, s1;
	[sflag:s0] =	ssyncset.done @!p0 $0x0  }
0x41c: {  	[sflag:s0] =	ssyncadd.s32 @!p0 s1  }
0x41d: {  	[bflag:$0x3] =	sbarrier.arrive $0xFFFF  }
0x41e: {  	_ =	shalt  }

</sc_bundles>
